<compile_context>
chip_gen: v7x
topology: tpu7x:2x2x1
jax: 0.10.2.dev20260603
libtpu: 0.0.44.dev20260713+nightly
codegen_flags: <defaults>
</compile_context>

<pallas_src>
import functools

import jax
import jax.numpy as jnp
from jax import lax
from jax.experimental import pallas as pl
from jax.experimental.pallas import tpu as pltpu
from jax.experimental.pallas import tpu_sc as plsc

N = 10000
D = 128
E = 320000
NLAYER = 3

NC = 2
NS = 16
NW = NC * NS
PH = 2
PC = 40
CH = PH * PC
ET = CH * 128
EPAD = NW * ET
RT = 632
NP = NS * RT
RTD = 640
NPD = NS * RTD
DUMMY = N

RB = 1000
GRID = N // RB


@functools.cache
def _sc_kernels():
    mesh = plsc.VectorSubcoreMesh(core_axis_name="c", subcore_axis_name="s")

    @functools.partial(
        pl.kernel,
        out_type=jax.ShapeDtypeStruct((NC * NPD,), jnp.float32),
        mesh=mesh,
        scratch_types=[
            pltpu.VMEM((PH, PC, 128), jnp.int32),
            pltpu.VMEM((128,), jnp.float32),
            pltpu.VMEM_SHARED((NPD,), jnp.float32),
            pltpu.SemaphoreType.DMA,
        ],
    )
    def deg_kernel(dst_hbm, zeros1_hbm, deg_out, idx_v, ones_v, shared, sem):
        c = lax.axis_index("c")
        s = lax.axis_index("s")
        w = s * NC + c
        pltpu.sync_copy(dst_hbm.at[w], idx_v)
        for i in range(8):
            ones_v[pl.ds(i * 16, 16)] = jnp.ones((16,), jnp.float32)
        pltpu.sync_copy(zeros1_hbm, shared.at[pl.ds(s * RTD, RTD)])
        plsc.subcore_barrier()

        for p in range(PH):
            def body(j, carry):
                pltpu.sync_copy(ones_v, shared.at[idx_v.at[p, j]], add=True)
                return carry

            lax.fori_loop(0, PC, body, 0)
        plsc.subcore_barrier()
        pltpu.sync_copy(shared.at[pl.ds(s * RTD, RTD)],
                        deg_out.at[pl.ds(c * NPD + s * RTD, RTD)])

    @functools.partial(
        pl.kernel,
        out_type=jax.ShapeDtypeStruct((NC, NP, D), jnp.float32),
        mesh=mesh,
        scratch_types=[
            pltpu.VMEM((PC, 128), jnp.int32),
            pltpu.VMEM((PC, 128), jnp.int32),
            pltpu.VMEM((128, D), jnp.float32),
            pltpu.VMEM((128, D), jnp.float32),
            pltpu.VMEM_SHARED((NP, D), jnp.float32),
            pltpu.SemaphoreType.DMA,
            pltpu.SemaphoreType.DMA,
        ],
    )
    def scatter_kernel(u_hbm, src_hbm, dst_hbm, zeros_hbm, out_hbm,
                       idxs_v, idxd_v, rows0, rows1, shared, sem0, sem1):
        c = lax.axis_index("c")
        s = lax.axis_index("s")
        w = s * NC + c
        pltpu.sync_copy(zeros_hbm, shared.at[pl.ds(s * RT, RT)])
        plsc.subcore_barrier()

        for p in range(PH):
            pltpu.sync_copy(src_hbm.at[w, p], idxs_v)
            pltpu.sync_copy(dst_hbm.at[w, p], idxd_v)
            pltpu.async_copy(u_hbm.at[idxs_v.at[0]], rows0, sem0)

            def pair(jj, carry):
                j = jj * 2
                pltpu.make_async_copy(u_hbm.at[idxs_v.at[j]], rows0, sem0).wait()
                pltpu.async_copy(u_hbm.at[idxs_v.at[j + 1]], rows1, sem1)
                pltpu.sync_copy(rows0, shared.at[idxd_v.at[j]], add=True)
                pltpu.make_async_copy(
                    u_hbm.at[idxs_v.at[j + 1]], rows1, sem1).wait()

                @pl.when(jj < PC // 2 - 1)
                def _():
                    pltpu.async_copy(u_hbm.at[idxs_v.at[j + 2]], rows0, sem0)

                pltpu.sync_copy(rows1, shared.at[idxd_v.at[j + 1]], add=True)
                return carry

            lax.fori_loop(0, PC // 2, pair, 0)

        plsc.subcore_barrier()
        pltpu.sync_copy(shared.at[pl.ds(s * RT, RT)],
                        out_hbm.at[c, pl.ds(s * RT, RT)])

    return deg_kernel, scatter_kernel



def _pre_body(x_ref, deg_ref, w0_ref, dinv_ref, u0_ref):
    degsum = deg_ref[0] + deg_ref[1] + 1.0
    dinv = lax.rsqrt(degsum)
    dinv_ref[...] = dinv
    u0_ref[...] = jnp.dot(dinv * x_ref[...], w0_ref[...],
                          preferred_element_type=jnp.float32)


_pre_call = pl.pallas_call(
    _pre_body,
    grid=(GRID,),
    in_specs=[
        pl.BlockSpec((RB, D), lambda i: (i, 0)),
        pl.BlockSpec((2, RB, 1), lambda i: (0, i, 0)),
        pl.BlockSpec((D, D), lambda i: (0, 0)),
    ],
    out_specs=[
        pl.BlockSpec((RB, 1), lambda i: (i, 0)),
        pl.BlockSpec((RB, D), lambda i: (i, 0)),
    ],
    out_shape=[
        jax.ShapeDtypeStruct((N, 1), jnp.float32),
        jax.ShapeDtypeStruct((N, D), jnp.float32),
    ],
)


def _gelu(h):
    return 0.5 * h * (1.0 + lax.erf(h * 0.7071067811865476))


def _head(ha, wc1_ref, bc1_ref, wc2_ref, bc2_ref, g_ref):
    hid = jnp.maximum(
        jnp.dot(ha, wc1_ref[...], preferred_element_type=jnp.float32)
        + bc1_ref[...], 0.0)
    logits = jnp.dot(hid, wc2_ref[...],
                     preferred_element_type=jnp.float32) + bc2_ref[...]
    s = logits + g_ref[...]
    return (s[:, 1:2] > s[:, 0:1]).astype(jnp.float32)


def _layer0_body(p_ref, u_ref, dinv_ref, b_ref, wc1_ref, bc1_ref, wc2_ref,
                 bc2_ref, g_ref, wn_ref,
                 z_ref, el_ref, cm_ref, un_ref, cnt_ref):
    dinv = dinv_ref[...]
    h = dinv * (p_ref[0] + p_ref[1] + u_ref[...]) + b_ref[...]
    ha = _gelu(h)
    dec = _head(ha, wc1_ref, bc1_ref, wc2_ref, bc2_ref, g_ref)
    z_ref[...] = ha * dec
    el_ref[...] = jnp.where(dec > 0, 0, NLAYER).astype(jnp.int32)
    cm = 1.0 - dec
    cm_ref[...] = cm
    un_ref[...] = jnp.dot(dinv * ha, wn_ref[...],
                          preferred_element_type=jnp.float32)
    blk = jnp.sum(cm).astype(jnp.int32)
    i = pl.program_id(0)

    @pl.when(i == 0)
    def _():
        cnt_ref[0, 0] = blk

    @pl.when(i > 0)
    def _():
        cnt_ref[0, 0] += blk


def _layer1_body(p_ref, u_ref, dinv_ref, b_ref, wc1_ref, bc1_ref, wc2_ref,
                 bc2_ref, g_ref, wn_ref, z_in_ref, el_in_ref, cm_in_ref,
                 z_ref, el_ref, cm_ref, un_ref, cnt_ref):
    dinv = dinv_ref[...]
    h = dinv * (p_ref[0] + p_ref[1] + u_ref[...]) + b_ref[...]
    ha = _gelu(h)
    dec = _head(ha, wc1_ref, bc1_ref, wc2_ref, bc2_ref, g_ref)
    cm_in = cm_in_ref[...]
    newly = dec * cm_in
    z_ref[...] = z_in_ref[...] + ha * newly
    el_ref[...] = jnp.where(newly > 0, 1, el_in_ref[...]).astype(jnp.int32)
    cm = cm_in * (1.0 - dec)
    cm_ref[...] = cm
    un_ref[...] = jnp.dot(dinv * ha, wn_ref[...],
                          preferred_element_type=jnp.float32)
    blk = jnp.sum(cm).astype(jnp.int32)
    i = pl.program_id(0)

    @pl.when(i == 0)
    def _():
        cnt_ref[0, 0] = blk

    @pl.when(i > 0)
    def _():
        cnt_ref[0, 0] += blk


def _layer2_body(p_ref, u_ref, dinv_ref, b_ref, wc1_ref, bc1_ref, wc2_ref,
                 bc2_ref, g_ref, z_in_ref, el_in_ref, cm_in_ref,
                 z_ref, el_ref):
    dinv = dinv_ref[...]
    h = dinv * (p_ref[0] + p_ref[1] + u_ref[...]) + b_ref[...]
    dec = _head(h, wc1_ref, bc1_ref, wc2_ref, bc2_ref, g_ref)
    cm_in = cm_in_ref[...]
    newly = dec * cm_in
    z_ref[...] = z_in_ref[...] + h * cm_in
    el_ref[...] = jnp.where(newly > 0, 2, el_in_ref[...]).astype(jnp.int32)


def _common_specs():
    return [
        pl.BlockSpec((2, RB, D), lambda i: (0, i, 0)),
        pl.BlockSpec((RB, D), lambda i: (i, 0)),
        pl.BlockSpec((RB, 1), lambda i: (i, 0)),
        pl.BlockSpec((1, D), lambda i: (0, 0)),
        pl.BlockSpec((D, 64), lambda i: (0, 0)),
        pl.BlockSpec((1, 64), lambda i: (0, 0)),
        pl.BlockSpec((64, 2), lambda i: (0, 0)),
        pl.BlockSpec((1, 2), lambda i: (0, 0)),
        pl.BlockSpec((RB, 2), lambda i: (i, 0)),
    ]


_state_specs = [
    pl.BlockSpec((RB, D), lambda i: (i, 0)),
    pl.BlockSpec((RB, 1), lambda i: (i, 0)),
    pl.BlockSpec((RB, 1), lambda i: (i, 0)),
]

_wn_spec = [pl.BlockSpec((D, D), lambda i: (0, 0))]

_out_mid_specs = [
    pl.BlockSpec((RB, D), lambda i: (i, 0)),
    pl.BlockSpec((RB, 1), lambda i: (i, 0)),
    pl.BlockSpec((RB, 1), lambda i: (i, 0)),
    pl.BlockSpec((RB, D), lambda i: (i, 0)),
    pl.BlockSpec(memory_space=pltpu.SMEM),
]

_out_mid_shapes = [
    jax.ShapeDtypeStruct((N, D), jnp.float32),
    jax.ShapeDtypeStruct((N, 1), jnp.int32),
    jax.ShapeDtypeStruct((N, 1), jnp.float32),
    jax.ShapeDtypeStruct((N, D), jnp.float32),
    jax.ShapeDtypeStruct((1, 1), jnp.int32),
]

_layer0_call = pl.pallas_call(
    _layer0_body, grid=(GRID,),
    in_specs=_common_specs() + _wn_spec,
    out_specs=_out_mid_specs, out_shape=_out_mid_shapes,
)

_layer1_call = pl.pallas_call(
    _layer1_body, grid=(GRID,),
    in_specs=_common_specs() + _wn_spec + _state_specs,
    out_specs=_out_mid_specs, out_shape=_out_mid_shapes,
)

_layer2_call = pl.pallas_call(
    _layer2_body, grid=(GRID,),
    in_specs=_common_specs() + _state_specs,
    out_specs=[
        pl.BlockSpec((RB, D), lambda i: (i, 0)),
        pl.BlockSpec((RB, 1), lambda i: (i, 0)),
    ],
    out_shape=[
        jax.ShapeDtypeStruct((N, D), jnp.float32),
        jax.ShapeDtypeStruct((N, 1), jnp.int32),
    ],
)



def kernel(x, edge_index, W0, b0, W1, b1, W2, b2, Wc1, bc1, Wc2, bc2, Wt):
    del Wt
    src = edge_index[0]
    dst = edge_index[1]
    pad = EPAD - E
    srcp = jnp.concatenate(
        [src, jnp.zeros((pad,), jnp.int32)]).reshape(NW, PH, PC, 128)
    dstp = jnp.concatenate(
        [dst, jnp.full((pad,), DUMMY, jnp.int32)]).reshape(NW, PH, PC, 128)
    zeros2 = jnp.zeros((RT, D), jnp.float32)
    zeros1 = jnp.zeros((RTD,), jnp.float32)

    gkey = jax.random.key(42)
    g = [jax.random.gumbel(jax.random.fold_in(gkey, li), (N, 2), jnp.float32)
         for li in range(NLAYER)]

    _deg_kernel, _scatter_kernel = _sc_kernels()

    deg = _deg_kernel(dstp, zeros1).reshape(NC, NPD)
    deg3 = deg[:, :N, None]
    dinv, u0 = _pre_call(x, deg3, W0)

    b0r = b0.reshape(1, D)
    b1r = b1.reshape(1, D)
    b2r = b2.reshape(1, D)
    bc1r = bc1.reshape(1, 64)
    bc2r = bc2.reshape(1, 2)

    p0 = _scatter_kernel(u0, srcp, dstp, zeros2)[:, :N, :]
    z1, el1, cm1, u1, cnt0 = _layer0_call(
        p0, u0, dinv, b0r, Wc1, bc1r, Wc2, bc2r, g[0], W1)

    p1 = _scatter_kernel(u1, srcp, dstp, zeros2)[:, :N, :]
    z2, el2, cm2, u2, cnt1 = _layer1_call(
        p1, u1, dinv, b1r, Wc1, bc1r, Wc2, bc2r, g[1], W2, z1, el1, cm1)

    p2 = _scatter_kernel(u2, srcp, dstp, zeros2)[:, :N, :]
    z, el = _layer2_call(
        p2, u2, dinv, b2r, Wc1, bc1r, Wc2, bc2r, g[2], z2, el2, cm2)

    active = jnp.stack([jnp.int32(N), cnt0[0, 0], cnt1[0, 0]])
    return z, el.reshape(N), active

# --- scband reference (transcript-rebuilt; emitter-appended) ---
"""Pipeline reference for scband-gcnnode-adaptive-exit-87608742904007 (READ-ONLY COPY).

The authoritative reference and input builder live on the scoring server;
editing this copy changes nothing except your own understanding.
"""

import jax, jax.numpy as jnp
import numpy as np

N_NODES = 10000
N_EDGES = 320000
D_IN = 128
HIDDEN = 128
NUM_LAYERS = 3
CONF_HIDDEN = 64
TAU0 = 1.0


def _lin_init(key, fan_in, fan_out):
    k1, k2 = jax.random.split(key)
    bound = 1.0 / np.sqrt(fan_in)
    W = jax.random.uniform(k1, (fan_in, fan_out), jnp.float32, -bound, bound)
    b = jax.random.uniform(k2, (fan_out,), jnp.float32, -bound, bound)
    return W, b


def setup_inputs(seed: int = 0) -> dict:
    key = jax.random.key(seed)
    ks = jax.random.split(key, 10)
    x = jax.random.normal(ks[0], (N_NODES, D_IN), dtype=jnp.float32)
    edge_index = jax.random.randint(ks[1], (2, N_EDGES), 0, N_NODES, dtype=jnp.int32)
    W0, b0 = _lin_init(ks[2], D_IN, HIDDEN)
    W1, b1 = _lin_init(ks[3], HIDDEN, HIDDEN)
    W2, b2 = _lin_init(ks[4], HIDDEN, HIDDEN)
    Wc1, bc1 = _lin_init(ks[5], HIDDEN, CONF_HIDDEN)
    Wc2, bc2 = _lin_init(ks[6], CONF_HIDDEN, 2)
    Wt, _ = _lin_init(ks[7], HIDDEN, 1)
    return {"x": x, "edge_index": edge_index, "W0": W0, "b0": b0, "W1": W1, "b1": b1,
            "W2": W2, "b2": b2, "Wc1": Wc1, "bc1": bc1, "Wc2": Wc2, "bc2": bc2, "Wt": Wt}


def reference(x, edge_index, W0, b0, W1, b1, W2, b2, Wc1, bc1, Wc2, bc2, Wt):
    N = x.shape[0]
    src = edge_index[0]
    dst = edge_index[1]
    loop = jnp.arange(N, dtype=src.dtype)
    src_f = jnp.concatenate([src, loop])
    dst_f = jnp.concatenate([dst, loop])
    deg = jnp.zeros((N,), jnp.float32).at[dst_f].add(1.0)
    dinv = jnp.where(deg > 0, deg ** -0.5, 0.0)
    norm = dinv[src_f] * dinv[dst_f]

    convs = [(W0, b0), (W1, b1), (W2, b2)]
    z = jnp.zeros((N, HIDDEN), jnp.float32)
    continue_mask = jnp.ones((N,), bool)
    exit_layers = jnp.full((N,), NUM_LAYERS, jnp.int32)
    active = []
    gkey = jax.random.key(42)
    h = x
    for li, (W, b) in enumerate(convs):
        xw = h @ W
        msg = xw[src_f] * norm[:, None]
        h = jax.ops.segment_sum(msg, dst_f, num_segments=N) + b
        if li < NUM_LAYERS - 1:
            h = jax.nn.gelu(h, approximate=False)
        active.append(continue_mask.sum().astype(jnp.int32))
        logits = jax.nn.relu(h @ Wc1 + bc1) @ Wc2 + bc2
        val = jax.nn.softplus(h @ Wt) + TAU0
        temp = 1.0 / val
        temp = jnp.where(jnp.isinf(temp), 0.0, temp)
        g = jax.random.gumbel(jax.random.fold_in(gkey, li), logits.shape, dtype=logits.dtype)
        y = jax.nn.softmax((logits + g) / temp, axis=-1)
        exit_decision = y[:, 1] > y[:, 0]
        newly = jnp.logical_and(exit_decision, continue_mask)
        z = z + h * newly[:, None].astype(h.dtype)
        exit_layers = jnp.where(newly, jnp.int32(li), exit_layers)
        continue_mask = jnp.logical_and(continue_mask, jnp.logical_not(exit_decision))
    z = z + h * continue_mask[:, None].astype(h.dtype)
    return z, exit_layers, jnp.stack(active)

if __name__ == "__main__":
    import jax
    _d = setup_inputs()
    print(jax.jit(kernel)(*tuple(_d.values())))

</pallas_src>

<mosaic_0001>
#map = affine_map<(d0, d1) -> (0, 0)>
#map1 = affine_map<(d0, d1) -> (0, 0, 0, 0)>
#map2 = affine_map<(d0, d1) -> (0, 0, 0)>
module attributes {stable_mosaic.version = 14 : i64} {
  func.func @scatter_kernel(%arg0: i32, %arg1: i32, %arg2: memref<10000x128xf32, #tpu.memory_space<hbm>>, %arg3: memref<32x2x40x128xi32, #tpu.memory_space<hbm>>, %arg4: memref<32x2x40x128xi32, #tpu.memory_space<hbm>>, %arg5: memref<632x128xf32, #tpu.memory_space<hbm>>, %arg6: memref<2x10112x128xf32, #tpu.memory_space<hbm>>, %arg7: memref<40x128xi32, #tpu.memory_space<vmem>>, %arg8: memref<40x128xi32, #tpu.memory_space<vmem>>, %arg9: memref<128x128xf32, #tpu.memory_space<vmem>>, %arg10: memref<128x128xf32, #tpu.memory_space<vmem>>, %arg11: memref<10112x128xf32, #tpu.memory_space<vmem_shared>>, %arg12: memref<!tpu.dma_semaphore, #tpu.memory_space<semaphore_mem>>, %arg13: memref<!tpu.dma_semaphore, #tpu.memory_space<semaphore_mem>>) attributes {dimension_semantics = [#tpu.dimension_semantics<core_parallel>, #tpu.dimension_semantics<subcore_parallel>], iteration_bounds = array<i64: 2, 16>, scalar_prefetch = 0 : i64, scratch_operands = 7 : i64, tpu.core_type = #tpu.core_type<sc_vector_subcore>, window_params = [{transform_indices = #map}, {transform_indices = #map1}, {transform_indices = #map1}, {transform_indices = #map}, {transform_indices = #map2}]} {
    %mul3A = arith.constant 2 : i32
    %mul3A_0 = arith.muli %arg1, %mul3A : i32
    %add3A = arith.addi %mul3A_0, %arg0 : i32
    %mul3A_1 = arith.constant 632 : i32
    %mul3A_2 = arith.muli %arg1, %mul3A_1 : i32
    "tpu.region"() ({
      %run_scoped3A_35 = tpu.sem_alloc : memref<!tpu.dma_semaphore, #tpu.memory_space<semaphore_mem>>
      %dma_start3A_36 = arith.constant 0 : i32
      %dma_start3A_37 = tpu.memref_slice %arg11[%mul3A_2, %dma_start3A_36] : memref<10112x128xf32, #tpu.memory_space<vmem_shared>> -> memref<632x128xf32, #tpu.memory_space<vmem_shared>>
      tpu.enqueue_dma source(%arg5 : memref<632x128xf32, #tpu.memory_space<hbm>>) target(%dma_start3A_37 : memref<632x128xf32, #tpu.memory_space<vmem_shared>>) target_semaphore(%run_scoped3A_35 : memref<!tpu.dma_semaphore, #tpu.memory_space<semaphore_mem>>)
      %dma_wait3A = arith.constant 0 : i32
      %dma_wait3A_38 = tpu.memref_slice %arg11[%mul3A_2, %dma_wait3A] : memref<10112x128xf32, #tpu.memory_space<vmem_shared>> -> memref<632x128xf32, #tpu.memory_space<vmem_shared>>
      tpu.wait_dma2 semaphore(%run_scoped3A_35 : memref<!tpu.dma_semaphore, #tpu.memory_space<semaphore_mem>>) src(%arg5 : memref<632x128xf32, #tpu.memory_space<hbm>>) dst(%dma_wait3A_38 : memref<632x128xf32, #tpu.memory_space<vmem_shared>>)
      tpu.yield
    }) : () -> ()
    %barrier3A = arith.constant 0 : index
    tpu.barrier barrier_id(%barrier3A)
    %run_scoped3A = arith.constant 0 : i32
    "tpu.region"() ({
      %run_scoped3A_35 = tpu.sem_alloc : memref<!tpu.dma_semaphore, #tpu.memory_space<semaphore_mem>>
      %dma_start3A_36 = arith.constant 0 : i32
      %dma_start3A_37 = arith.constant 0 : i32
      %dma_start3A_38 = tpu.memref_slice %arg3[%add3A, %run_scoped3A, %dma_start3A_36, %dma_start3A_37] : memref<32x2x40x128xi32, #tpu.memory_space<hbm>> -> memref<1x1x40x128xi32, #tpu.memory_space<hbm>>
      %dma_start3A_39 = tpu.memref_squeeze %dma_start3A_38 : memref<1x1x40x128xi32, #tpu.memory_space<hbm>> -> memref<40x128xi32, #tpu.memory_space<hbm>>
      %dma_start3A_40 = arith.constant 0 : i32
      %dma_start3A_41 = arith.constant 0 : i32
      %dma_start3A_42 = tpu.memref_slice %arg3[%add3A, %run_scoped3A, %dma_start3A_40, %dma_start3A_41] : memref<32x2x40x128xi32, #tpu.memory_space<hbm>> -> memref<1x1x40x128xi32, #tpu.memory_space<hbm>>
      %dma_start3A_43 = tpu.memref_squeeze %dma_start3A_42 : memref<1x1x40x128xi32, #tpu.memory_space<hbm>> -> memref<40x128xi32, #tpu.memory_space<hbm>>
      tpu.enqueue_dma source(%dma_start3A_43 : memref<40x128xi32, #tpu.memory_space<hbm>>) target(%arg7 : memref<40x128xi32, #tpu.memory_space<vmem>>) target_semaphore(%run_scoped3A_35 : memref<!tpu.dma_semaphore, #tpu.memory_space<semaphore_mem>>)
      %dma_wait3A = arith.constant 0 : i32
      %dma_wait3A_44 = arith.constant 0 : i32
      %dma_wait3A_45 = tpu.memref_slice %arg3[%add3A, %run_scoped3A, %dma_wait3A, %dma_wait3A_44] : memref<32x2x40x128xi32, #tpu.memory_space<hbm>> -> memref<1x1x40x128xi32, #tpu.memory_space<hbm>>
      %dma_wait3A_46 = tpu.memref_squeeze %dma_wait3A_45 : memref<1x1x40x128xi32, #tpu.memory_space<hbm>> -> memref<40x128xi32, #tpu.memory_space<hbm>>
      %dma_wait3A_47 = arith.constant 0 : i32
      %dma_wait3A_48 = arith.constant 0 : i32
      %dma_wait3A_49 = tpu.memref_slice %arg3[%add3A, %run_scoped3A, %dma_wait3A_47, %dma_wait3A_48] : memref<32x2x40x128xi32, #tpu.memory_space<hbm>> -> memref<1x1x40x128xi32, #tpu.memory_space<hbm>>
      %dma_wait3A_50 = tpu.memref_squeeze %dma_wait3A_49 : memref<1x1x40x128xi32, #tpu.memory_space<hbm>> -> memref<40x128xi32, #tpu.memory_space<hbm>>
      tpu.wait_dma2 semaphore(%run_scoped3A_35 : memref<!tpu.dma_semaphore, #tpu.memory_space<semaphore_mem>>) src(%dma_wait3A_50 : memref<40x128xi32, #tpu.memory_space<hbm>>) dst(%arg7 : memref<40x128xi32, #tpu.memory_space<vmem>>)
      tpu.yield
    }) : () -> ()
    %run_scoped3A_3 = arith.constant 0 : i32
    "tpu.region"() ({
      %run_scoped3A_35 = tpu.sem_alloc : memref<!tpu.dma_semaphore, #tpu.memory_space<semaphore_mem>>
      %dma_start3A_36 = arith.constant 0 : i32
      %dma_start3A_37 = arith.constant 0 : i32
      %dma_start3A_38 = tpu.memref_slice %arg4[%add3A, %run_scoped3A_3, %dma_start3A_36, %dma_start3A_37] : memref<32x2x40x128xi32, #tpu.memory_space<hbm>> -> memref<1x1x40x128xi32, #tpu.memory_space<hbm>>
      %dma_start3A_39 = tpu.memref_squeeze %dma_start3A_38 : memref<1x1x40x128xi32, #tpu.memory_space<hbm>> -> memref<40x128xi32, #tpu.memory_space<hbm>>
      %dma_start3A_40 = arith.constant 0 : i32
      %dma_start3A_41 = arith.constant 0 : i32
      %dma_start3A_42 = tpu.memref_slice %arg4[%add3A, %run_scoped3A_3, %dma_start3A_40, %dma_start3A_41] : memref<32x2x40x128xi32, #tpu.memory_space<hbm>> -> memref<1x1x40x128xi32, #tpu.memory_space<hbm>>
      %dma_start3A_43 = tpu.memref_squeeze %dma_start3A_42 : memref<1x1x40x128xi32, #tpu.memory_space<hbm>> -> memref<40x128xi32, #tpu.memory_space<hbm>>
      tpu.enqueue_dma source(%dma_start3A_43 : memref<40x128xi32, #tpu.memory_space<hbm>>) target(%arg8 : memref<40x128xi32, #tpu.memory_space<vmem>>) target_semaphore(%run_scoped3A_35 : memref<!tpu.dma_semaphore, #tpu.memory_space<semaphore_mem>>)
      %dma_wait3A = arith.constant 0 : i32
      %dma_wait3A_44 = arith.constant 0 : i32
      %dma_wait3A_45 = tpu.memref_slice %arg4[%add3A, %run_scoped3A_3, %dma_wait3A, %dma_wait3A_44] : memref<32x2x40x128xi32, #tpu.memory_space<hbm>> -> memref<1x1x40x128xi32, #tpu.memory_space<hbm>>
      %dma_wait3A_46 = tpu.memref_squeeze %dma_wait3A_45 : memref<1x1x40x128xi32, #tpu.memory_space<hbm>> -> memref<40x128xi32, #tpu.memory_space<hbm>>
      %dma_wait3A_47 = arith.constant 0 : i32
      %dma_wait3A_48 = arith.constant 0 : i32
      %dma_wait3A_49 = tpu.memref_slice %arg4[%add3A, %run_scoped3A_3, %dma_wait3A_47, %dma_wait3A_48] : memref<32x2x40x128xi32, #tpu.memory_space<hbm>> -> memref<1x1x40x128xi32, #tpu.memory_space<hbm>>
      %dma_wait3A_50 = tpu.memref_squeeze %dma_wait3A_49 : memref<1x1x40x128xi32, #tpu.memory_space<hbm>> -> memref<40x128xi32, #tpu.memory_space<hbm>>
      tpu.wait_dma2 semaphore(%run_scoped3A_35 : memref<!tpu.dma_semaphore, #tpu.memory_space<semaphore_mem>>) src(%dma_wait3A_50 : memref<40x128xi32, #tpu.memory_space<hbm>>) dst(%arg8 : memref<40x128xi32, #tpu.memory_space<vmem>>)
      tpu.yield
    }) : () -> ()
    %dma_start3A = arith.constant 0 : i32
    %dma_start3A_4 = arith.constant 0 : i32
    %dma_start3A_5 = tpu.memref_slice %arg7[%dma_start3A, %dma_start3A_4] : memref<40x128xi32, #tpu.memory_space<vmem>> -> memref<1x128xi32, #tpu.memory_space<vmem>>
    %dma_start3A_6 = tpu.memref_squeeze %dma_start3A_5 : memref<1x128xi32, #tpu.memory_space<vmem>> -> memref<128xi32, #tpu.memory_space<vmem>>
    %dma_start3A_7 = arith.constant 0 : i32
    %dma_start3A_8 = arith.constant 0 : i32
    %dma_start3A_9 = tpu.memref_slice %arg2[%dma_start3A_7, %dma_start3A_8] : memref<10000x128xf32, #tpu.memory_space<hbm>> -> memref<10000x128xf32, #tpu.memory_space<hbm>>
    tpu.enqueue_indirect_dma source(%dma_start3A_9 : memref<10000x128xf32, #tpu.memory_space<hbm>>) target(%arg9 : memref<128x128xf32, #tpu.memory_space<vmem>>) offsets(%dma_start3A_6 : memref<128xi32, #tpu.memory_space<vmem>>) semaphore(%arg12 : memref<!tpu.dma_semaphore, #tpu.memory_space<semaphore_mem>>)
    %scan3A = arith.constant 0 : i32
    %scan3A_10 = arith.constant 0 : i32
    %scan3A_11 = arith.constant 20 : i32
    %scan3A_12 = arith.addi %scan3A_10, %scan3A_11 : i32
    %scan3A_13 = arith.constant 1 : i32
    scf.for %scan3A_35 = %scan3A_10 to %scan3A_12 step %scan3A_13  : i32 {
      %mul3A_36 = arith.constant 2 : i32
      %mul3A_37 = arith.muli %scan3A_35, %mul3A_36 : i32
      %dma_wait3A = arith.constant 0 : i32
      %dma_wait3A_38 = tpu.memref_slice %arg7[%mul3A_37, %dma_wait3A] : memref<40x128xi32, #tpu.memory_space<vmem>> -> memref<1x128xi32, #tpu.memory_space<vmem>>
      %dma_wait3A_39 = tpu.memref_squeeze %dma_wait3A_38 : memref<1x128xi32, #tpu.memory_space<vmem>> -> memref<128xi32, #tpu.memory_space<vmem>>
      %dma_wait3A_40 = arith.constant 0 : i32
      %dma_wait3A_41 = arith.constant 0 : i32
      %dma_wait3A_42 = tpu.memref_slice %arg2[%dma_wait3A_40, %dma_wait3A_41] : memref<10000x128xf32, #tpu.memory_space<hbm>> -> memref<10000x128xf32, #tpu.memory_space<hbm>>
      tpu.wait_indirect_dma semaphore(%arg12 : memref<!tpu.dma_semaphore, #tpu.memory_space<semaphore_mem>>) src(%dma_wait3A_42 : memref<10000x128xf32, #tpu.memory_space<hbm>>) dst(%arg9 : memref<128x128xf32, #tpu.memory_space<vmem>>)
      %add3A_43 = arith.constant 1 : i32
      %add3A_44 = arith.addi %mul3A_37, %add3A_43 : i32
      %dma_start3A_45 = arith.constant 0 : i32
      %dma_start3A_46 = tpu.memref_slice %arg7[%add3A_44, %dma_start3A_45] : memref<40x128xi32, #tpu.memory_space<vmem>> -> memref<1x128xi32, #tpu.memory_space<vmem>>
      %dma_start3A_47 = tpu.memref_squeeze %dma_start3A_46 : memref<1x128xi32, #tpu.memory_space<vmem>> -> memref<128xi32, #tpu.memory_space<vmem>>
      %dma_start3A_48 = arith.constant 0 : i32
      %dma_start3A_49 = arith.constant 0 : i32
      %dma_start3A_50 = tpu.memref_slice %arg2[%dma_start3A_48, %dma_start3A_49] : memref<10000x128xf32, #tpu.memory_space<hbm>> -> memref<10000x128xf32, #tpu.memory_space<hbm>>
      tpu.enqueue_indirect_dma source(%dma_start3A_50 : memref<10000x128xf32, #tpu.memory_space<hbm>>) target(%arg10 : memref<128x128xf32, #tpu.memory_space<vmem>>) offsets(%dma_start3A_47 : memref<128xi32, #tpu.memory_space<vmem>>) semaphore(%arg13 : memref<!tpu.dma_semaphore, #tpu.memory_space<semaphore_mem>>)
      "tpu.region"() ({
        %run_scoped3A_63 = tpu.sem_alloc : memref<!tpu.dma_semaphore, #tpu.memory_space<semaphore_mem>>
        %dma_start3A_64 = arith.constant 0 : i32
        %dma_start3A_65 = tpu.memref_slice %arg8[%mul3A_37, %dma_start3A_64] : memref<40x128xi32, #tpu.memory_space<vmem>> -> memref<1x128xi32, #tpu.memory_space<vmem>>
        %dma_start3A_66 = tpu.memref_squeeze %dma_start3A_65 : memref<1x128xi32, #tpu.memory_space<vmem>> -> memref<128xi32, #tpu.memory_space<vmem>>
        %dma_start3A_67 = arith.constant 0 : i32
        %dma_start3A_68 = arith.constant 0 : i32
        %dma_start3A_69 = tpu.memref_slice %arg11[%dma_start3A_67, %dma_start3A_68] : memref<10112x128xf32, #tpu.memory_space<vmem_shared>> -> memref<10112x128xf32, #tpu.memory_space<vmem_shared>>
        tpu.enqueue_indirect_dma source(%arg9 : memref<128x128xf32, #tpu.memory_space<vmem>>) target(%dma_start3A_69 : memref<10112x128xf32, #tpu.memory_space<vmem_shared>>) offsets(%dma_start3A_66 : memref<128xi32, #tpu.memory_space<vmem>>) semaphore(%run_scoped3A_63 : memref<!tpu.dma_semaphore, #tpu.memory_space<semaphore_mem>>) {add = true}
        %dma_wait3A_70 = arith.constant 0 : i32
        %dma_wait3A_71 = tpu.memref_slice %arg8[%mul3A_37, %dma_wait3A_70] : memref<40x128xi32, #tpu.memory_space<vmem>> -> memref<1x128xi32, #tpu.memory_space<vmem>>
        %dma_wait3A_72 = tpu.memref_squeeze %dma_wait3A_71 : memref<1x128xi32, #tpu.memory_space<vmem>> -> memref<128xi32, #tpu.memory_space<vmem>>
        %dma_wait3A_73 = arith.constant 0 : i32
        %dma_wait3A_74 = arith.constant 0 : i32
        %dma_wait3A_75 = tpu.memref_slice %arg11[%dma_wait3A_73, %dma_wait3A_74] : memref<10112x128xf32, #tpu.memory_space<vmem_shared>> -> memref<10112x128xf32, #tpu.memory_space<vmem_shared>>
        tpu.wait_indirect_dma semaphore(%run_scoped3A_63 : memref<!tpu.dma_semaphore, #tpu.memory_space<semaphore_mem>>) src(%arg9 : memref<128x128xf32, #tpu.memory_space<vmem>>) dst(%dma_wait3A_75 : memref<10112x128xf32, #tpu.memory_space<vmem_shared>>)
        tpu.yield
      }) : () -> ()
      %add3A_51 = arith.constant 1 : i32
      %add3A_52 = arith.addi %mul3A_37, %add3A_51 : i32
      %dma_wait3A_53 = arith.constant 0 : i32
      %dma_wait3A_54 = tpu.memref_slice %arg7[%add3A_52, %dma_wait3A_53] : memref<40x128xi32, #tpu.memory_space<vmem>> -> memref<1x128xi32, #tpu.memory_space<vmem>>
      %dma_wait3A_55 = tpu.memref_squeeze %dma_wait3A_54 : memref<1x128xi32, #tpu.memory_space<vmem>> -> memref<128xi32, #tpu.memory_space<vmem>>
      %dma_wait3A_56 = arith.constant 0 : i32
      %dma_wait3A_57 = arith.constant 0 : i32
      %dma_wait3A_58 = tpu.memref_slice %arg2[%dma_wait3A_56, %dma_wait3A_57] : memref<10000x128xf32, #tpu.memory_space<hbm>> -> memref<10000x128xf32, #tpu.memory_space<hbm>>
      tpu.wait_indirect_dma semaphore(%arg13 : memref<!tpu.dma_semaphore, #tpu.memory_space<semaphore_mem>>) src(%dma_wait3A_58 : memref<10000x128xf32, #tpu.memory_space<hbm>>) dst(%arg10 : memref<128x128xf32, #tpu.memory_space<vmem>>)
      %lt3A = arith.constant 19 : i32
      %lt3A_59 = arith.cmpi slt, %scan3A_35, %lt3A : i32
      %convert_element_type3A = arith.extui %lt3A_59 : i1 to i32
      %cond3A = arith.constant 0 : i32
      %cond3A_60 = arith.cmpi ne, %convert_element_type3A, %cond3A : i32
      scf.if %cond3A_60 {
        %add3A_63 = arith.constant 2 : i32
        %add3A_64 = arith.addi %mul3A_37, %add3A_63 : i32
        %dma_start3A_65 = arith.constant 0 : i32
        %dma_start3A_66 = tpu.memref_slice %arg7[%add3A_64, %dma_start3A_65] : memref<40x128xi32, #tpu.memory_space<vmem>> -> memref<1x128xi32, #tpu.memory_space<vmem>>
        %dma_start3A_67 = tpu.memref_squeeze %dma_start3A_66 : memref<1x128xi32, #tpu.memory_space<vmem>> -> memref<128xi32, #tpu.memory_space<vmem>>
        %dma_start3A_68 = arith.constant 0 : i32
        %dma_start3A_69 = arith.constant 0 : i32
        %dma_start3A_70 = tpu.memref_slice %arg2[%dma_start3A_68, %dma_start3A_69] : memref<10000x128xf32, #tpu.memory_space<hbm>> -> memref<10000x128xf32, #tpu.memory_space<hbm>>
        tpu.enqueue_indirect_dma source(%dma_start3A_70 : memref<10000x128xf32, #tpu.memory_space<hbm>>) target(%arg9 : memref<128x128xf32, #tpu.memory_space<vmem>>) offsets(%dma_start3A_67 : memref<128xi32, #tpu.memory_space<vmem>>) semaphore(%arg12 : memref<!tpu.dma_semaphore, #tpu.memory_space<semaphore_mem>>)
      } else {
      }
      %add3A_61 = arith.constant 1 : i32
      %add3A_62 = arith.addi %mul3A_37, %add3A_61 : i32
      "tpu.region"() ({
        %run_scoped3A_63 = tpu.sem_alloc : memref<!tpu.dma_semaphore, #tpu.memory_space<semaphore_mem>>
        %dma_start3A_64 = arith.constant 0 : i32
        %dma_start3A_65 = tpu.memref_slice %arg8[%add3A_62, %dma_start3A_64] : memref<40x128xi32, #tpu.memory_space<vmem>> -> memref<1x128xi32, #tpu.memory_space<vmem>>
        %dma_start3A_66 = tpu.memref_squeeze %dma_start3A_65 : memref<1x128xi32, #tpu.memory_space<vmem>> -> memref<128xi32, #tpu.memory_space<vmem>>
        %dma_start3A_67 = arith.constant 0 : i32
        %dma_start3A_68 = arith.constant 0 : i32
        %dma_start3A_69 = tpu.memref_slice %arg11[%dma_start3A_67, %dma_start3A_68] : memref<10112x128xf32, #tpu.memory_space<vmem_shared>> -> memref<10112x128xf32, #tpu.memory_space<vmem_shared>>
        tpu.enqueue_indirect_dma source(%arg10 : memref<128x128xf32, #tpu.memory_space<vmem>>) target(%dma_start3A_69 : memref<10112x128xf32, #tpu.memory_space<vmem_shared>>) offsets(%dma_start3A_66 : memref<128xi32, #tpu.memory_space<vmem>>) semaphore(%run_scoped3A_63 : memref<!tpu.dma_semaphore, #tpu.memory_space<semaphore_mem>>) {add = true}
        %dma_wait3A_70 = arith.constant 0 : i32
        %dma_wait3A_71 = tpu.memref_slice %arg8[%add3A_62, %dma_wait3A_70] : memref<40x128xi32, #tpu.memory_space<vmem>> -> memref<1x128xi32, #tpu.memory_space<vmem>>
        %dma_wait3A_72 = tpu.memref_squeeze %dma_wait3A_71 : memref<1x128xi32, #tpu.memory_space<vmem>> -> memref<128xi32, #tpu.memory_space<vmem>>
        %dma_wait3A_73 = arith.constant 0 : i32
        %dma_wait3A_74 = arith.constant 0 : i32
        %dma_wait3A_75 = tpu.memref_slice %arg11[%dma_wait3A_73, %dma_wait3A_74] : memref<10112x128xf32, #tpu.memory_space<vmem_shared>> -> memref<10112x128xf32, #tpu.memory_space<vmem_shared>>
        tpu.wait_indirect_dma semaphore(%run_scoped3A_63 : memref<!tpu.dma_semaphore, #tpu.memory_space<semaphore_mem>>) src(%arg10 : memref<128x128xf32, #tpu.memory_space<vmem>>) dst(%dma_wait3A_75 : memref<10112x128xf32, #tpu.memory_space<vmem_shared>>)
        tpu.yield
      }) : () -> ()
    }
    %scan3A_14 = arith.constant 20 : i32
    %run_scoped3A_15 = arith.constant 1 : i32
    "tpu.region"() ({
      %run_scoped3A_35 = tpu.sem_alloc : memref<!tpu.dma_semaphore, #tpu.memory_space<semaphore_mem>>
      %dma_start3A_36 = arith.constant 0 : i32
      %dma_start3A_37 = arith.constant 0 : i32
      %dma_start3A_38 = tpu.memref_slice %arg3[%add3A, %run_scoped3A_15, %dma_start3A_36, %dma_start3A_37] : memref<32x2x40x128xi32, #tpu.memory_space<hbm>> -> memref<1x1x40x128xi32, #tpu.memory_space<hbm>>
      %dma_start3A_39 = tpu.memref_squeeze %dma_start3A_38 : memref<1x1x40x128xi32, #tpu.memory_space<hbm>> -> memref<40x128xi32, #tpu.memory_space<hbm>>
      %dma_start3A_40 = arith.constant 0 : i32
      %dma_start3A_41 = arith.constant 0 : i32
      %dma_start3A_42 = tpu.memref_slice %arg3[%add3A, %run_scoped3A_15, %dma_start3A_40, %dma_start3A_41] : memref<32x2x40x128xi32, #tpu.memory_space<hbm>> -> memref<1x1x40x128xi32, #tpu.memory_space<hbm>>
      %dma_start3A_43 = tpu.memref_squeeze %dma_start3A_42 : memref<1x1x40x128xi32, #tpu.memory_space<hbm>> -> memref<40x128xi32, #tpu.memory_space<hbm>>
      tpu.enqueue_dma source(%dma_start3A_43 : memref<40x128xi32, #tpu.memory_space<hbm>>) target(%arg7 : memref<40x128xi32, #tpu.memory_space<vmem>>) target_semaphore(%run_scoped3A_35 : memref<!tpu.dma_semaphore, #tpu.memory_space<semaphore_mem>>)
      %dma_wait3A = arith.constant 0 : i32
      %dma_wait3A_44 = arith.constant 0 : i32
      %dma_wait3A_45 = tpu.memref_slice %arg3[%add3A, %run_scoped3A_15, %dma_wait3A, %dma_wait3A_44] : memref<32x2x40x128xi32, #tpu.memory_space<hbm>> -> memref<1x1x40x128xi32, #tpu.memory_space<hbm>>
      %dma_wait3A_46 = tpu.memref_squeeze %dma_wait3A_45 : memref<1x1x40x128xi32, #tpu.memory_space<hbm>> -> memref<40x128xi32, #tpu.memory_space<hbm>>
      %dma_wait3A_47 = arith.constant 0 : i32
      %dma_wait3A_48 = arith.constant 0 : i32
      %dma_wait3A_49 = tpu.memref_slice %arg3[%add3A, %run_scoped3A_15, %dma_wait3A_47, %dma_wait3A_48] : memref<32x2x40x128xi32, #tpu.memory_space<hbm>> -> memref<1x1x40x128xi32, #tpu.memory_space<hbm>>
      %dma_wait3A_50 = tpu.memref_squeeze %dma_wait3A_49 : memref<1x1x40x128xi32, #tpu.memory_space<hbm>> -> memref<40x128xi32, #tpu.memory_space<hbm>>
      tpu.wait_dma2 semaphore(%run_scoped3A_35 : memref<!tpu.dma_semaphore, #tpu.memory_space<semaphore_mem>>) src(%dma_wait3A_50 : memref<40x128xi32, #tpu.memory_space<hbm>>) dst(%arg7 : memref<40x128xi32, #tpu.memory_space<vmem>>)
      tpu.yield
    }) : () -> ()
    %run_scoped3A_16 = arith.constant 1 : i32
    "tpu.region"() ({
      %run_scoped3A_35 = tpu.sem_alloc : memref<!tpu.dma_semaphore, #tpu.memory_space<semaphore_mem>>
      %dma_start3A_36 = arith.constant 0 : i32
      %dma_start3A_37 = arith.constant 0 : i32
      %dma_start3A_38 = tpu.memref_slice %arg4[%add3A, %run_scoped3A_16, %dma_start3A_36, %dma_start3A_37] : memref<32x2x40x128xi32, #tpu.memory_space<hbm>> -> memref<1x1x40x128xi32, #tpu.memory_space<hbm>>
      %dma_start3A_39 = tpu.memref_squeeze %dma_start3A_38 : memref<1x1x40x128xi32, #tpu.memory_space<hbm>> -> memref<40x128xi32, #tpu.memory_space<hbm>>
      %dma_start3A_40 = arith.constant 0 : i32
      %dma_start3A_41 = arith.constant 0 : i32
      %dma_start3A_42 = tpu.memref_slice %arg4[%add3A, %run_scoped3A_16, %dma_start3A_40, %dma_start3A_41] : memref<32x2x40x128xi32, #tpu.memory_space<hbm>> -> memref<1x1x40x128xi32, #tpu.memory_space<hbm>>
      %dma_start3A_43 = tpu.memref_squeeze %dma_start3A_42 : memref<1x1x40x128xi32, #tpu.memory_space<hbm>> -> memref<40x128xi32, #tpu.memory_space<hbm>>
      tpu.enqueue_dma source(%dma_start3A_43 : memref<40x128xi32, #tpu.memory_space<hbm>>) target(%arg8 : memref<40x128xi32, #tpu.memory_space<vmem>>) target_semaphore(%run_scoped3A_35 : memref<!tpu.dma_semaphore, #tpu.memory_space<semaphore_mem>>)
      %dma_wait3A = arith.constant 0 : i32
      %dma_wait3A_44 = arith.constant 0 : i32
      %dma_wait3A_45 = tpu.memref_slice %arg4[%add3A, %run_scoped3A_16, %dma_wait3A, %dma_wait3A_44] : memref<32x2x40x128xi32, #tpu.memory_space<hbm>> -> memref<1x1x40x128xi32, #tpu.memory_space<hbm>>
      %dma_wait3A_46 = tpu.memref_squeeze %dma_wait3A_45 : memref<1x1x40x128xi32, #tpu.memory_space<hbm>> -> memref<40x128xi32, #tpu.memory_space<hbm>>
      %dma_wait3A_47 = arith.constant 0 : i32
      %dma_wait3A_48 = arith.constant 0 : i32
      %dma_wait3A_49 = tpu.memref_slice %arg4[%add3A, %run_scoped3A_16, %dma_wait3A_47, %dma_wait3A_48] : memref<32x2x40x128xi32, #tpu.memory_space<hbm>> -> memref<1x1x40x128xi32, #tpu.memory_space<hbm>>
      %dma_wait3A_50 = tpu.memref_squeeze %dma_wait3A_49 : memref<1x1x40x128xi32, #tpu.memory_space<hbm>> -> memref<40x128xi32, #tpu.memory_space<hbm>>
      tpu.wait_dma2 semaphore(%run_scoped3A_35 : memref<!tpu.dma_semaphore, #tpu.memory_space<semaphore_mem>>) src(%dma_wait3A_50 : memref<40x128xi32, #tpu.memory_space<hbm>>) dst(%arg8 : memref<40x128xi32, #tpu.memory_space<vmem>>)
      tpu.yield
    }) : () -> ()
    %dma_start3A_17 = arith.constant 0 : i32
    %dma_start3A_18 = arith.constant 0 : i32
    %dma_start3A_19 = tpu.memref_slice %arg7[%dma_start3A_17, %dma_start3A_18] : memref<40x128xi32, #tpu.memory_space<vmem>> -> memref<1x128xi32, #tpu.memory_space<vmem>>
    %dma_start3A_20 = tpu.memref_squeeze %dma_start3A_19 : memref<1x128xi32, #tpu.memory_space<vmem>> -> memref<128xi32, #tpu.memory_space<vmem>>
    %dma_start3A_21 = arith.constant 0 : i32
    %dma_start3A_22 = arith.constant 0 : i32
    %dma_start3A_23 = tpu.memref_slice %arg2[%dma_start3A_21, %dma_start3A_22] : memref<10000x128xf32, #tpu.memory_space<hbm>> -> memref<10000x128xf32, #tpu.memory_space<hbm>>
    tpu.enqueue_indirect_dma source(%dma_start3A_23 : memref<10000x128xf32, #tpu.memory_space<hbm>>) target(%arg9 : memref<128x128xf32, #tpu.memory_space<vmem>>) offsets(%dma_start3A_20 : memref<128xi32, #tpu.memory_space<vmem>>) semaphore(%arg12 : memref<!tpu.dma_semaphore, #tpu.memory_space<semaphore_mem>>)
    %scan3A_24 = arith.constant 0 : i32
    %scan3A_25 = arith.constant 0 : i32
    %scan3A_26 = arith.constant 20 : i32
    %scan3A_27 = arith.addi %scan3A_25, %scan3A_26 : i32
    %scan3A_28 = arith.constant 1 : i32
    scf.for %scan3A_35 = %scan3A_25 to %scan3A_27 step %scan3A_28  : i32 {
      %mul3A_36 = arith.constant 2 : i32
      %mul3A_37 = arith.muli %scan3A_35, %mul3A_36 : i32
      %dma_wait3A = arith.constant 0 : i32
      %dma_wait3A_38 = tpu.memref_slice %arg7[%mul3A_37, %dma_wait3A] : memref<40x128xi32, #tpu.memory_space<vmem>> -> memref<1x128xi32, #tpu.memory_space<vmem>>
      %dma_wait3A_39 = tpu.memref_squeeze %dma_wait3A_38 : memref<1x128xi32, #tpu.memory_space<vmem>> -> memref<128xi32, #tpu.memory_space<vmem>>
      %dma_wait3A_40 = arith.constant 0 : i32
      %dma_wait3A_41 = arith.constant 0 : i32
      %dma_wait3A_42 = tpu.memref_slice %arg2[%dma_wait3A_40, %dma_wait3A_41] : memref<10000x128xf32, #tpu.memory_space<hbm>> -> memref<10000x128xf32, #tpu.memory_space<hbm>>
      tpu.wait_indirect_dma semaphore(%arg12 : memref<!tpu.dma_semaphore, #tpu.memory_space<semaphore_mem>>) src(%dma_wait3A_42 : memref<10000x128xf32, #tpu.memory_space<hbm>>) dst(%arg9 : memref<128x128xf32, #tpu.memory_space<vmem>>)
      %add3A_43 = arith.constant 1 : i32
      %add3A_44 = arith.addi %mul3A_37, %add3A_43 : i32
      %dma_start3A_45 = arith.constant 0 : i32
      %dma_start3A_46 = tpu.memref_slice %arg7[%add3A_44, %dma_start3A_45] : memref<40x128xi32, #tpu.memory_space<vmem>> -> memref<1x128xi32, #tpu.memory_space<vmem>>
      %dma_start3A_47 = tpu.memref_squeeze %dma_start3A_46 : memref<1x128xi32, #tpu.memory_space<vmem>> -> memref<128xi32, #tpu.memory_space<vmem>>
      %dma_start3A_48 = arith.constant 0 : i32
      %dma_start3A_49 = arith.constant 0 : i32
      %dma_start3A_50 = tpu.memref_slice %arg2[%dma_start3A_48, %dma_start3A_49] : memref<10000x128xf32, #tpu.memory_space<hbm>> -> memref<10000x128xf32, #tpu.memory_space<hbm>>
      tpu.enqueue_indirect_dma source(%dma_start3A_50 : memref<10000x128xf32, #tpu.memory_space<hbm>>) target(%arg10 : memref<128x128xf32, #tpu.memory_space<vmem>>) offsets(%dma_start3A_47 : memref<128xi32, #tpu.memory_space<vmem>>) semaphore(%arg13 : memref<!tpu.dma_semaphore, #tpu.memory_space<semaphore_mem>>)
      "tpu.region"() ({
        %run_scoped3A_63 = tpu.sem_alloc : memref<!tpu.dma_semaphore, #tpu.memory_space<semaphore_mem>>
        %dma_start3A_64 = arith.constant 0 : i32
        %dma_start3A_65 = tpu.memref_slice %arg8[%mul3A_37, %dma_start3A_64] : memref<40x128xi32, #tpu.memory_space<vmem>> -> memref<1x128xi32, #tpu.memory_space<vmem>>
        %dma_start3A_66 = tpu.memref_squeeze %dma_start3A_65 : memref<1x128xi32, #tpu.memory_space<vmem>> -> memref<128xi32, #tpu.memory_space<vmem>>
        %dma_start3A_67 = arith.constant 0 : i32
        %dma_start3A_68 = arith.constant 0 : i32
        %dma_start3A_69 = tpu.memref_slice %arg11[%dma_start3A_67, %dma_start3A_68] : memref<10112x128xf32, #tpu.memory_space<vmem_shared>> -> memref<10112x128xf32, #tpu.memory_space<vmem_shared>>
        tpu.enqueue_indirect_dma source(%arg9 : memref<128x128xf32, #tpu.memory_space<vmem>>) target(%dma_start3A_69 : memref<10112x128xf32, #tpu.memory_space<vmem_shared>>) offsets(%dma_start3A_66 : memref<128xi32, #tpu.memory_space<vmem>>) semaphore(%run_scoped3A_63 : memref<!tpu.dma_semaphore, #tpu.memory_space<semaphore_mem>>) {add = true}
        %dma_wait3A_70 = arith.constant 0 : i32
        %dma_wait3A_71 = tpu.memref_slice %arg8[%mul3A_37, %dma_wait3A_70] : memref<40x128xi32, #tpu.memory_space<vmem>> -> memref<1x128xi32, #tpu.memory_space<vmem>>
        %dma_wait3A_72 = tpu.memref_squeeze %dma_wait3A_71 : memref<1x128xi32, #tpu.memory_space<vmem>> -> memref<128xi32, #tpu.memory_space<vmem>>
        %dma_wait3A_73 = arith.constant 0 : i32
        %dma_wait3A_74 = arith.constant 0 : i32
        %dma_wait3A_75 = tpu.memref_slice %arg11[%dma_wait3A_73, %dma_wait3A_74] : memref<10112x128xf32, #tpu.memory_space<vmem_shared>> -> memref<10112x128xf32, #tpu.memory_space<vmem_shared>>
        tpu.wait_indirect_dma semaphore(%run_scoped3A_63 : memref<!tpu.dma_semaphore, #tpu.memory_space<semaphore_mem>>) src(%arg9 : memref<128x128xf32, #tpu.memory_space<vmem>>) dst(%dma_wait3A_75 : memref<10112x128xf32, #tpu.memory_space<vmem_shared>>)
        tpu.yield
      }) : () -> ()
      %add3A_51 = arith.constant 1 : i32
      %add3A_52 = arith.addi %mul3A_37, %add3A_51 : i32
      %dma_wait3A_53 = arith.constant 0 : i32
      %dma_wait3A_54 = tpu.memref_slice %arg7[%add3A_52, %dma_wait3A_53] : memref<40x128xi32, #tpu.memory_space<vmem>> -> memref<1x128xi32, #tpu.memory_space<vmem>>
      %dma_wait3A_55 = tpu.memref_squeeze %dma_wait3A_54 : memref<1x128xi32, #tpu.memory_space<vmem>> -> memref<128xi32, #tpu.memory_space<vmem>>
      %dma_wait3A_56 = arith.constant 0 : i32
      %dma_wait3A_57 = arith.constant 0 : i32
      %dma_wait3A_58 = tpu.memref_slice %arg2[%dma_wait3A_56, %dma_wait3A_57] : memref<10000x128xf32, #tpu.memory_space<hbm>> -> memref<10000x128xf32, #tpu.memory_space<hbm>>
      tpu.wait_indirect_dma semaphore(%arg13 : memref<!tpu.dma_semaphore, #tpu.memory_space<semaphore_mem>>) src(%dma_wait3A_58 : memref<10000x128xf32, #tpu.memory_space<hbm>>) dst(%arg10 : memref<128x128xf32, #tpu.memory_space<vmem>>)
      %lt3A = arith.constant 19 : i32
      %lt3A_59 = arith.cmpi slt, %scan3A_35, %lt3A : i32
      %convert_element_type3A = arith.extui %lt3A_59 : i1 to i32
      %cond3A = arith.constant 0 : i32
      %cond3A_60 = arith.cmpi ne, %convert_element_type3A, %cond3A : i32
      scf.if %cond3A_60 {
        %add3A_63 = arith.constant 2 : i32
        %add3A_64 = arith.addi %mul3A_37, %add3A_63 : i32
        %dma_start3A_65 = arith.constant 0 : i32
        %dma_start3A_66 = tpu.memref_slice %arg7[%add3A_64, %dma_start3A_65] : memref<40x128xi32, #tpu.memory_space<vmem>> -> memref<1x128xi32, #tpu.memory_space<vmem>>
        %dma_start3A_67 = tpu.memref_squeeze %dma_start3A_66 : memref<1x128xi32, #tpu.memory_space<vmem>> -> memref<128xi32, #tpu.memory_space<vmem>>
        %dma_start3A_68 = arith.constant 0 : i32
        %dma_start3A_69 = arith.constant 0 : i32
        %dma_start3A_70 = tpu.memref_slice %arg2[%dma_start3A_68, %dma_start3A_69] : memref<10000x128xf32, #tpu.memory_space<hbm>> -> memref<10000x128xf32, #tpu.memory_space<hbm>>
        tpu.enqueue_indirect_dma source(%dma_start3A_70 : memref<10000x128xf32, #tpu.memory_space<hbm>>) target(%arg9 : memref<128x128xf32, #tpu.memory_space<vmem>>) offsets(%dma_start3A_67 : memref<128xi32, #tpu.memory_space<vmem>>) semaphore(%arg12 : memref<!tpu.dma_semaphore, #tpu.memory_space<semaphore_mem>>)
      } else {
      }
      %add3A_61 = arith.constant 1 : i32
      %add3A_62 = arith.addi %mul3A_37, %add3A_61 : i32
      "tpu.region"() ({
        %run_scoped3A_63 = tpu.sem_alloc : memref<!tpu.dma_semaphore, #tpu.memory_space<semaphore_mem>>
        %dma_start3A_64 = arith.constant 0 : i32
        %dma_start3A_65 = tpu.memref_slice %arg8[%add3A_62, %dma_start3A_64] : memref<40x128xi32, #tpu.memory_space<vmem>> -> memref<1x128xi32, #tpu.memory_space<vmem>>
        %dma_start3A_66 = tpu.memref_squeeze %dma_start3A_65 : memref<1x128xi32, #tpu.memory_space<vmem>> -> memref<128xi32, #tpu.memory_space<vmem>>
        %dma_start3A_67 = arith.constant 0 : i32
        %dma_start3A_68 = arith.constant 0 : i32
        %dma_start3A_69 = tpu.memref_slice %arg11[%dma_start3A_67, %dma_start3A_68] : memref<10112x128xf32, #tpu.memory_space<vmem_shared>> -> memref<10112x128xf32, #tpu.memory_space<vmem_shared>>
        tpu.enqueue_indirect_dma source(%arg10 : memref<128x128xf32, #tpu.memory_space<vmem>>) target(%dma_start3A_69 : memref<10112x128xf32, #tpu.memory_space<vmem_shared>>) offsets(%dma_start3A_66 : memref<128xi32, #tpu.memory_space<vmem>>) semaphore(%run_scoped3A_63 : memref<!tpu.dma_semaphore, #tpu.memory_space<semaphore_mem>>) {add = true}
        %dma_wait3A_70 = arith.constant 0 : i32
        %dma_wait3A_71 = tpu.memref_slice %arg8[%add3A_62, %dma_wait3A_70] : memref<40x128xi32, #tpu.memory_space<vmem>> -> memref<1x128xi32, #tpu.memory_space<vmem>>
        %dma_wait3A_72 = tpu.memref_squeeze %dma_wait3A_71 : memref<1x128xi32, #tpu.memory_space<vmem>> -> memref<128xi32, #tpu.memory_space<vmem>>
        %dma_wait3A_73 = arith.constant 0 : i32
        %dma_wait3A_74 = arith.constant 0 : i32
        %dma_wait3A_75 = tpu.memref_slice %arg11[%dma_wait3A_73, %dma_wait3A_74] : memref<10112x128xf32, #tpu.memory_space<vmem_shared>> -> memref<10112x128xf32, #tpu.memory_space<vmem_shared>>
        tpu.wait_indirect_dma semaphore(%run_scoped3A_63 : memref<!tpu.dma_semaphore, #tpu.memory_space<semaphore_mem>>) src(%arg10 : memref<128x128xf32, #tpu.memory_space<vmem>>) dst(%dma_wait3A_75 : memref<10112x128xf32, #tpu.memory_space<vmem_shared>>)
        tpu.yield
      }) : () -> ()
    }
    %scan3A_29 = arith.constant 20 : i32
    %barrier3A_30 = arith.constant 0 : index
    tpu.barrier barrier_id(%barrier3A_30)
    %mul3A_31 = arith.constant 632 : i32
    %mul3A_32 = arith.muli %arg1, %mul3A_31 : i32
    %mul3A_33 = arith.constant 632 : i32
    %mul3A_34 = arith.muli %arg1, %mul3A_33 : i32
    "tpu.region"() ({
      %run_scoped3A_35 = tpu.sem_alloc : memref<!tpu.dma_semaphore, #tpu.memory_space<semaphore_mem>>
      %dma_start3A_36 = arith.constant 0 : i32
      %dma_start3A_37 = tpu.memref_slice %arg6[%arg0, %mul3A_34, %dma_start3A_36] : memref<2x10112x128xf32, #tpu.memory_space<hbm>> -> memref<1x632x128xf32, #tpu.memory_space<hbm>>
      %dma_start3A_38 = tpu.memref_squeeze %dma_start3A_37 : memref<1x632x128xf32, #tpu.memory_space<hbm>> -> memref<632x128xf32, #tpu.memory_space<hbm>>
      %dma_start3A_39 = arith.constant 0 : i32
      %dma_start3A_40 = tpu.memref_slice %arg11[%mul3A_32, %dma_start3A_39] : memref<10112x128xf32, #tpu.memory_space<vmem_shared>> -> memref<632x128xf32, #tpu.memory_space<vmem_shared>>
      tpu.enqueue_dma source(%dma_start3A_40 : memref<632x128xf32, #tpu.memory_space<vmem_shared>>) target(%dma_start3A_38 : memref<632x128xf32, #tpu.memory_space<hbm>>) target_semaphore(%run_scoped3A_35 : memref<!tpu.dma_semaphore, #tpu.memory_space<semaphore_mem>>)
      %dma_wait3A = arith.constant 0 : i32
      %dma_wait3A_41 = tpu.memref_slice %arg6[%arg0, %mul3A_34, %dma_wait3A] : memref<2x10112x128xf32, #tpu.memory_space<hbm>> -> memref<1x632x128xf32, #tpu.memory_space<hbm>>
      %dma_wait3A_42 = tpu.memref_squeeze %dma_wait3A_41 : memref<1x632x128xf32, #tpu.memory_space<hbm>> -> memref<632x128xf32, #tpu.memory_space<hbm>>
      %dma_wait3A_43 = arith.constant 0 : i32
      %dma_wait3A_44 = tpu.memref_slice %arg11[%mul3A_32, %dma_wait3A_43] : memref<10112x128xf32, #tpu.memory_space<vmem_shared>> -> memref<632x128xf32, #tpu.memory_space<vmem_shared>>
      tpu.wait_dma2 semaphore(%run_scoped3A_35 : memref<!tpu.dma_semaphore, #tpu.memory_space<semaphore_mem>>) src(%dma_wait3A_44 : memref<632x128xf32, #tpu.memory_space<vmem_shared>>) dst(%dma_wait3A_42 : memref<632x128xf32, #tpu.memory_space<hbm>>)
      tpu.yield
    }) : () -> ()
    return
  }
}

#map = affine_map<(d0, d1) -> (0, 0)>
#map1 = affine_map<(d0, d1) -> (0, 0, 0, 0)>
#map2 = affine_map<(d0, d1) -> (0, 0, 0)>
module attributes {stable_mosaic.version = 14 : i64} {
  func.func @scatter_kernel(%arg0: i32, %arg1: i32, %arg2: memref<10000x128xf32, #tpu.memory_space<hbm>>, %arg3: memref<32x2x40x128xi32, #tpu.memory_space<hbm>>, %arg4: memref<32x2x40x128xi32, #tpu.memory_space<hbm>>, %arg5: memref<632x128xf32, #tpu.memory_space<hbm>>, %arg6: memref<2x10112x128xf32, #tpu.memory_space<hbm>>, %arg7: memref<40x128xi32, #tpu.memory_space<vmem>>, %arg8: memref<40x128xi32, #tpu.memory_space<vmem>>, %arg9: memref<128x128xf32, #tpu.memory_space<vmem>>, %arg10: memref<128x128xf32, #tpu.memory_space<vmem>>, %arg11: memref<10112x128xf32, #tpu.memory_space<vmem_shared>>, %arg12: memref<!tpu.dma_semaphore, #tpu.memory_space<semaphore_mem>>, %arg13: memref<!tpu.dma_semaphore, #tpu.memory_space<semaphore_mem>>) attributes {dimension_semantics = [#tpu.dimension_semantics<core_parallel>, #tpu.dimension_semantics<subcore_parallel>], iteration_bounds = array<i64: 2, 16>, scalar_prefetch = 0 : i64, scratch_operands = 7 : i64, tpu.core_type = #tpu.core_type<sc_vector_subcore>, window_params = [{transform_indices = #map}, {transform_indices = #map1}, {transform_indices = #map1}, {transform_indices = #map}, {transform_indices = #map2}]} {
    %mul3A = arith.constant 2 : i32
    %mul3A_0 = arith.muli %arg1, %mul3A : i32
    %add3A = arith.addi %mul3A_0, %arg0 : i32
    %mul3A_1 = arith.constant 632 : i32
    %mul3A_2 = arith.muli %arg1, %mul3A_1 : i32
    "tpu.region"() ({
      %run_scoped3A_35 = tpu.sem_alloc : memref<!tpu.dma_semaphore, #tpu.memory_space<semaphore_mem>>
      %dma_start3A_36 = arith.constant 0 : i32
      %dma_start3A_37 = tpu.memref_slice %arg11[%mul3A_2, %dma_start3A_36] : memref<10112x128xf32, #tpu.memory_space<vmem_shared>> -> memref<632x128xf32, #tpu.memory_space<vmem_shared>>
      tpu.enqueue_dma source(%arg5 : memref<632x128xf32, #tpu.memory_space<hbm>>) target(%dma_start3A_37 : memref<632x128xf32, #tpu.memory_space<vmem_shared>>) target_semaphore(%run_scoped3A_35 : memref<!tpu.dma_semaphore, #tpu.memory_space<semaphore_mem>>)
      %dma_wait3A = arith.constant 0 : i32
      %dma_wait3A_38 = tpu.memref_slice %arg11[%mul3A_2, %dma_wait3A] : memref<10112x128xf32, #tpu.memory_space<vmem_shared>> -> memref<632x128xf32, #tpu.memory_space<vmem_shared>>
      tpu.wait_dma2 semaphore(%run_scoped3A_35 : memref<!tpu.dma_semaphore, #tpu.memory_space<semaphore_mem>>) src(%arg5 : memref<632x128xf32, #tpu.memory_space<hbm>>) dst(%dma_wait3A_38 : memref<632x128xf32, #tpu.memory_space<vmem_shared>>)
      tpu.yield
    }) : () -> ()
    %barrier3A = arith.constant 0 : index
    tpu.barrier barrier_id(%barrier3A)
    %run_scoped3A = arith.constant 0 : i32
    "tpu.region"() ({
      %run_scoped3A_35 = tpu.sem_alloc : memref<!tpu.dma_semaphore, #tpu.memory_space<semaphore_mem>>
      %dma_start3A_36 = arith.constant 0 : i32
      %dma_start3A_37 = arith.constant 0 : i32
      %dma_start3A_38 = tpu.memref_slice %arg3[%add3A, %run_scoped3A, %dma_start3A_36, %dma_start3A_37] : memref<32x2x40x128xi32, #tpu.memory_space<hbm>> -> memref<1x1x40x128xi32, #tpu.memory_space<hbm>>
      %dma_start3A_39 = tpu.memref_squeeze %dma_start3A_38 : memref<1x1x40x128xi32, #tpu.memory_space<hbm>> -> memref<40x128xi32, #tpu.memory_space<hbm>>
      %dma_start3A_40 = arith.constant 0 : i32
      %dma_start3A_41 = arith.constant 0 : i32
      %dma_start3A_42 = tpu.memref_slice %arg3[%add3A, %run_scoped3A, %dma_start3A_40, %dma_start3A_41] : memref<32x2x40x128xi32, #tpu.memory_space<hbm>> -> memref<1x1x40x128xi32, #tpu.memory_space<hbm>>
      %dma_start3A_43 = tpu.memref_squeeze %dma_start3A_42 : memref<1x1x40x128xi32, #tpu.memory_space<hbm>> -> memref<40x128xi32, #tpu.memory_space<hbm>>
      tpu.enqueue_dma source(%dma_start3A_43 : memref<40x128xi32, #tpu.memory_space<hbm>>) target(%arg7 : memref<40x128xi32, #tpu.memory_space<vmem>>) target_semaphore(%run_scoped3A_35 : memref<!tpu.dma_semaphore, #tpu.memory_space<semaphore_mem>>)
      %dma_wait3A = arith.constant 0 : i32
      %dma_wait3A_44 = arith.constant 0 : i32
      %dma_wait3A_45 = tpu.memref_slice %arg3[%add3A, %run_scoped3A, %dma_wait3A, %dma_wait3A_44] : memref<32x2x40x128xi32, #tpu.memory_space<hbm>> -> memref<1x1x40x128xi32, #tpu.memory_space<hbm>>
      %dma_wait3A_46 = tpu.memref_squeeze %dma_wait3A_45 : memref<1x1x40x128xi32, #tpu.memory_space<hbm>> -> memref<40x128xi32, #tpu.memory_space<hbm>>
      %dma_wait3A_47 = arith.constant 0 : i32
      %dma_wait3A_48 = arith.constant 0 : i32
      %dma_wait3A_49 = tpu.memref_slice %arg3[%add3A, %run_scoped3A, %dma_wait3A_47, %dma_wait3A_48] : memref<32x2x40x128xi32, #tpu.memory_space<hbm>> -> memref<1x1x40x128xi32, #tpu.memory_space<hbm>>
      %dma_wait3A_50 = tpu.memref_squeeze %dma_wait3A_49 : memref<1x1x40x128xi32, #tpu.memory_space<hbm>> -> memref<40x128xi32, #tpu.memory_space<hbm>>
      tpu.wait_dma2 semaphore(%run_scoped3A_35 : memref<!tpu.dma_semaphore, #tpu.memory_space<semaphore_mem>>) src(%dma_wait3A_50 : memref<40x128xi32, #tpu.memory_space<hbm>>) dst(%arg7 : memref<40x128xi32, #tpu.memory_space<vmem>>)
      tpu.yield
    }) : () -> ()
    %run_scoped3A_3 = arith.constant 0 : i32
    "tpu.region"() ({
      %run_scoped3A_35 = tpu.sem_alloc : memref<!tpu.dma_semaphore, #tpu.memory_space<semaphore_mem>>
      %dma_start3A_36 = arith.constant 0 : i32
      %dma_start3A_37 = arith.constant 0 : i32
      %dma_start3A_38 = tpu.memref_slice %arg4[%add3A, %run_scoped3A_3, %dma_start3A_36, %dma_start3A_37] : memref<32x2x40x128xi32, #tpu.memory_space<hbm>> -> memref<1x1x40x128xi32, #tpu.memory_space<hbm>>
      %dma_start3A_39 = tpu.memref_squeeze %dma_start3A_38 : memref<1x1x40x128xi32, #tpu.memory_space<hbm>> -> memref<40x128xi32, #tpu.memory_space<hbm>>
      %dma_start3A_40 = arith.constant 0 : i32
      %dma_start3A_41 = arith.constant 0 : i32
      %dma_start3A_42 = tpu.memref_slice %arg4[%add3A, %run_scoped3A_3, %dma_start3A_40, %dma_start3A_41] : memref<32x2x40x128xi32, #tpu.memory_space<hbm>> -> memref<1x1x40x128xi32, #tpu.memory_space<hbm>>
      %dma_start3A_43 = tpu.memref_squeeze %dma_start3A_42 : memref<1x1x40x128xi32, #tpu.memory_space<hbm>> -> memref<40x128xi32, #tpu.memory_space<hbm>>
      tpu.enqueue_dma source(%dma_start3A_43 : memref<40x128xi32, #tpu.memory_space<hbm>>) target(%arg8 : memref<40x128xi32, #tpu.memory_space<vmem>>) target_semaphore(%run_scoped3A_35 : memref<!tpu.dma_semaphore, #tpu.memory_space<semaphore_mem>>)
      %dma_wait3A = arith.constant 0 : i32
      %dma_wait3A_44 = arith.constant 0 : i32
      %dma_wait3A_45 = tpu.memref_slice %arg4[%add3A, %run_scoped3A_3, %dma_wait3A, %dma_wait3A_44] : memref<32x2x40x128xi32, #tpu.memory_space<hbm>> -> memref<1x1x40x128xi32, #tpu.memory_space<hbm>>
      %dma_wait3A_46 = tpu.memref_squeeze %dma_wait3A_45 : memref<1x1x40x128xi32, #tpu.memory_space<hbm>> -> memref<40x128xi32, #tpu.memory_space<hbm>>
      %dma_wait3A_47 = arith.constant 0 : i32
      %dma_wait3A_48 = arith.constant 0 : i32
      %dma_wait3A_49 = tpu.memref_slice %arg4[%add3A, %run_scoped3A_3, %dma_wait3A_47, %dma_wait3A_48] : memref<32x2x40x128xi32, #tpu.memory_space<hbm>> -> memref<1x1x40x128xi32, #tpu.memory_space<hbm>>
      %dma_wait3A_50 = tpu.memref_squeeze %dma_wait3A_49 : memref<1x1x40x128xi32, #tpu.memory_space<hbm>> -> memref<40x128xi32, #tpu.memory_space<hbm>>
      tpu.wait_dma2 semaphore(%run_scoped3A_35 : memref<!tpu.dma_semaphore, #tpu.memory_space<semaphore_mem>>) src(%dma_wait3A_50 : memref<40x128xi32, #tpu.memory_space<hbm>>) dst(%arg8 : memref<40x128xi32, #tpu.memory_space<vmem>>)
      tpu.yield
    }) : () -> ()
    %dma_start3A = arith.constant 0 : i32
    %dma_start3A_4 = arith.constant 0 : i32
    %dma_start3A_5 = tpu.memref_slice %arg7[%dma_start3A, %dma_start3A_4] : memref<40x128xi32, #tpu.memory_space<vmem>> -> memref<1x128xi32, #tpu.memory_space<vmem>>
    %dma_start3A_6 = tpu.memref_squeeze %dma_start3A_5 : memref<1x128xi32, #tpu.memory_space<vmem>> -> memref<128xi32, #tpu.memory_space<vmem>>
    %dma_start3A_7 = arith.constant 0 : i32
    %dma_start3A_8 = arith.constant 0 : i32
    %dma_start3A_9 = tpu.memref_slice %arg2[%dma_start3A_7, %dma_start3A_8] : memref<10000x128xf32, #tpu.memory_space<hbm>> -> memref<10000x128xf32, #tpu.memory_space<hbm>>
    tpu.enqueue_indirect_dma source(%dma_start3A_9 : memref<10000x128xf32, #tpu.memory_space<hbm>>) target(%arg9 : memref<128x128xf32, #tpu.memory_space<vmem>>) offsets(%dma_start3A_6 : memref<128xi32, #tpu.memory_space<vmem>>) semaphore(%arg12 : memref<!tpu.dma_semaphore, #tpu.memory_space<semaphore_mem>>)
    %scan3A = arith.constant 0 : i32
    %scan3A_10 = arith.constant 0 : i32
    %scan3A_11 = arith.constant 20 : i32
    %scan3A_12 = arith.addi %scan3A_10, %scan3A_11 : i32
    %scan3A_13 = arith.constant 1 : i32
    scf.for %scan3A_35 = %scan3A_10 to %scan3A_12 step %scan3A_13  : i32 {
      %mul3A_36 = arith.constant 2 : i32
      %mul3A_37 = arith.muli %scan3A_35, %mul3A_36 : i32
      %dma_wait3A = arith.constant 0 : i32
      %dma_wait3A_38 = tpu.memref_slice %arg7[%mul3A_37, %dma_wait3A] : memref<40x128xi32, #tpu.memory_space<vmem>> -> memref<1x128xi32, #tpu.memory_space<vmem>>
      %dma_wait3A_39 = tpu.memref_squeeze %dma_wait3A_38 : memref<1x128xi32, #tpu.memory_space<vmem>> -> memref<128xi32, #tpu.memory_space<vmem>>
      %dma_wait3A_40 = arith.constant 0 : i32
      %dma_wait3A_41 = arith.constant 0 : i32
      %dma_wait3A_42 = tpu.memref_slice %arg2[%dma_wait3A_40, %dma_wait3A_41] : memref<10000x128xf32, #tpu.memory_space<hbm>> -> memref<10000x128xf32, #tpu.memory_space<hbm>>
      tpu.wait_indirect_dma semaphore(%arg12 : memref<!tpu.dma_semaphore, #tpu.memory_space<semaphore_mem>>) src(%dma_wait3A_42 : memref<10000x128xf32, #tpu.memory_space<hbm>>) dst(%arg9 : memref<128x128xf32, #tpu.memory_space<vmem>>)
      %add3A_43 = arith.constant 1 : i32
      %add3A_44 = arith.addi %mul3A_37, %add3A_43 : i32
      %dma_start3A_45 = arith.constant 0 : i32
      %dma_start3A_46 = tpu.memref_slice %arg7[%add3A_44, %dma_start3A_45] : memref<40x128xi32, #tpu.memory_space<vmem>> -> memref<1x128xi32, #tpu.memory_space<vmem>>
      %dma_start3A_47 = tpu.memref_squeeze %dma_start3A_46 : memref<1x128xi32, #tpu.memory_space<vmem>> -> memref<128xi32, #tpu.memory_space<vmem>>
      %dma_start3A_48 = arith.constant 0 : i32
      %dma_start3A_49 = arith.constant 0 : i32
      %dma_start3A_50 = tpu.memref_slice %arg2[%dma_start3A_48, %dma_start3A_49] : memref<10000x128xf32, #tpu.memory_space<hbm>> -> memref<10000x128xf32, #tpu.memory_space<hbm>>
      tpu.enqueue_indirect_dma source(%dma_start3A_50 : memref<10000x128xf32, #tpu.memory_space<hbm>>) target(%arg10 : memref<128x128xf32, #tpu.memory_space<vmem>>) offsets(%dma_start3A_47 : memref<128xi32, #tpu.memory_space<vmem>>) semaphore(%arg13 : memref<!tpu.dma_semaphore, #tpu.memory_space<semaphore_mem>>)
      "tpu.region"() ({
        %run_scoped3A_63 = tpu.sem_alloc : memref<!tpu.dma_semaphore, #tpu.memory_space<semaphore_mem>>
        %dma_start3A_64 = arith.constant 0 : i32
        %dma_start3A_65 = tpu.memref_slice %arg8[%mul3A_37, %dma_start3A_64] : memref<40x128xi32, #tpu.memory_space<vmem>> -> memref<1x128xi32, #tpu.memory_space<vmem>>
        %dma_start3A_66 = tpu.memref_squeeze %dma_start3A_65 : memref<1x128xi32, #tpu.memory_space<vmem>> -> memref<128xi32, #tpu.memory_space<vmem>>
        %dma_start3A_67 = arith.constant 0 : i32
        %dma_start3A_68 = arith.constant 0 : i32
        %dma_start3A_69 = tpu.memref_slice %arg11[%dma_start3A_67, %dma_start3A_68] : memref<10112x128xf32, #tpu.memory_space<vmem_shared>> -> memref<10112x128xf32, #tpu.memory_space<vmem_shared>>
        tpu.enqueue_indirect_dma source(%arg9 : memref<128x128xf32, #tpu.memory_space<vmem>>) target(%dma_start3A_69 : memref<10112x128xf32, #tpu.memory_space<vmem_shared>>) offsets(%dma_start3A_66 : memref<128xi32, #tpu.memory_space<vmem>>) semaphore(%run_scoped3A_63 : memref<!tpu.dma_semaphore, #tpu.memory_space<semaphore_mem>>) {add = true}
        %dma_wait3A_70 = arith.constant 0 : i32
        %dma_wait3A_71 = tpu.memref_slice %arg8[%mul3A_37, %dma_wait3A_70] : memref<40x128xi32, #tpu.memory_space<vmem>> -> memref<1x128xi32, #tpu.memory_space<vmem>>
        %dma_wait3A_72 = tpu.memref_squeeze %dma_wait3A_71 : memref<1x128xi32, #tpu.memory_space<vmem>> -> memref<128xi32, #tpu.memory_space<vmem>>
        %dma_wait3A_73 = arith.constant 0 : i32
        %dma_wait3A_74 = arith.constant 0 : i32
        %dma_wait3A_75 = tpu.memref_slice %arg11[%dma_wait3A_73, %dma_wait3A_74] : memref<10112x128xf32, #tpu.memory_space<vmem_shared>> -> memref<10112x128xf32, #tpu.memory_space<vmem_shared>>
        tpu.wait_indirect_dma semaphore(%run_scoped3A_63 : memref<!tpu.dma_semaphore, #tpu.memory_space<semaphore_mem>>) src(%arg9 : memref<128x128xf32, #tpu.memory_space<vmem>>) dst(%dma_wait3A_75 : memref<10112x128xf32, #tpu.memory_space<vmem_shared>>)
        tpu.yield
      }) : () -> ()
      %add3A_51 = arith.constant 1 : i32
      %add3A_52 = arith.addi %mul3A_37, %add3A_51 : i32
      %dma_wait3A_53 = arith.constant 0 : i32
      %dma_wait3A_54 = tpu.memref_slice %arg7[%add3A_52, %dma_wait3A_53] : memref<40x128xi32, #tpu.memory_space<vmem>> -> memref<1x128xi32, #tpu.memory_space<vmem>>
      %dma_wait3A_55 = tpu.memref_squeeze %dma_wait3A_54 : memref<1x128xi32, #tpu.memory_space<vmem>> -> memref<128xi32, #tpu.memory_space<vmem>>
      %dma_wait3A_56 = arith.constant 0 : i32
      %dma_wait3A_57 = arith.constant 0 : i32
      %dma_wait3A_58 = tpu.memref_slice %arg2[%dma_wait3A_56, %dma_wait3A_57] : memref<10000x128xf32, #tpu.memory_space<hbm>> -> memref<10000x128xf32, #tpu.memory_space<hbm>>
      tpu.wait_indirect_dma semaphore(%arg13 : memref<!tpu.dma_semaphore, #tpu.memory_space<semaphore_mem>>) src(%dma_wait3A_58 : memref<10000x128xf32, #tpu.memory_space<hbm>>) dst(%arg10 : memref<128x128xf32, #tpu.memory_space<vmem>>)
      %lt3A = arith.constant 19 : i32
      %lt3A_59 = arith.cmpi slt, %scan3A_35, %lt3A : i32
      %convert_element_type3A = arith.extui %lt3A_59 : i1 to i32
      %cond3A = arith.constant 0 : i32
      %cond3A_60 = arith.cmpi ne, %convert_element_type3A, %cond3A : i32
      scf.if %cond3A_60 {
        %add3A_63 = arith.constant 2 : i32
        %add3A_64 = arith.addi %mul3A_37, %add3A_63 : i32
        %dma_start3A_65 = arith.constant 0 : i32
        %dma_start3A_66 = tpu.memref_slice %arg7[%add3A_64, %dma_start3A_65] : memref<40x128xi32, #tpu.memory_space<vmem>> -> memref<1x128xi32, #tpu.memory_space<vmem>>
        %dma_start3A_67 = tpu.memref_squeeze %dma_start3A_66 : memref<1x128xi32, #tpu.memory_space<vmem>> -> memref<128xi32, #tpu.memory_space<vmem>>
        %dma_start3A_68 = arith.constant 0 : i32
        %dma_start3A_69 = arith.constant 0 : i32
        %dma_start3A_70 = tpu.memref_slice %arg2[%dma_start3A_68, %dma_start3A_69] : memref<10000x128xf32, #tpu.memory_space<hbm>> -> memref<10000x128xf32, #tpu.memory_space<hbm>>
        tpu.enqueue_indirect_dma source(%dma_start3A_70 : memref<10000x128xf32, #tpu.memory_space<hbm>>) target(%arg9 : memref<128x128xf32, #tpu.memory_space<vmem>>) offsets(%dma_start3A_67 : memref<128xi32, #tpu.memory_space<vmem>>) semaphore(%arg12 : memref<!tpu.dma_semaphore, #tpu.memory_space<semaphore_mem>>)
      } else {
      }
      %add3A_61 = arith.constant 1 : i32
      %add3A_62 = arith.addi %mul3A_37, %add3A_61 : i32
      "tpu.region"() ({
        %run_scoped3A_63 = tpu.sem_alloc : memref<!tpu.dma_semaphore, #tpu.memory_space<semaphore_mem>>
        %dma_start3A_64 = arith.constant 0 : i32
        %dma_start3A_65 = tpu.memref_slice %arg8[%add3A_62, %dma_start3A_64] : memref<40x128xi32, #tpu.memory_space<vmem>> -> memref<1x128xi32, #tpu.memory_space<vmem>>
        %dma_start3A_66 = tpu.memref_squeeze %dma_start3A_65 : memref<1x128xi32, #tpu.memory_space<vmem>> -> memref<128xi32, #tpu.memory_space<vmem>>
        %dma_start3A_67 = arith.constant 0 : i32
        %dma_start3A_68 = arith.constant 0 : i32
        %dma_start3A_69 = tpu.memref_slice %arg11[%dma_start3A_67, %dma_start3A_68] : memref<10112x128xf32, #tpu.memory_space<vmem_shared>> -> memref<10112x128xf32, #tpu.memory_space<vmem_shared>>
        tpu.enqueue_indirect_dma source(%arg10 : memref<128x128xf32, #tpu.memory_space<vmem>>) target(%dma_start3A_69 : memref<10112x128xf32, #tpu.memory_space<vmem_shared>>) offsets(%dma_start3A_66 : memref<128xi32, #tpu.memory_space<vmem>>) semaphore(%run_scoped3A_63 : memref<!tpu.dma_semaphore, #tpu.memory_space<semaphore_mem>>) {add = true}
        %dma_wait3A_70 = arith.constant 0 : i32
        %dma_wait3A_71 = tpu.memref_slice %arg8[%add3A_62, %dma_wait3A_70] : memref<40x128xi32, #tpu.memory_space<vmem>> -> memref<1x128xi32, #tpu.memory_space<vmem>>
        %dma_wait3A_72 = tpu.memref_squeeze %dma_wait3A_71 : memref<1x128xi32, #tpu.memory_space<vmem>> -> memref<128xi32, #tpu.memory_space<vmem>>
        %dma_wait3A_73 = arith.constant 0 : i32
        %dma_wait3A_74 = arith.constant 0 : i32
        %dma_wait3A_75 = tpu.memref_slice %arg11[%dma_wait3A_73, %dma_wait3A_74] : memref<10112x128xf32, #tpu.memory_space<vmem_shared>> -> memref<10112x128xf32, #tpu.memory_space<vmem_shared>>
        tpu.wait_indirect_dma semaphore(%run_scoped3A_63 : memref<!tpu.dma_semaphore, #tpu.memory_space<semaphore_mem>>) src(%arg10 : memref<128x128xf32, #tpu.memory_space<vmem>>) dst(%dma_wait3A_75 : memref<10112x128xf32, #tpu.memory_space<vmem_shared>>)
        tpu.yield
      }) : () -> ()
    }
    %scan3A_14 = arith.constant 20 : i32
    %run_scoped3A_15 = arith.constant 1 : i32
    "tpu.region"() ({
      %run_scoped3A_35 = tpu.sem_alloc : memref<!tpu.dma_semaphore, #tpu.memory_space<semaphore_mem>>
      %dma_start3A_36 = arith.constant 0 : i32
      %dma_start3A_37 = arith.constant 0 : i32
      %dma_start3A_38 = tpu.memref_slice %arg3[%add3A, %run_scoped3A_15, %dma_start3A_36, %dma_start3A_37] : memref<32x2x40x128xi32, #tpu.memory_space<hbm>> -> memref<1x1x40x128xi32, #tpu.memory_space<hbm>>
      %dma_start3A_39 = tpu.memref_squeeze %dma_start3A_38 : memref<1x1x40x128xi32, #tpu.memory_space<hbm>> -> memref<40x128xi32, #tpu.memory_space<hbm>>
      %dma_start3A_40 = arith.constant 0 : i32
      %dma_start3A_41 = arith.constant 0 : i32
      %dma_start3A_42 = tpu.memref_slice %arg3[%add3A, %run_scoped3A_15, %dma_start3A_40, %dma_start3A_41] : memref<32x2x40x128xi32, #tpu.memory_space<hbm>> -> memref<1x1x40x128xi32, #tpu.memory_space<hbm>>
      %dma_start3A_43 = tpu.memref_squeeze %dma_start3A_42 : memref<1x1x40x128xi32, #tpu.memory_space<hbm>> -> memref<40x128xi32, #tpu.memory_space<hbm>>
      tpu.enqueue_dma source(%dma_start3A_43 : memref<40x128xi32, #tpu.memory_space<hbm>>) target(%arg7 : memref<40x128xi32, #tpu.memory_space<vmem>>) target_semaphore(%run_scoped3A_35 : memref<!tpu.dma_semaphore, #tpu.memory_space<semaphore_mem>>)
      %dma_wait3A = arith.constant 0 : i32
      %dma_wait3A_44 = arith.constant 0 : i32
      %dma_wait3A_45 = tpu.memref_slice %arg3[%add3A, %run_scoped3A_15, %dma_wait3A, %dma_wait3A_44] : memref<32x2x40x128xi32, #tpu.memory_space<hbm>> -> memref<1x1x40x128xi32, #tpu.memory_space<hbm>>
      %dma_wait3A_46 = tpu.memref_squeeze %dma_wait3A_45 : memref<1x1x40x128xi32, #tpu.memory_space<hbm>> -> memref<40x128xi32, #tpu.memory_space<hbm>>
      %dma_wait3A_47 = arith.constant 0 : i32
      %dma_wait3A_48 = arith.constant 0 : i32
      %dma_wait3A_49 = tpu.memref_slice %arg3[%add3A, %run_scoped3A_15, %dma_wait3A_47, %dma_wait3A_48] : memref<32x2x40x128xi32, #tpu.memory_space<hbm>> -> memref<1x1x40x128xi32, #tpu.memory_space<hbm>>
      %dma_wait3A_50 = tpu.memref_squeeze %dma_wait3A_49 : memref<1x1x40x128xi32, #tpu.memory_space<hbm>> -> memref<40x128xi32, #tpu.memory_space<hbm>>
      tpu.wait_dma2 semaphore(%run_scoped3A_35 : memref<!tpu.dma_semaphore, #tpu.memory_space<semaphore_mem>>) src(%dma_wait3A_50 : memref<40x128xi32, #tpu.memory_space<hbm>>) dst(%arg7 : memref<40x128xi32, #tpu.memory_space<vmem>>)
      tpu.yield
    }) : () -> ()
    %run_scoped3A_16 = arith.constant 1 : i32
    "tpu.region"() ({
      %run_scoped3A_35 = tpu.sem_alloc : memref<!tpu.dma_semaphore, #tpu.memory_space<semaphore_mem>>
      %dma_start3A_36 = arith.constant 0 : i32
      %dma_start3A_37 = arith.constant 0 : i32
      %dma_start3A_38 = tpu.memref_slice %arg4[%add3A, %run_scoped3A_16, %dma_start3A_36, %dma_start3A_37] : memref<32x2x40x128xi32, #tpu.memory_space<hbm>> -> memref<1x1x40x128xi32, #tpu.memory_space<hbm>>
      %dma_start3A_39 = tpu.memref_squeeze %dma_start3A_38 : memref<1x1x40x128xi32, #tpu.memory_space<hbm>> -> memref<40x128xi32, #tpu.memory_space<hbm>>
      %dma_start3A_40 = arith.constant 0 : i32
      %dma_start3A_41 = arith.constant 0 : i32
      %dma_start3A_42 = tpu.memref_slice %arg4[%add3A, %run_scoped3A_16, %dma_start3A_40, %dma_start3A_41] : memref<32x2x40x128xi32, #tpu.memory_space<hbm>> -> memref<1x1x40x128xi32, #tpu.memory_space<hbm>>
      %dma_start3A_43 = tpu.memref_squeeze %dma_start3A_42 : memref<1x1x40x128xi32, #tpu.memory_space<hbm>> -> memref<40x128xi32, #tpu.memory_space<hbm>>
      tpu.enqueue_dma source(%dma_start3A_43 : memref<40x128xi32, #tpu.memory_space<hbm>>) target(%arg8 : memref<40x128xi32, #tpu.memory_space<vmem>>) target_semaphore(%run_scoped3A_35 : memref<!tpu.dma_semaphore, #tpu.memory_space<semaphore_mem>>)
      %dma_wait3A = arith.constant 0 : i32
      %dma_wait3A_44 = arith.constant 0 : i32
      %dma_wait3A_45 = tpu.memref_slice %arg4[%add3A, %run_scoped3A_16, %dma_wait3A, %dma_wait3A_44] : memref<32x2x40x128xi32, #tpu.memory_space<hbm>> -> memref<1x1x40x128xi32, #tpu.memory_space<hbm>>
      %dma_wait3A_46 = tpu.memref_squeeze %dma_wait3A_45 : memref<1x1x40x128xi32, #tpu.memory_space<hbm>> -> memref<40x128xi32, #tpu.memory_space<hbm>>
      %dma_wait3A_47 = arith.constant 0 : i32
      %dma_wait3A_48 = arith.constant 0 : i32
      %dma_wait3A_49 = tpu.memref_slice %arg4[%add3A, %run_scoped3A_16, %dma_wait3A_47, %dma_wait3A_48] : memref<32x2x40x128xi32, #tpu.memory_space<hbm>> -> memref<1x1x40x128xi32, #tpu.memory_space<hbm>>
      %dma_wait3A_50 = tpu.memref_squeeze %dma_wait3A_49 : memref<1x1x40x128xi32, #tpu.memory_space<hbm>> -> memref<40x128xi32, #tpu.memory_space<hbm>>
      tpu.wait_dma2 semaphore(%run_scoped3A_35 : memref<!tpu.dma_semaphore, #tpu.memory_space<semaphore_mem>>) src(%dma_wait3A_50 : memref<40x128xi32, #tpu.memory_space<hbm>>) dst(%arg8 : memref<40x128xi32, #tpu.memory_space<vmem>>)
      tpu.yield
    }) : () -> ()
    %dma_start3A_17 = arith.constant 0 : i32
    %dma_start3A_18 = arith.constant 0 : i32
    %dma_start3A_19 = tpu.memref_slice %arg7[%dma_start3A_17, %dma_start3A_18] : memref<40x128xi32, #tpu.memory_space<vmem>> -> memref<1x128xi32, #tpu.memory_space<vmem>>
    %dma_start3A_20 = tpu.memref_squeeze %dma_start3A_19 : memref<1x128xi32, #tpu.memory_space<vmem>> -> memref<128xi32, #tpu.memory_space<vmem>>
    %dma_start3A_21 = arith.constant 0 : i32
    %dma_start3A_22 = arith.constant 0 : i32
    %dma_start3A_23 = tpu.memref_slice %arg2[%dma_start3A_21, %dma_start3A_22] : memref<10000x128xf32, #tpu.memory_space<hbm>> -> memref<10000x128xf32, #tpu.memory_space<hbm>>
    tpu.enqueue_indirect_dma source(%dma_start3A_23 : memref<10000x128xf32, #tpu.memory_space<hbm>>) target(%arg9 : memref<128x128xf32, #tpu.memory_space<vmem>>) offsets(%dma_start3A_20 : memref<128xi32, #tpu.memory_space<vmem>>) semaphore(%arg12 : memref<!tpu.dma_semaphore, #tpu.memory_space<semaphore_mem>>)
    %scan3A_24 = arith.constant 0 : i32
    %scan3A_25 = arith.constant 0 : i32
    %scan3A_26 = arith.constant 20 : i32
    %scan3A_27 = arith.addi %scan3A_25, %scan3A_26 : i32
    %scan3A_28 = arith.constant 1 : i32
    scf.for %scan3A_35 = %scan3A_25 to %scan3A_27 step %scan3A_28  : i32 {
      %mul3A_36 = arith.constant 2 : i32
      %mul3A_37 = arith.muli %scan3A_35, %mul3A_36 : i32
      %dma_wait3A = arith.constant 0 : i32
      %dma_wait3A_38 = tpu.memref_slice %arg7[%mul3A_37, %dma_wait3A] : memref<40x128xi32, #tpu.memory_space<vmem>> -> memref<1x128xi32, #tpu.memory_space<vmem>>
      %dma_wait3A_39 = tpu.memref_squeeze %dma_wait3A_38 : memref<1x128xi32, #tpu.memory_space<vmem>> -> memref<128xi32, #tpu.memory_space<vmem>>
      %dma_wait3A_40 = arith.constant 0 : i32
      %dma_wait3A_41 = arith.constant 0 : i32
      %dma_wait3A_42 = tpu.memref_slice %arg2[%dma_wait3A_40, %dma_wait3A_41] : memref<10000x128xf32, #tpu.memory_space<hbm>> -> memref<10000x128xf32, #tpu.memory_space<hbm>>
      tpu.wait_indirect_dma semaphore(%arg12 : memref<!tpu.dma_semaphore, #tpu.memory_space<semaphore_mem>>) src(%dma_wait3A_42 : memref<10000x128xf32, #tpu.memory_space<hbm>>) dst(%arg9 : memref<128x128xf32, #tpu.memory_space<vmem>>)
      %add3A_43 = arith.constant 1 : i32
      %add3A_44 = arith.addi %mul3A_37, %add3A_43 : i32
      %dma_start3A_45 = arith.constant 0 : i32
      %dma_start3A_46 = tpu.memref_slice %arg7[%add3A_44, %dma_start3A_45] : memref<40x128xi32, #tpu.memory_space<vmem>> -> memref<1x128xi32, #tpu.memory_space<vmem>>
      %dma_start3A_47 = tpu.memref_squeeze %dma_start3A_46 : memref<1x128xi32, #tpu.memory_space<vmem>> -> memref<128xi32, #tpu.memory_space<vmem>>
      %dma_start3A_48 = arith.constant 0 : i32
      %dma_start3A_49 = arith.constant 0 : i32
      %dma_start3A_50 = tpu.memref_slice %arg2[%dma_start3A_48, %dma_start3A_49] : memref<10000x128xf32, #tpu.memory_space<hbm>> -> memref<10000x128xf32, #tpu.memory_space<hbm>>
      tpu.enqueue_indirect_dma source(%dma_start3A_50 : memref<10000x128xf32, #tpu.memory_space<hbm>>) target(%arg10 : memref<128x128xf32, #tpu.memory_space<vmem>>) offsets(%dma_start3A_47 : memref<128xi32, #tpu.memory_space<vmem>>) semaphore(%arg13 : memref<!tpu.dma_semaphore, #tpu.memory_space<semaphore_mem>>)
      "tpu.region"() ({
        %run_scoped3A_63 = tpu.sem_alloc : memref<!tpu.dma_semaphore, #tpu.memory_space<semaphore_mem>>
        %dma_start3A_64 = arith.constant 0 : i32
        %dma_start3A_65 = tpu.memref_slice %arg8[%mul3A_37, %dma_start3A_64] : memref<40x128xi32, #tpu.memory_space<vmem>> -> memref<1x128xi32, #tpu.memory_space<vmem>>
        %dma_start3A_66 = tpu.memref_squeeze %dma_start3A_65 : memref<1x128xi32, #tpu.memory_space<vmem>> -> memref<128xi32, #tpu.memory_space<vmem>>
        %dma_start3A_67 = arith.constant 0 : i32
        %dma_start3A_68 = arith.constant 0 : i32
        %dma_start3A_69 = tpu.memref_slice %arg11[%dma_start3A_67, %dma_start3A_68] : memref<10112x128xf32, #tpu.memory_space<vmem_shared>> -> memref<10112x128xf32, #tpu.memory_space<vmem_shared>>
        tpu.enqueue_indirect_dma source(%arg9 : memref<128x128xf32, #tpu.memory_space<vmem>>) target(%dma_start3A_69 : memref<10112x128xf32, #tpu.memory_space<vmem_shared>>) offsets(%dma_start3A_66 : memref<128xi32, #tpu.memory_space<vmem>>) semaphore(%run_scoped3A_63 : memref<!tpu.dma_semaphore, #tpu.memory_space<semaphore_mem>>) {add = true}
        %dma_wait3A_70 = arith.constant 0 : i32
        %dma_wait3A_71 = tpu.memref_slice %arg8[%mul3A_37, %dma_wait3A_70] : memref<40x128xi32, #tpu.memory_space<vmem>> -> memref<1x128xi32, #tpu.memory_space<vmem>>
        %dma_wait3A_72 = tpu.memref_squeeze %dma_wait3A_71 : memref<1x128xi32, #tpu.memory_space<vmem>> -> memref<128xi32, #tpu.memory_space<vmem>>
        %dma_wait3A_73 = arith.constant 0 : i32
        %dma_wait3A_74 = arith.constant 0 : i32
        %dma_wait3A_75 = tpu.memref_slice %arg11[%dma_wait3A_73, %dma_wait3A_74] : memref<10112x128xf32, #tpu.memory_space<vmem_shared>> -> memref<10112x128xf32, #tpu.memory_space<vmem_shared>>
        tpu.wait_indirect_dma semaphore(%run_scoped3A_63 : memref<!tpu.dma_semaphore, #tpu.memory_space<semaphore_mem>>) src(%arg9 : memref<128x128xf32, #tpu.memory_space<vmem>>) dst(%dma_wait3A_75 : memref<10112x128xf32, #tpu.memory_space<vmem_shared>>)
        tpu.yield
      }) : () -> ()
      %add3A_51 = arith.constant 1 : i32
      %add3A_52 = arith.addi %mul3A_37, %add3A_51 : i32
      %dma_wait3A_53 = arith.constant 0 : i32
      %dma_wait3A_54 = tpu.memref_slice %arg7[%add3A_52, %dma_wait3A_53] : memref<40x128xi32, #tpu.memory_space<vmem>> -> memref<1x128xi32, #tpu.memory_space<vmem>>
      %dma_wait3A_55 = tpu.memref_squeeze %dma_wait3A_54 : memref<1x128xi32, #tpu.memory_space<vmem>> -> memref<128xi32, #tpu.memory_space<vmem>>
      %dma_wait3A_56 = arith.constant 0 : i32
      %dma_wait3A_57 = arith.constant 0 : i32
      %dma_wait3A_58 = tpu.memref_slice %arg2[%dma_wait3A_56, %dma_wait3A_57] : memref<10000x128xf32, #tpu.memory_space<hbm>> -> memref<10000x128xf32, #tpu.memory_space<hbm>>
      tpu.wait_indirect_dma semaphore(%arg13 : memref<!tpu.dma_semaphore, #tpu.memory_space<semaphore_mem>>) src(%dma_wait3A_58 : memref<10000x128xf32, #tpu.memory_space<hbm>>) dst(%arg10 : memref<128x128xf32, #tpu.memory_space<vmem>>)
      %lt3A = arith.constant 19 : i32
      %lt3A_59 = arith.cmpi slt, %scan3A_35, %lt3A : i32
      %convert_element_type3A = arith.extui %lt3A_59 : i1 to i32
      %cond3A = arith.constant 0 : i32
      %cond3A_60 = arith.cmpi ne, %convert_element_type3A, %cond3A : i32
      scf.if %cond3A_60 {
        %add3A_63 = arith.constant 2 : i32
        %add3A_64 = arith.addi %mul3A_37, %add3A_63 : i32
        %dma_start3A_65 = arith.constant 0 : i32
        %dma_start3A_66 = tpu.memref_slice %arg7[%add3A_64, %dma_start3A_65] : memref<40x128xi32, #tpu.memory_space<vmem>> -> memref<1x128xi32, #tpu.memory_space<vmem>>
        %dma_start3A_67 = tpu.memref_squeeze %dma_start3A_66 : memref<1x128xi32, #tpu.memory_space<vmem>> -> memref<128xi32, #tpu.memory_space<vmem>>
        %dma_start3A_68 = arith.constant 0 : i32
        %dma_start3A_69 = arith.constant 0 : i32
        %dma_start3A_70 = tpu.memref_slice %arg2[%dma_start3A_68, %dma_start3A_69] : memref<10000x128xf32, #tpu.memory_space<hbm>> -> memref<10000x128xf32, #tpu.memory_space<hbm>>
        tpu.enqueue_indirect_dma source(%dma_start3A_70 : memref<10000x128xf32, #tpu.memory_space<hbm>>) target(%arg9 : memref<128x128xf32, #tpu.memory_space<vmem>>) offsets(%dma_start3A_67 : memref<128xi32, #tpu.memory_space<vmem>>) semaphore(%arg12 : memref<!tpu.dma_semaphore, #tpu.memory_space<semaphore_mem>>)
      } else {
      }
      %add3A_61 = arith.constant 1 : i32
      %add3A_62 = arith.addi %mul3A_37, %add3A_61 : i32
      "tpu.region"() ({
        %run_scoped3A_63 = tpu.sem_alloc : memref<!tpu.dma_semaphore, #tpu.memory_space<semaphore_mem>>
        %dma_start3A_64 = arith.constant 0 : i32
        %dma_start3A_65 = tpu.memref_slice %arg8[%add3A_62, %dma_start3A_64] : memref<40x128xi32, #tpu.memory_space<vmem>> -> memref<1x128xi32, #tpu.memory_space<vmem>>
        %dma_start3A_66 = tpu.memref_squeeze %dma_start3A_65 : memref<1x128xi32, #tpu.memory_space<vmem>> -> memref<128xi32, #tpu.memory_space<vmem>>
        %dma_start3A_67 = arith.constant 0 : i32
        %dma_start3A_68 = arith.constant 0 : i32
        %dma_start3A_69 = tpu.memref_slice %arg11[%dma_start3A_67, %dma_start3A_68] : memref<10112x128xf32, #tpu.memory_space<vmem_shared>> -> memref<10112x128xf32, #tpu.memory_space<vmem_shared>>
        tpu.enqueue_indirect_dma source(%arg10 : memref<128x128xf32, #tpu.memory_space<vmem>>) target(%dma_start3A_69 : memref<10112x128xf32, #tpu.memory_space<vmem_shared>>) offsets(%dma_start3A_66 : memref<128xi32, #tpu.memory_space<vmem>>) semaphore(%run_scoped3A_63 : memref<!tpu.dma_semaphore, #tpu.memory_space<semaphore_mem>>) {add = true}
        %dma_wait3A_70 = arith.constant 0 : i32
        %dma_wait3A_71 = tpu.memref_slice %arg8[%add3A_62, %dma_wait3A_70] : memref<40x128xi32, #tpu.memory_space<vmem>> -> memref<1x128xi32, #tpu.memory_space<vmem>>
        %dma_wait3A_72 = tpu.memref_squeeze %dma_wait3A_71 : memref<1x128xi32, #tpu.memory_space<vmem>> -> memref<128xi32, #tpu.memory_space<vmem>>
        %dma_wait3A_73 = arith.constant 0 : i32
        %dma_wait3A_74 = arith.constant 0 : i32
        %dma_wait3A_75 = tpu.memref_slice %arg11[%dma_wait3A_73, %dma_wait3A_74] : memref<10112x128xf32, #tpu.memory_space<vmem_shared>> -> memref<10112x128xf32, #tpu.memory_space<vmem_shared>>
        tpu.wait_indirect_dma semaphore(%run_scoped3A_63 : memref<!tpu.dma_semaphore, #tpu.memory_space<semaphore_mem>>) src(%arg10 : memref<128x128xf32, #tpu.memory_space<vmem>>) dst(%dma_wait3A_75 : memref<10112x128xf32, #tpu.memory_space<vmem_shared>>)
        tpu.yield
      }) : () -> ()
    }
    %scan3A_29 = arith.constant 20 : i32
    %barrier3A_30 = arith.constant 0 : index
    tpu.barrier barrier_id(%barrier3A_30)
    %mul3A_31 = arith.constant 632 : i32
    %mul3A_32 = arith.muli %arg1, %mul3A_31 : i32
    %mul3A_33 = arith.constant 632 : i32
    %mul3A_34 = arith.muli %arg1, %mul3A_33 : i32
    "tpu.region"() ({
      %run_scoped3A_35 = tpu.sem_alloc : memref<!tpu.dma_semaphore, #tpu.memory_space<semaphore_mem>>
      %dma_start3A_36 = arith.constant 0 : i32
      %dma_start3A_37 = tpu.memref_slice %arg6[%arg0, %mul3A_34, %dma_start3A_36] : memref<2x10112x128xf32, #tpu.memory_space<hbm>> -> memref<1x632x128xf32, #tpu.memory_space<hbm>>
      %dma_start3A_38 = tpu.memref_squeeze %dma_start3A_37 : memref<1x632x128xf32, #tpu.memory_space<hbm>> -> memref<632x128xf32, #tpu.memory_space<hbm>>
      %dma_start3A_39 = arith.constant 0 : i32
      %dma_start3A_40 = tpu.memref_slice %arg11[%mul3A_32, %dma_start3A_39] : memref<10112x128xf32, #tpu.memory_space<vmem_shared>> -> memref<632x128xf32, #tpu.memory_space<vmem_shared>>
      tpu.enqueue_dma source(%dma_start3A_40 : memref<632x128xf32, #tpu.memory_space<vmem_shared>>) target(%dma_start3A_38 : memref<632x128xf32, #tpu.memory_space<hbm>>) target_semaphore(%run_scoped3A_35 : memref<!tpu.dma_semaphore, #tpu.memory_space<semaphore_mem>>)
      %dma_wait3A = arith.constant 0 : i32
      %dma_wait3A_41 = tpu.memref_slice %arg6[%arg0, %mul3A_34, %dma_wait3A] : memref<2x10112x128xf32, #tpu.memory_space<hbm>> -> memref<1x632x128xf32, #tpu.memory_space<hbm>>
      %dma_wait3A_42 = tpu.memref_squeeze %dma_wait3A_41 : memref<1x632x128xf32, #tpu.memory_space<hbm>> -> memref<632x128xf32, #tpu.memory_space<hbm>>
      %dma_wait3A_43 = arith.constant 0 : i32
      %dma_wait3A_44 = tpu.memref_slice %arg11[%mul3A_32, %dma_wait3A_43] : memref<10112x128xf32, #tpu.memory_space<vmem_shared>> -> memref<632x128xf32, #tpu.memory_space<vmem_shared>>
      tpu.wait_dma2 semaphore(%run_scoped3A_35 : memref<!tpu.dma_semaphore, #tpu.memory_space<semaphore_mem>>) src(%dma_wait3A_44 : memref<632x128xf32, #tpu.memory_space<vmem_shared>>) dst(%dma_wait3A_42 : memref<632x128xf32, #tpu.memory_space<hbm>>)
      tpu.yield
    }) : () -> ()
    return
  }
}

#map = affine_map<(d0, d1) -> (0, 0)>
#map1 = affine_map<(d0, d1) -> (0, 0, 0, 0)>
#map2 = affine_map<(d0, d1) -> (0, 0, 0)>
module attributes {stable_mosaic.version = 14 : i64} {
  func.func @scatter_kernel(%arg0: i32, %arg1: i32, %arg2: memref<10000x128xf32, #tpu.memory_space<hbm>>, %arg3: memref<32x2x40x128xi32, #tpu.memory_space<hbm>>, %arg4: memref<32x2x40x128xi32, #tpu.memory_space<hbm>>, %arg5: memref<632x128xf32, #tpu.memory_space<hbm>>, %arg6: memref<2x10112x128xf32, #tpu.memory_space<hbm>>, %arg7: memref<40x128xi32, #tpu.memory_space<vmem>>, %arg8: memref<40x128xi32, #tpu.memory_space<vmem>>, %arg9: memref<128x128xf32, #tpu.memory_space<vmem>>, %arg10: memref<128x128xf32, #tpu.memory_space<vmem>>, %arg11: memref<10112x128xf32, #tpu.memory_space<vmem_shared>>, %arg12: memref<!tpu.dma_semaphore, #tpu.memory_space<semaphore_mem>>, %arg13: memref<!tpu.dma_semaphore, #tpu.memory_space<semaphore_mem>>) attributes {dimension_semantics = [#tpu.dimension_semantics<core_parallel>, #tpu.dimension_semantics<subcore_parallel>], iteration_bounds = array<i64: 2, 16>, scalar_prefetch = 0 : i64, scratch_operands = 7 : i64, tpu.core_type = #tpu.core_type<sc_vector_subcore>, window_params = [{transform_indices = #map}, {transform_indices = #map1}, {transform_indices = #map1}, {transform_indices = #map}, {transform_indices = #map2}]} {
    %mul3A = arith.constant 2 : i32
    %mul3A_0 = arith.muli %arg1, %mul3A : i32
    %add3A = arith.addi %mul3A_0, %arg0 : i32
    %mul3A_1 = arith.constant 632 : i32
    %mul3A_2 = arith.muli %arg1, %mul3A_1 : i32
    "tpu.region"() ({
      %run_scoped3A_35 = tpu.sem_alloc : memref<!tpu.dma_semaphore, #tpu.memory_space<semaphore_mem>>
      %dma_start3A_36 = arith.constant 0 : i32
      %dma_start3A_37 = tpu.memref_slice %arg11[%mul3A_2, %dma_start3A_36] : memref<10112x128xf32, #tpu.memory_space<vmem_shared>> -> memref<632x128xf32, #tpu.memory_space<vmem_shared>>
      tpu.enqueue_dma source(%arg5 : memref<632x128xf32, #tpu.memory_space<hbm>>) target(%dma_start3A_37 : memref<632x128xf32, #tpu.memory_space<vmem_shared>>) target_semaphore(%run_scoped3A_35 : memref<!tpu.dma_semaphore, #tpu.memory_space<semaphore_mem>>)
      %dma_wait3A = arith.constant 0 : i32
      %dma_wait3A_38 = tpu.memref_slice %arg11[%mul3A_2, %dma_wait3A] : memref<10112x128xf32, #tpu.memory_space<vmem_shared>> -> memref<632x128xf32, #tpu.memory_space<vmem_shared>>
      tpu.wait_dma2 semaphore(%run_scoped3A_35 : memref<!tpu.dma_semaphore, #tpu.memory_space<semaphore_mem>>) src(%arg5 : memref<632x128xf32, #tpu.memory_space<hbm>>) dst(%dma_wait3A_38 : memref<632x128xf32, #tpu.memory_space<vmem_shared>>)
      tpu.yield
    }) : () -> ()
    %barrier3A = arith.constant 0 : index
    tpu.barrier barrier_id(%barrier3A)
    %run_scoped3A = arith.constant 0 : i32
    "tpu.region"() ({
      %run_scoped3A_35 = tpu.sem_alloc : memref<!tpu.dma_semaphore, #tpu.memory_space<semaphore_mem>>
      %dma_start3A_36 = arith.constant 0 : i32
      %dma_start3A_37 = arith.constant 0 : i32
      %dma_start3A_38 = tpu.memref_slice %arg3[%add3A, %run_scoped3A, %dma_start3A_36, %dma_start3A_37] : memref<32x2x40x128xi32, #tpu.memory_space<hbm>> -> memref<1x1x40x128xi32, #tpu.memory_space<hbm>>
      %dma_start3A_39 = tpu.memref_squeeze %dma_start3A_38 : memref<1x1x40x128xi32, #tpu.memory_space<hbm>> -> memref<40x128xi32, #tpu.memory_space<hbm>>
      %dma_start3A_40 = arith.constant 0 : i32
      %dma_start3A_41 = arith.constant 0 : i32
      %dma_start3A_42 = tpu.memref_slice %arg3[%add3A, %run_scoped3A, %dma_start3A_40, %dma_start3A_41] : memref<32x2x40x128xi32, #tpu.memory_space<hbm>> -> memref<1x1x40x128xi32, #tpu.memory_space<hbm>>
      %dma_start3A_43 = tpu.memref_squeeze %dma_start3A_42 : memref<1x1x40x128xi32, #tpu.memory_space<hbm>> -> memref<40x128xi32, #tpu.memory_space<hbm>>
      tpu.enqueue_dma source(%dma_start3A_43 : memref<40x128xi32, #tpu.memory_space<hbm>>) target(%arg7 : memref<40x128xi32, #tpu.memory_space<vmem>>) target_semaphore(%run_scoped3A_35 : memref<!tpu.dma_semaphore, #tpu.memory_space<semaphore_mem>>)
      %dma_wait3A = arith.constant 0 : i32
      %dma_wait3A_44 = arith.constant 0 : i32
      %dma_wait3A_45 = tpu.memref_slice %arg3[%add3A, %run_scoped3A, %dma_wait3A, %dma_wait3A_44] : memref<32x2x40x128xi32, #tpu.memory_space<hbm>> -> memref<1x1x40x128xi32, #tpu.memory_space<hbm>>
      %dma_wait3A_46 = tpu.memref_squeeze %dma_wait3A_45 : memref<1x1x40x128xi32, #tpu.memory_space<hbm>> -> memref<40x128xi32, #tpu.memory_space<hbm>>
      %dma_wait3A_47 = arith.constant 0 : i32
      %dma_wait3A_48 = arith.constant 0 : i32
      %dma_wait3A_49 = tpu.memref_slice %arg3[%add3A, %run_scoped3A, %dma_wait3A_47, %dma_wait3A_48] : memref<32x2x40x128xi32, #tpu.memory_space<hbm>> -> memref<1x1x40x128xi32, #tpu.memory_space<hbm>>
      %dma_wait3A_50 = tpu.memref_squeeze %dma_wait3A_49 : memref<1x1x40x128xi32, #tpu.memory_space<hbm>> -> memref<40x128xi32, #tpu.memory_space<hbm>>
      tpu.wait_dma2 semaphore(%run_scoped3A_35 : memref<!tpu.dma_semaphore, #tpu.memory_space<semaphore_mem>>) src(%dma_wait3A_50 : memref<40x128xi32, #tpu.memory_space<hbm>>) dst(%arg7 : memref<40x128xi32, #tpu.memory_space<vmem>>)
      tpu.yield
    }) : () -> ()
    %run_scoped3A_3 = arith.constant 0 : i32
    "tpu.region"() ({
      %run_scoped3A_35 = tpu.sem_alloc : memref<!tpu.dma_semaphore, #tpu.memory_space<semaphore_mem>>
      %dma_start3A_36 = arith.constant 0 : i32
      %dma_start3A_37 = arith.constant 0 : i32
      %dma_start3A_38 = tpu.memref_slice %arg4[%add3A, %run_scoped3A_3, %dma_start3A_36, %dma_start3A_37] : memref<32x2x40x128xi32, #tpu.memory_space<hbm>> -> memref<1x1x40x128xi32, #tpu.memory_space<hbm>>
      %dma_start3A_39 = tpu.memref_squeeze %dma_start3A_38 : memref<1x1x40x128xi32, #tpu.memory_space<hbm>> -> memref<40x128xi32, #tpu.memory_space<hbm>>
      %dma_start3A_40 = arith.constant 0 : i32
      %dma_start3A_41 = arith.constant 0 : i32
      %dma_start3A_42 = tpu.memref_slice %arg4[%add3A, %run_scoped3A_3, %dma_start3A_40, %dma_start3A_41] : memref<32x2x40x128xi32, #tpu.memory_space<hbm>> -> memref<1x1x40x128xi32, #tpu.memory_space<hbm>>
      %dma_start3A_43 = tpu.memref_squeeze %dma_start3A_42 : memref<1x1x40x128xi32, #tpu.memory_space<hbm>> -> memref<40x128xi32, #tpu.memory_space<hbm>>
      tpu.enqueue_dma source(%dma_start3A_43 : memref<40x128xi32, #tpu.memory_space<hbm>>) target(%arg8 : memref<40x128xi32, #tpu.memory_space<vmem>>) target_semaphore(%run_scoped3A_35 : memref<!tpu.dma_semaphore, #tpu.memory_space<semaphore_mem>>)
      %dma_wait3A = arith.constant 0 : i32
      %dma_wait3A_44 = arith.constant 0 : i32
      %dma_wait3A_45 = tpu.memref_slice %arg4[%add3A, %run_scoped3A_3, %dma_wait3A, %dma_wait3A_44] : memref<32x2x40x128xi32, #tpu.memory_space<hbm>> -> memref<1x1x40x128xi32, #tpu.memory_space<hbm>>
      %dma_wait3A_46 = tpu.memref_squeeze %dma_wait3A_45 : memref<1x1x40x128xi32, #tpu.memory_space<hbm>> -> memref<40x128xi32, #tpu.memory_space<hbm>>
      %dma_wait3A_47 = arith.constant 0 : i32
      %dma_wait3A_48 = arith.constant 0 : i32
      %dma_wait3A_49 = tpu.memref_slice %arg4[%add3A, %run_scoped3A_3, %dma_wait3A_47, %dma_wait3A_48] : memref<32x2x40x128xi32, #tpu.memory_space<hbm>> -> memref<1x1x40x128xi32, #tpu.memory_space<hbm>>
      %dma_wait3A_50 = tpu.memref_squeeze %dma_wait3A_49 : memref<1x1x40x128xi32, #tpu.memory_space<hbm>> -> memref<40x128xi32, #tpu.memory_space<hbm>>
      tpu.wait_dma2 semaphore(%run_scoped3A_35 : memref<!tpu.dma_semaphore, #tpu.memory_space<semaphore_mem>>) src(%dma_wait3A_50 : memref<40x128xi32, #tpu.memory_space<hbm>>) dst(%arg8 : memref<40x128xi32, #tpu.memory_space<vmem>>)
      tpu.yield
    }) : () -> ()
    %dma_start3A = arith.constant 0 : i32
    %dma_start3A_4 = arith.constant 0 : i32
    %dma_start3A_5 = tpu.memref_slice %arg7[%dma_start3A, %dma_start3A_4] : memref<40x128xi32, #tpu.memory_space<vmem>> -> memref<1x128xi32, #tpu.memory_space<vmem>>
    %dma_start3A_6 = tpu.memref_squeeze %dma_start3A_5 : memref<1x128xi32, #tpu.memory_space<vmem>> -> memref<128xi32, #tpu.memory_space<vmem>>
    %dma_start3A_7 = arith.constant 0 : i32
    %dma_start3A_8 = arith.constant 0 : i32
    %dma_start3A_9 = tpu.memref_slice %arg2[%dma_start3A_7, %dma_start3A_8] : memref<10000x128xf32, #tpu.memory_space<hbm>> -> memref<10000x128xf32, #tpu.memory_space<hbm>>
    tpu.enqueue_indirect_dma source(%dma_start3A_9 : memref<10000x128xf32, #tpu.memory_space<hbm>>) target(%arg9 : memref<128x128xf32, #tpu.memory_space<vmem>>) offsets(%dma_start3A_6 : memref<128xi32, #tpu.memory_space<vmem>>) semaphore(%arg12 : memref<!tpu.dma_semaphore, #tpu.memory_space<semaphore_mem>>)
    %scan3A = arith.constant 0 : i32
    %scan3A_10 = arith.constant 0 : i32
    %scan3A_11 = arith.constant 20 : i32
    %scan3A_12 = arith.addi %scan3A_10, %scan3A_11 : i32
    %scan3A_13 = arith.constant 1 : i32
    scf.for %scan3A_35 = %scan3A_10 to %scan3A_12 step %scan3A_13  : i32 {
      %mul3A_36 = arith.constant 2 : i32
      %mul3A_37 = arith.muli %scan3A_35, %mul3A_36 : i32
      %dma_wait3A = arith.constant 0 : i32
      %dma_wait3A_38 = tpu.memref_slice %arg7[%mul3A_37, %dma_wait3A] : memref<40x128xi32, #tpu.memory_space<vmem>> -> memref<1x128xi32, #tpu.memory_space<vmem>>
      %dma_wait3A_39 = tpu.memref_squeeze %dma_wait3A_38 : memref<1x128xi32, #tpu.memory_space<vmem>> -> memref<128xi32, #tpu.memory_space<vmem>>
      %dma_wait3A_40 = arith.constant 0 : i32
      %dma_wait3A_41 = arith.constant 0 : i32
      %dma_wait3A_42 = tpu.memref_slice %arg2[%dma_wait3A_40, %dma_wait3A_41] : memref<10000x128xf32, #tpu.memory_space<hbm>> -> memref<10000x128xf32, #tpu.memory_space<hbm>>
      tpu.wait_indirect_dma semaphore(%arg12 : memref<!tpu.dma_semaphore, #tpu.memory_space<semaphore_mem>>) src(%dma_wait3A_42 : memref<10000x128xf32, #tpu.memory_space<hbm>>) dst(%arg9 : memref<128x128xf32, #tpu.memory_space<vmem>>)
      %add3A_43 = arith.constant 1 : i32
      %add3A_44 = arith.addi %mul3A_37, %add3A_43 : i32
      %dma_start3A_45 = arith.constant 0 : i32
      %dma_start3A_46 = tpu.memref_slice %arg7[%add3A_44, %dma_start3A_45] : memref<40x128xi32, #tpu.memory_space<vmem>> -> memref<1x128xi32, #tpu.memory_space<vmem>>
      %dma_start3A_47 = tpu.memref_squeeze %dma_start3A_46 : memref<1x128xi32, #tpu.memory_space<vmem>> -> memref<128xi32, #tpu.memory_space<vmem>>
      %dma_start3A_48 = arith.constant 0 : i32
      %dma_start3A_49 = arith.constant 0 : i32
      %dma_start3A_50 = tpu.memref_slice %arg2[%dma_start3A_48, %dma_start3A_49] : memref<10000x128xf32, #tpu.memory_space<hbm>> -> memref<10000x128xf32, #tpu.memory_space<hbm>>
      tpu.enqueue_indirect_dma source(%dma_start3A_50 : memref<10000x128xf32, #tpu.memory_space<hbm>>) target(%arg10 : memref<128x128xf32, #tpu.memory_space<vmem>>) offsets(%dma_start3A_47 : memref<128xi32, #tpu.memory_space<vmem>>) semaphore(%arg13 : memref<!tpu.dma_semaphore, #tpu.memory_space<semaphore_mem>>)
      "tpu.region"() ({
        %run_scoped3A_63 = tpu.sem_alloc : memref<!tpu.dma_semaphore, #tpu.memory_space<semaphore_mem>>
        %dma_start3A_64 = arith.constant 0 : i32
        %dma_start3A_65 = tpu.memref_slice %arg8[%mul3A_37, %dma_start3A_64] : memref<40x128xi32, #tpu.memory_space<vmem>> -> memref<1x128xi32, #tpu.memory_space<vmem>>
        %dma_start3A_66 = tpu.memref_squeeze %dma_start3A_65 : memref<1x128xi32, #tpu.memory_space<vmem>> -> memref<128xi32, #tpu.memory_space<vmem>>
        %dma_start3A_67 = arith.constant 0 : i32
        %dma_start3A_68 = arith.constant 0 : i32
        %dma_start3A_69 = tpu.memref_slice %arg11[%dma_start3A_67, %dma_start3A_68] : memref<10112x128xf32, #tpu.memory_space<vmem_shared>> -> memref<10112x128xf32, #tpu.memory_space<vmem_shared>>
        tpu.enqueue_indirect_dma source(%arg9 : memref<128x128xf32, #tpu.memory_space<vmem>>) target(%dma_start3A_69 : memref<10112x128xf32, #tpu.memory_space<vmem_shared>>) offsets(%dma_start3A_66 : memref<128xi32, #tpu.memory_space<vmem>>) semaphore(%run_scoped3A_63 : memref<!tpu.dma_semaphore, #tpu.memory_space<semaphore_mem>>) {add = true}
        %dma_wait3A_70 = arith.constant 0 : i32
        %dma_wait3A_71 = tpu.memref_slice %arg8[%mul3A_37, %dma_wait3A_70] : memref<40x128xi32, #tpu.memory_space<vmem>> -> memref<1x128xi32, #tpu.memory_space<vmem>>
        %dma_wait3A_72 = tpu.memref_squeeze %dma_wait3A_71 : memref<1x128xi32, #tpu.memory_space<vmem>> -> memref<128xi32, #tpu.memory_space<vmem>>
        %dma_wait3A_73 = arith.constant 0 : i32
        %dma_wait3A_74 = arith.constant 0 : i32
        %dma_wait3A_75 = tpu.memref_slice %arg11[%dma_wait3A_73, %dma_wait3A_74] : memref<10112x128xf32, #tpu.memory_space<vmem_shared>> -> memref<10112x128xf32, #tpu.memory_space<vmem_shared>>
        tpu.wait_indirect_dma semaphore(%run_scoped3A_63 : memref<!tpu.dma_semaphore, #tpu.memory_space<semaphore_mem>>) src(%arg9 : memref<128x128xf32, #tpu.memory_space<vmem>>) dst(%dma_wait3A_75 : memref<10112x128xf32, #tpu.memory_space<vmem_shared>>)
        tpu.yield
      }) : () -> ()
      %add3A_51 = arith.constant 1 : i32
      %add3A_52 = arith.addi %mul3A_37, %add3A_51 : i32
      %dma_wait3A_53 = arith.constant 0 : i32
      %dma_wait3A_54 = tpu.memref_slice %arg7[%add3A_52, %dma_wait3A_53] : memref<40x128xi32, #tpu.memory_space<vmem>> -> memref<1x128xi32, #tpu.memory_space<vmem>>
      %dma_wait3A_55 = tpu.memref_squeeze %dma_wait3A_54 : memref<1x128xi32, #tpu.memory_space<vmem>> -> memref<128xi32, #tpu.memory_space<vmem>>
      %dma_wait3A_56 = arith.constant 0 : i32
      %dma_wait3A_57 = arith.constant 0 : i32
      %dma_wait3A_58 = tpu.memref_slice %arg2[%dma_wait3A_56, %dma_wait3A_57] : memref<10000x128xf32, #tpu.memory_space<hbm>> -> memref<10000x128xf32, #tpu.memory_space<hbm>>
      tpu.wait_indirect_dma semaphore(%arg13 : memref<!tpu.dma_semaphore, #tpu.memory_space<semaphore_mem>>) src(%dma_wait3A_58 : memref<10000x128xf32, #tpu.memory_space<hbm>>) dst(%arg10 : memref<128x128xf32, #tpu.memory_space<vmem>>)
      %lt3A = arith.constant 19 : i32
      %lt3A_59 = arith.cmpi slt, %scan3A_35, %lt3A : i32
      %convert_element_type3A = arith.extui %lt3A_59 : i1 to i32
      %cond3A = arith.constant 0 : i32
      %cond3A_60 = arith.cmpi ne, %convert_element_type3A, %cond3A : i32
      scf.if %cond3A_60 {
        %add3A_63 = arith.constant 2 : i32
        %add3A_64 = arith.addi %mul3A_37, %add3A_63 : i32
        %dma_start3A_65 = arith.constant 0 : i32
        %dma_start3A_66 = tpu.memref_slice %arg7[%add3A_64, %dma_start3A_65] : memref<40x128xi32, #tpu.memory_space<vmem>> -> memref<1x128xi32, #tpu.memory_space<vmem>>
        %dma_start3A_67 = tpu.memref_squeeze %dma_start3A_66 : memref<1x128xi32, #tpu.memory_space<vmem>> -> memref<128xi32, #tpu.memory_space<vmem>>
        %dma_start3A_68 = arith.constant 0 : i32
        %dma_start3A_69 = arith.constant 0 : i32
        %dma_start3A_70 = tpu.memref_slice %arg2[%dma_start3A_68, %dma_start3A_69] : memref<10000x128xf32, #tpu.memory_space<hbm>> -> memref<10000x128xf32, #tpu.memory_space<hbm>>
        tpu.enqueue_indirect_dma source(%dma_start3A_70 : memref<10000x128xf32, #tpu.memory_space<hbm>>) target(%arg9 : memref<128x128xf32, #tpu.memory_space<vmem>>) offsets(%dma_start3A_67 : memref<128xi32, #tpu.memory_space<vmem>>) semaphore(%arg12 : memref<!tpu.dma_semaphore, #tpu.memory_space<semaphore_mem>>)
      } else {
      }
      %add3A_61 = arith.constant 1 : i32
      %add3A_62 = arith.addi %mul3A_37, %add3A_61 : i32
      "tpu.region"() ({
        %run_scoped3A_63 = tpu.sem_alloc : memref<!tpu.dma_semaphore, #tpu.memory_space<semaphore_mem>>
        %dma_start3A_64 = arith.constant 0 : i32
        %dma_start3A_65 = tpu.memref_slice %arg8[%add3A_62, %dma_start3A_64] : memref<40x128xi32, #tpu.memory_space<vmem>> -> memref<1x128xi32, #tpu.memory_space<vmem>>
        %dma_start3A_66 = tpu.memref_squeeze %dma_start3A_65 : memref<1x128xi32, #tpu.memory_space<vmem>> -> memref<128xi32, #tpu.memory_space<vmem>>
        %dma_start3A_67 = arith.constant 0 : i32
        %dma_start3A_68 = arith.constant 0 : i32
        %dma_start3A_69 = tpu.memref_slice %arg11[%dma_start3A_67, %dma_start3A_68] : memref<10112x128xf32, #tpu.memory_space<vmem_shared>> -> memref<10112x128xf32, #tpu.memory_space<vmem_shared>>
        tpu.enqueue_indirect_dma source(%arg10 : memref<128x128xf32, #tpu.memory_space<vmem>>) target(%dma_start3A_69 : memref<10112x128xf32, #tpu.memory_space<vmem_shared>>) offsets(%dma_start3A_66 : memref<128xi32, #tpu.memory_space<vmem>>) semaphore(%run_scoped3A_63 : memref<!tpu.dma_semaphore, #tpu.memory_space<semaphore_mem>>) {add = true}
        %dma_wait3A_70 = arith.constant 0 : i32
        %dma_wait3A_71 = tpu.memref_slice %arg8[%add3A_62, %dma_wait3A_70] : memref<40x128xi32, #tpu.memory_space<vmem>> -> memref<1x128xi32, #tpu.memory_space<vmem>>
        %dma_wait3A_72 = tpu.memref_squeeze %dma_wait3A_71 : memref<1x128xi32, #tpu.memory_space<vmem>> -> memref<128xi32, #tpu.memory_space<vmem>>
        %dma_wait3A_73 = arith.constant 0 : i32
        %dma_wait3A_74 = arith.constant 0 : i32
        %dma_wait3A_75 = tpu.memref_slice %arg11[%dma_wait3A_73, %dma_wait3A_74] : memref<10112x128xf32, #tpu.memory_space<vmem_shared>> -> memref<10112x128xf32, #tpu.memory_space<vmem_shared>>
        tpu.wait_indirect_dma semaphore(%run_scoped3A_63 : memref<!tpu.dma_semaphore, #tpu.memory_space<semaphore_mem>>) src(%arg10 : memref<128x128xf32, #tpu.memory_space<vmem>>) dst(%dma_wait3A_75 : memref<10112x128xf32, #tpu.memory_space<vmem_shared>>)
        tpu.yield
      }) : () -> ()
    }
    %scan3A_14 = arith.constant 20 : i32
    %run_scoped3A_15 = arith.constant 1 : i32
    "tpu.region"() ({
      %run_scoped3A_35 = tpu.sem_alloc : memref<!tpu.dma_semaphore, #tpu.memory_space<semaphore_mem>>
      %dma_start3A_36 = arith.constant 0 : i32
      %dma_start3A_37 = arith.constant 0 : i32
      %dma_start3A_38 = tpu.memref_slice %arg3[%add3A, %run_scoped3A_15, %dma_start3A_36, %dma_start3A_37] : memref<32x2x40x128xi32, #tpu.memory_space<hbm>> -> memref<1x1x40x128xi32, #tpu.memory_space<hbm>>
      %dma_start3A_39 = tpu.memref_squeeze %dma_start3A_38 : memref<1x1x40x128xi32, #tpu.memory_space<hbm>> -> memref<40x128xi32, #tpu.memory_space<hbm>>
      %dma_start3A_40 = arith.constant 0 : i32
      %dma_start3A_41 = arith.constant 0 : i32
      %dma_start3A_42 = tpu.memref_slice %arg3[%add3A, %run_scoped3A_15, %dma_start3A_40, %dma_start3A_41] : memref<32x2x40x128xi32, #tpu.memory_space<hbm>> -> memref<1x1x40x128xi32, #tpu.memory_space<hbm>>
      %dma_start3A_43 = tpu.memref_squeeze %dma_start3A_42 : memref<1x1x40x128xi32, #tpu.memory_space<hbm>> -> memref<40x128xi32, #tpu.memory_space<hbm>>
      tpu.enqueue_dma source(%dma_start3A_43 : memref<40x128xi32, #tpu.memory_space<hbm>>) target(%arg7 : memref<40x128xi32, #tpu.memory_space<vmem>>) target_semaphore(%run_scoped3A_35 : memref<!tpu.dma_semaphore, #tpu.memory_space<semaphore_mem>>)
      %dma_wait3A = arith.constant 0 : i32
      %dma_wait3A_44 = arith.constant 0 : i32
      %dma_wait3A_45 = tpu.memref_slice %arg3[%add3A, %run_scoped3A_15, %dma_wait3A, %dma_wait3A_44] : memref<32x2x40x128xi32, #tpu.memory_space<hbm>> -> memref<1x1x40x128xi32, #tpu.memory_space<hbm>>
      %dma_wait3A_46 = tpu.memref_squeeze %dma_wait3A_45 : memref<1x1x40x128xi32, #tpu.memory_space<hbm>> -> memref<40x128xi32, #tpu.memory_space<hbm>>
      %dma_wait3A_47 = arith.constant 0 : i32
      %dma_wait3A_48 = arith.constant 0 : i32
      %dma_wait3A_49 = tpu.memref_slice %arg3[%add3A, %run_scoped3A_15, %dma_wait3A_47, %dma_wait3A_48] : memref<32x2x40x128xi32, #tpu.memory_space<hbm>> -> memref<1x1x40x128xi32, #tpu.memory_space<hbm>>
      %dma_wait3A_50 = tpu.memref_squeeze %dma_wait3A_49 : memref<1x1x40x128xi32, #tpu.memory_space<hbm>> -> memref<40x128xi32, #tpu.memory_space<hbm>>
      tpu.wait_dma2 semaphore(%run_scoped3A_35 : memref<!tpu.dma_semaphore, #tpu.memory_space<semaphore_mem>>) src(%dma_wait3A_50 : memref<40x128xi32, #tpu.memory_space<hbm>>) dst(%arg7 : memref<40x128xi32, #tpu.memory_space<vmem>>)
      tpu.yield
    }) : () -> ()
    %run_scoped3A_16 = arith.constant 1 : i32
    "tpu.region"() ({
      %run_scoped3A_35 = tpu.sem_alloc : memref<!tpu.dma_semaphore, #tpu.memory_space<semaphore_mem>>
      %dma_start3A_36 = arith.constant 0 : i32
      %dma_start3A_37 = arith.constant 0 : i32
      %dma_start3A_38 = tpu.memref_slice %arg4[%add3A, %run_scoped3A_16, %dma_start3A_36, %dma_start3A_37] : memref<32x2x40x128xi32, #tpu.memory_space<hbm>> -> memref<1x1x40x128xi32, #tpu.memory_space<hbm>>
      %dma_start3A_39 = tpu.memref_squeeze %dma_start3A_38 : memref<1x1x40x128xi32, #tpu.memory_space<hbm>> -> memref<40x128xi32, #tpu.memory_space<hbm>>
      %dma_start3A_40 = arith.constant 0 : i32
      %dma_start3A_41 = arith.constant 0 : i32
      %dma_start3A_42 = tpu.memref_slice %arg4[%add3A, %run_scoped3A_16, %dma_start3A_40, %dma_start3A_41] : memref<32x2x40x128xi32, #tpu.memory_space<hbm>> -> memref<1x1x40x128xi32, #tpu.memory_space<hbm>>
      %dma_start3A_43 = tpu.memref_squeeze %dma_start3A_42 : memref<1x1x40x128xi32, #tpu.memory_space<hbm>> -> memref<40x128xi32, #tpu.memory_space<hbm>>
      tpu.enqueue_dma source(%dma_start3A_43 : memref<40x128xi32, #tpu.memory_space<hbm>>) target(%arg8 : memref<40x128xi32, #tpu.memory_space<vmem>>) target_semaphore(%run_scoped3A_35 : memref<!tpu.dma_semaphore, #tpu.memory_space<semaphore_mem>>)
      %dma_wait3A = arith.constant 0 : i32
      %dma_wait3A_44 = arith.constant 0 : i32
      %dma_wait3A_45 = tpu.memref_slice %arg4[%add3A, %run_scoped3A_16, %dma_wait3A, %dma_wait3A_44] : memref<32x2x40x128xi32, #tpu.memory_space<hbm>> -> memref<1x1x40x128xi32, #tpu.memory_space<hbm>>
      %dma_wait3A_46 = tpu.memref_squeeze %dma_wait3A_45 : memref<1x1x40x128xi32, #tpu.memory_space<hbm>> -> memref<40x128xi32, #tpu.memory_space<hbm>>
      %dma_wait3A_47 = arith.constant 0 : i32
      %dma_wait3A_48 = arith.constant 0 : i32
      %dma_wait3A_49 = tpu.memref_slice %arg4[%add3A, %run_scoped3A_16, %dma_wait3A_47, %dma_wait3A_48] : memref<32x2x40x128xi32, #tpu.memory_space<hbm>> -> memref<1x1x40x128xi32, #tpu.memory_space<hbm>>
      %dma_wait3A_50 = tpu.memref_squeeze %dma_wait3A_49 : memref<1x1x40x128xi32, #tpu.memory_space<hbm>> -> memref<40x128xi32, #tpu.memory_space<hbm>>
      tpu.wait_dma2 semaphore(%run_scoped3A_35 : memref<!tpu.dma_semaphore, #tpu.memory_space<semaphore_mem>>) src(%dma_wait3A_50 : memref<40x128xi32, #tpu.memory_space<hbm>>) dst(%arg8 : memref<40x128xi32, #tpu.memory_space<vmem>>)
      tpu.yield
    }) : () -> ()
    %dma_start3A_17 = arith.constant 0 : i32
    %dma_start3A_18 = arith.constant 0 : i32
    %dma_start3A_19 = tpu.memref_slice %arg7[%dma_start3A_17, %dma_start3A_18] : memref<40x128xi32, #tpu.memory_space<vmem>> -> memref<1x128xi32, #tpu.memory_space<vmem>>
    %dma_start3A_20 = tpu.memref_squeeze %dma_start3A_19 : memref<1x128xi32, #tpu.memory_space<vmem>> -> memref<128xi32, #tpu.memory_space<vmem>>
    %dma_start3A_21 = arith.constant 0 : i32
    %dma_start3A_22 = arith.constant 0 : i32
    %dma_start3A_23 = tpu.memref_slice %arg2[%dma_start3A_21, %dma_start3A_22] : memref<10000x128xf32, #tpu.memory_space<hbm>> -> memref<10000x128xf32, #tpu.memory_space<hbm>>
    tpu.enqueue_indirect_dma source(%dma_start3A_23 : memref<10000x128xf32, #tpu.memory_space<hbm>>) target(%arg9 : memref<128x128xf32, #tpu.memory_space<vmem>>) offsets(%dma_start3A_20 : memref<128xi32, #tpu.memory_space<vmem>>) semaphore(%arg12 : memref<!tpu.dma_semaphore, #tpu.memory_space<semaphore_mem>>)
    %scan3A_24 = arith.constant 0 : i32
    %scan3A_25 = arith.constant 0 : i32
    %scan3A_26 = arith.constant 20 : i32
    %scan3A_27 = arith.addi %scan3A_25, %scan3A_26 : i32
    %scan3A_28 = arith.constant 1 : i32
    scf.for %scan3A_35 = %scan3A_25 to %scan3A_27 step %scan3A_28  : i32 {
      %mul3A_36 = arith.constant 2 : i32
      %mul3A_37 = arith.muli %scan3A_35, %mul3A_36 : i32
      %dma_wait3A = arith.constant 0 : i32
      %dma_wait3A_38 = tpu.memref_slice %arg7[%mul3A_37, %dma_wait3A] : memref<40x128xi32, #tpu.memory_space<vmem>> -> memref<1x128xi32, #tpu.memory_space<vmem>>
      %dma_wait3A_39 = tpu.memref_squeeze %dma_wait3A_38 : memref<1x128xi32, #tpu.memory_space<vmem>> -> memref<128xi32, #tpu.memory_space<vmem>>
      %dma_wait3A_40 = arith.constant 0 : i32
      %dma_wait3A_41 = arith.constant 0 : i32
      %dma_wait3A_42 = tpu.memref_slice %arg2[%dma_wait3A_40, %dma_wait3A_41] : memref<10000x128xf32, #tpu.memory_space<hbm>> -> memref<10000x128xf32, #tpu.memory_space<hbm>>
      tpu.wait_indirect_dma semaphore(%arg12 : memref<!tpu.dma_semaphore, #tpu.memory_space<semaphore_mem>>) src(%dma_wait3A_42 : memref<10000x128xf32, #tpu.memory_space<hbm>>) dst(%arg9 : memref<128x128xf32, #tpu.memory_space<vmem>>)
      %add3A_43 = arith.constant 1 : i32
      %add3A_44 = arith.addi %mul3A_37, %add3A_43 : i32
      %dma_start3A_45 = arith.constant 0 : i32
      %dma_start3A_46 = tpu.memref_slice %arg7[%add3A_44, %dma_start3A_45] : memref<40x128xi32, #tpu.memory_space<vmem>> -> memref<1x128xi32, #tpu.memory_space<vmem>>
      %dma_start3A_47 = tpu.memref_squeeze %dma_start3A_46 : memref<1x128xi32, #tpu.memory_space<vmem>> -> memref<128xi32, #tpu.memory_space<vmem>>
      %dma_start3A_48 = arith.constant 0 : i32
      %dma_start3A_49 = arith.constant 0 : i32
      %dma_start3A_50 = tpu.memref_slice %arg2[%dma_start3A_48, %dma_start3A_49] : memref<10000x128xf32, #tpu.memory_space<hbm>> -> memref<10000x128xf32, #tpu.memory_space<hbm>>
      tpu.enqueue_indirect_dma source(%dma_start3A_50 : memref<10000x128xf32, #tpu.memory_space<hbm>>) target(%arg10 : memref<128x128xf32, #tpu.memory_space<vmem>>) offsets(%dma_start3A_47 : memref<128xi32, #tpu.memory_space<vmem>>) semaphore(%arg13 : memref<!tpu.dma_semaphore, #tpu.memory_space<semaphore_mem>>)
      "tpu.region"() ({
        %run_scoped3A_63 = tpu.sem_alloc : memref<!tpu.dma_semaphore, #tpu.memory_space<semaphore_mem>>
        %dma_start3A_64 = arith.constant 0 : i32
        %dma_start3A_65 = tpu.memref_slice %arg8[%mul3A_37, %dma_start3A_64] : memref<40x128xi32, #tpu.memory_space<vmem>> -> memref<1x128xi32, #tpu.memory_space<vmem>>
        %dma_start3A_66 = tpu.memref_squeeze %dma_start3A_65 : memref<1x128xi32, #tpu.memory_space<vmem>> -> memref<128xi32, #tpu.memory_space<vmem>>
        %dma_start3A_67 = arith.constant 0 : i32
        %dma_start3A_68 = arith.constant 0 : i32
        %dma_start3A_69 = tpu.memref_slice %arg11[%dma_start3A_67, %dma_start3A_68] : memref<10112x128xf32, #tpu.memory_space<vmem_shared>> -> memref<10112x128xf32, #tpu.memory_space<vmem_shared>>
        tpu.enqueue_indirect_dma source(%arg9 : memref<128x128xf32, #tpu.memory_space<vmem>>) target(%dma_start3A_69 : memref<10112x128xf32, #tpu.memory_space<vmem_shared>>) offsets(%dma_start3A_66 : memref<128xi32, #tpu.memory_space<vmem>>) semaphore(%run_scoped3A_63 : memref<!tpu.dma_semaphore, #tpu.memory_space<semaphore_mem>>) {add = true}
        %dma_wait3A_70 = arith.constant 0 : i32
        %dma_wait3A_71 = tpu.memref_slice %arg8[%mul3A_37, %dma_wait3A_70] : memref<40x128xi32, #tpu.memory_space<vmem>> -> memref<1x128xi32, #tpu.memory_space<vmem>>
        %dma_wait3A_72 = tpu.memref_squeeze %dma_wait3A_71 : memref<1x128xi32, #tpu.memory_space<vmem>> -> memref<128xi32, #tpu.memory_space<vmem>>
        %dma_wait3A_73 = arith.constant 0 : i32
        %dma_wait3A_74 = arith.constant 0 : i32
        %dma_wait3A_75 = tpu.memref_slice %arg11[%dma_wait3A_73, %dma_wait3A_74] : memref<10112x128xf32, #tpu.memory_space<vmem_shared>> -> memref<10112x128xf32, #tpu.memory_space<vmem_shared>>
        tpu.wait_indirect_dma semaphore(%run_scoped3A_63 : memref<!tpu.dma_semaphore, #tpu.memory_space<semaphore_mem>>) src(%arg9 : memref<128x128xf32, #tpu.memory_space<vmem>>) dst(%dma_wait3A_75 : memref<10112x128xf32, #tpu.memory_space<vmem_shared>>)
        tpu.yield
      }) : () -> ()
      %add3A_51 = arith.constant 1 : i32
      %add3A_52 = arith.addi %mul3A_37, %add3A_51 : i32
      %dma_wait3A_53 = arith.constant 0 : i32
      %dma_wait3A_54 = tpu.memref_slice %arg7[%add3A_52, %dma_wait3A_53] : memref<40x128xi32, #tpu.memory_space<vmem>> -> memref<1x128xi32, #tpu.memory_space<vmem>>
      %dma_wait3A_55 = tpu.memref_squeeze %dma_wait3A_54 : memref<1x128xi32, #tpu.memory_space<vmem>> -> memref<128xi32, #tpu.memory_space<vmem>>
      %dma_wait3A_56 = arith.constant 0 : i32
      %dma_wait3A_57 = arith.constant 0 : i32
      %dma_wait3A_58 = tpu.memref_slice %arg2[%dma_wait3A_56, %dma_wait3A_57] : memref<10000x128xf32, #tpu.memory_space<hbm>> -> memref<10000x128xf32, #tpu.memory_space<hbm>>
      tpu.wait_indirect_dma semaphore(%arg13 : memref<!tpu.dma_semaphore, #tpu.memory_space<semaphore_mem>>) src(%dma_wait3A_58 : memref<10000x128xf32, #tpu.memory_space<hbm>>) dst(%arg10 : memref<128x128xf32, #tpu.memory_space<vmem>>)
      %lt3A = arith.constant 19 : i32
      %lt3A_59 = arith.cmpi slt, %scan3A_35, %lt3A : i32
      %convert_element_type3A = arith.extui %lt3A_59 : i1 to i32
      %cond3A = arith.constant 0 : i32
      %cond3A_60 = arith.cmpi ne, %convert_element_type3A, %cond3A : i32
      scf.if %cond3A_60 {
        %add3A_63 = arith.constant 2 : i32
        %add3A_64 = arith.addi %mul3A_37, %add3A_63 : i32
        %dma_start3A_65 = arith.constant 0 : i32
        %dma_start3A_66 = tpu.memref_slice %arg7[%add3A_64, %dma_start3A_65] : memref<40x128xi32, #tpu.memory_space<vmem>> -> memref<1x128xi32, #tpu.memory_space<vmem>>
        %dma_start3A_67 = tpu.memref_squeeze %dma_start3A_66 : memref<1x128xi32, #tpu.memory_space<vmem>> -> memref<128xi32, #tpu.memory_space<vmem>>
        %dma_start3A_68 = arith.constant 0 : i32
        %dma_start3A_69 = arith.constant 0 : i32
        %dma_start3A_70 = tpu.memref_slice %arg2[%dma_start3A_68, %dma_start3A_69] : memref<10000x128xf32, #tpu.memory_space<hbm>> -> memref<10000x128xf32, #tpu.memory_space<hbm>>
        tpu.enqueue_indirect_dma source(%dma_start3A_70 : memref<10000x128xf32, #tpu.memory_space<hbm>>) target(%arg9 : memref<128x128xf32, #tpu.memory_space<vmem>>) offsets(%dma_start3A_67 : memref<128xi32, #tpu.memory_space<vmem>>) semaphore(%arg12 : memref<!tpu.dma_semaphore, #tpu.memory_space<semaphore_mem>>)
      } else {
      }
      %add3A_61 = arith.constant 1 : i32
      %add3A_62 = arith.addi %mul3A_37, %add3A_61 : i32
      "tpu.region"() ({
        %run_scoped3A_63 = tpu.sem_alloc : memref<!tpu.dma_semaphore, #tpu.memory_space<semaphore_mem>>
        %dma_start3A_64 = arith.constant 0 : i32
        %dma_start3A_65 = tpu.memref_slice %arg8[%add3A_62, %dma_start3A_64] : memref<40x128xi32, #tpu.memory_space<vmem>> -> memref<1x128xi32, #tpu.memory_space<vmem>>
        %dma_start3A_66 = tpu.memref_squeeze %dma_start3A_65 : memref<1x128xi32, #tpu.memory_space<vmem>> -> memref<128xi32, #tpu.memory_space<vmem>>
        %dma_start3A_67 = arith.constant 0 : i32
        %dma_start3A_68 = arith.constant 0 : i32
        %dma_start3A_69 = tpu.memref_slice %arg11[%dma_start3A_67, %dma_start3A_68] : memref<10112x128xf32, #tpu.memory_space<vmem_shared>> -> memref<10112x128xf32, #tpu.memory_space<vmem_shared>>
        tpu.enqueue_indirect_dma source(%arg10 : memref<128x128xf32, #tpu.memory_space<vmem>>) target(%dma_start3A_69 : memref<10112x128xf32, #tpu.memory_space<vmem_shared>>) offsets(%dma_start3A_66 : memref<128xi32, #tpu.memory_space<vmem>>) semaphore(%run_scoped3A_63 : memref<!tpu.dma_semaphore, #tpu.memory_space<semaphore_mem>>) {add = true}
        %dma_wait3A_70 = arith.constant 0 : i32
        %dma_wait3A_71 = tpu.memref_slice %arg8[%add3A_62, %dma_wait3A_70] : memref<40x128xi32, #tpu.memory_space<vmem>> -> memref<1x128xi32, #tpu.memory_space<vmem>>
        %dma_wait3A_72 = tpu.memref_squeeze %dma_wait3A_71 : memref<1x128xi32, #tpu.memory_space<vmem>> -> memref<128xi32, #tpu.memory_space<vmem>>
        %dma_wait3A_73 = arith.constant 0 : i32
        %dma_wait3A_74 = arith.constant 0 : i32
        %dma_wait3A_75 = tpu.memref_slice %arg11[%dma_wait3A_73, %dma_wait3A_74] : memref<10112x128xf32, #tpu.memory_space<vmem_shared>> -> memref<10112x128xf32, #tpu.memory_space<vmem_shared>>
        tpu.wait_indirect_dma semaphore(%run_scoped3A_63 : memref<!tpu.dma_semaphore, #tpu.memory_space<semaphore_mem>>) src(%arg10 : memref<128x128xf32, #tpu.memory_space<vmem>>) dst(%dma_wait3A_75 : memref<10112x128xf32, #tpu.memory_space<vmem_shared>>)
        tpu.yield
      }) : () -> ()
    }
    %scan3A_29 = arith.constant 20 : i32
    %barrier3A_30 = arith.constant 0 : index
    tpu.barrier barrier_id(%barrier3A_30)
    %mul3A_31 = arith.constant 632 : i32
    %mul3A_32 = arith.muli %arg1, %mul3A_31 : i32
    %mul3A_33 = arith.constant 632 : i32
    %mul3A_34 = arith.muli %arg1, %mul3A_33 : i32
    "tpu.region"() ({
      %run_scoped3A_35 = tpu.sem_alloc : memref<!tpu.dma_semaphore, #tpu.memory_space<semaphore_mem>>
      %dma_start3A_36 = arith.constant 0 : i32
      %dma_start3A_37 = tpu.memref_slice %arg6[%arg0, %mul3A_34, %dma_start3A_36] : memref<2x10112x128xf32, #tpu.memory_space<hbm>> -> memref<1x632x128xf32, #tpu.memory_space<hbm>>
      %dma_start3A_38 = tpu.memref_squeeze %dma_start3A_37 : memref<1x632x128xf32, #tpu.memory_space<hbm>> -> memref<632x128xf32, #tpu.memory_space<hbm>>
      %dma_start3A_39 = arith.constant 0 : i32
      %dma_start3A_40 = tpu.memref_slice %arg11[%mul3A_32, %dma_start3A_39] : memref<10112x128xf32, #tpu.memory_space<vmem_shared>> -> memref<632x128xf32, #tpu.memory_space<vmem_shared>>
      tpu.enqueue_dma source(%dma_start3A_40 : memref<632x128xf32, #tpu.memory_space<vmem_shared>>) target(%dma_start3A_38 : memref<632x128xf32, #tpu.memory_space<hbm>>) target_semaphore(%run_scoped3A_35 : memref<!tpu.dma_semaphore, #tpu.memory_space<semaphore_mem>>)
      %dma_wait3A = arith.constant 0 : i32
      %dma_wait3A_41 = tpu.memref_slice %arg6[%arg0, %mul3A_34, %dma_wait3A] : memref<2x10112x128xf32, #tpu.memory_space<hbm>> -> memref<1x632x128xf32, #tpu.memory_space<hbm>>
      %dma_wait3A_42 = tpu.memref_squeeze %dma_wait3A_41 : memref<1x632x128xf32, #tpu.memory_space<hbm>> -> memref<632x128xf32, #tpu.memory_space<hbm>>
      %dma_wait3A_43 = arith.constant 0 : i32
      %dma_wait3A_44 = tpu.memref_slice %arg11[%mul3A_32, %dma_wait3A_43] : memref<10112x128xf32, #tpu.memory_space<vmem_shared>> -> memref<632x128xf32, #tpu.memory_space<vmem_shared>>
      tpu.wait_dma2 semaphore(%run_scoped3A_35 : memref<!tpu.dma_semaphore, #tpu.memory_space<semaphore_mem>>) src(%dma_wait3A_44 : memref<632x128xf32, #tpu.memory_space<vmem_shared>>) dst(%dma_wait3A_42 : memref<632x128xf32, #tpu.memory_space<hbm>>)
      tpu.yield
    }) : () -> ()
    return
  }
}

#map = affine_map<(d0, d1) -> (0, 0, 0, 0)>
#map1 = affine_map<(d0, d1) -> (0)>
module attributes {stable_mosaic.version = 14 : i64} {
  func.func @deg_kernel(%arg0: i32, %arg1: i32, %arg2: memref<32x2x40x128xi32, #tpu.memory_space<hbm>>, %arg3: memref<640xf32, #tpu.memory_space<hbm>>, %arg4: memref<20480xf32, #tpu.memory_space<hbm>>, %arg5: memref<2x40x128xi32, #tpu.memory_space<vmem>>, %arg6: memref<128xf32, #tpu.memory_space<vmem>>, %arg7: memref<10240xf32, #tpu.memory_space<vmem_shared>>, %arg8: memref<!tpu.dma_semaphore, #tpu.memory_space<semaphore_mem>>) attributes {dimension_semantics = [#tpu.dimension_semantics<core_parallel>, #tpu.dimension_semantics<subcore_parallel>], iteration_bounds = array<i64: 2, 16>, scalar_prefetch = 0 : i64, scratch_operands = 4 : i64, tpu.core_type = #tpu.core_type<sc_vector_subcore>, window_params = [{transform_indices = #map}, {transform_indices = #map1}, {transform_indices = #map1}]} {
    %mul3A = arith.constant 2 : i32
    %mul3A_0 = arith.muli %arg1, %mul3A : i32
    %add3A = arith.addi %mul3A_0, %arg0 : i32
    "tpu.region"() ({
      %run_scoped3A = tpu.sem_alloc : memref<!tpu.dma_semaphore, #tpu.memory_space<semaphore_mem>>
      %dma_start3A = arith.constant 0 : i32
      %dma_start3A_68 = arith.constant 0 : i32
      %dma_start3A_69 = arith.constant 0 : i32
      %dma_start3A_70 = tpu.memref_slice %arg2[%add3A, %dma_start3A, %dma_start3A_68, %dma_start3A_69] : memref<32x2x40x128xi32, #tpu.memory_space<hbm>> -> memref<1x2x40x128xi32, #tpu.memory_space<hbm>>
      %dma_start3A_71 = tpu.memref_squeeze %dma_start3A_70 : memref<1x2x40x128xi32, #tpu.memory_space<hbm>> -> memref<2x40x128xi32, #tpu.memory_space<hbm>>
      %dma_start3A_72 = arith.constant 0 : i32
      %dma_start3A_73 = arith.constant 0 : i32
      %dma_start3A_74 = arith.constant 0 : i32
      %dma_start3A_75 = tpu.memref_slice %arg2[%add3A, %dma_start3A_72, %dma_start3A_73, %dma_start3A_74] : memref<32x2x40x128xi32, #tpu.memory_space<hbm>> -> memref<1x2x40x128xi32, #tpu.memory_space<hbm>>
      %dma_start3A_76 = tpu.memref_squeeze %dma_start3A_75 : memref<1x2x40x128xi32, #tpu.memory_space<hbm>> -> memref<2x40x128xi32, #tpu.memory_space<hbm>>
      tpu.enqueue_dma source(%dma_start3A_76 : memref<2x40x128xi32, #tpu.memory_space<hbm>>) target(%arg5 : memref<2x40x128xi32, #tpu.memory_space<vmem>>) target_semaphore(%run_scoped3A : memref<!tpu.dma_semaphore, #tpu.memory_space<semaphore_mem>>)
      %dma_wait3A = arith.constant 0 : i32
      %dma_wait3A_77 = arith.constant 0 : i32
      %dma_wait3A_78 = arith.constant 0 : i32
      %dma_wait3A_79 = tpu.memref_slice %arg2[%add3A, %dma_wait3A, %dma_wait3A_77, %dma_wait3A_78] : memref<32x2x40x128xi32, #tpu.memory_space<hbm>> -> memref<1x2x40x128xi32, #tpu.memory_space<hbm>>
      %dma_wait3A_80 = tpu.memref_squeeze %dma_wait3A_79 : memref<1x2x40x128xi32, #tpu.memory_space<hbm>> -> memref<2x40x128xi32, #tpu.memory_space<hbm>>
      %dma_wait3A_81 = arith.constant 0 : i32
      %dma_wait3A_82 = arith.constant 0 : i32
      %dma_wait3A_83 = arith.constant 0 : i32
      %dma_wait3A_84 = tpu.memref_slice %arg2[%add3A, %dma_wait3A_81, %dma_wait3A_82, %dma_wait3A_83] : memref<32x2x40x128xi32, #tpu.memory_space<hbm>> -> memref<1x2x40x128xi32, #tpu.memory_space<hbm>>
      %dma_wait3A_85 = tpu.memref_squeeze %dma_wait3A_84 : memref<1x2x40x128xi32, #tpu.memory_space<hbm>> -> memref<2x40x128xi32, #tpu.memory_space<hbm>>
      tpu.wait_dma2 semaphore(%run_scoped3A : memref<!tpu.dma_semaphore, #tpu.memory_space<semaphore_mem>>) src(%dma_wait3A_85 : memref<2x40x128xi32, #tpu.memory_space<hbm>>) dst(%arg5 : memref<2x40x128xi32, #tpu.memory_space<vmem>>)
      tpu.yield
    }) : () -> ()
    %broadcast_in_dim3A = arith.constant 1.000000e+00 : f32
    %broadcast_in_dim3A_1 = vector.broadcast %broadcast_in_dim3A : f32 to vector<16xf32>
    %swap3A = arith.constant 0 : index
    %swap3A_2 = tpu.vector_load %arg6[%swap3A] {strides = array<i32>} : memref<128xf32, #tpu.memory_space<vmem>>, vector<16xf32>,
    %swap3A_3 = vector.shape_cast %swap3A_2 : vector<16xf32> to vector<16xf32>
    %swap3A_4 = vector.shape_cast %broadcast_in_dim3A_1 : vector<16xf32> to vector<16xf32>
    tpu.vector_store %arg6[%swap3A], %swap3A_4 {strides = array<i32>} : memref<128xf32, #tpu.memory_space<vmem>>, vector<16xf32>,
    %broadcast_in_dim3A_5 = arith.constant 1.000000e+00 : f32
    %broadcast_in_dim3A_6 = vector.broadcast %broadcast_in_dim3A_5 : f32 to vector<16xf32>
    %swap3A_7 = arith.constant 16 : index
    %swap3A_8 = tpu.vector_load %arg6[%swap3A_7] {strides = array<i32>} : memref<128xf32, #tpu.memory_space<vmem>>, vector<16xf32>,
    %swap3A_9 = vector.shape_cast %swap3A_8 : vector<16xf32> to vector<16xf32>
    %swap3A_10 = vector.shape_cast %broadcast_in_dim3A_6 : vector<16xf32> to vector<16xf32>
    tpu.vector_store %arg6[%swap3A_7], %swap3A_10 {strides = array<i32>} : memref<128xf32, #tpu.memory_space<vmem>>, vector<16xf32>,
    %broadcast_in_dim3A_11 = arith.constant 1.000000e+00 : f32
    %broadcast_in_dim3A_12 = vector.broadcast %broadcast_in_dim3A_11 : f32 to vector<16xf32>
    %swap3A_13 = arith.constant 32 : index
    %swap3A_14 = tpu.vector_load %arg6[%swap3A_13] {strides = array<i32>} : memref<128xf32, #tpu.memory_space<vmem>>, vector<16xf32>,
    %swap3A_15 = vector.shape_cast %swap3A_14 : vector<16xf32> to vector<16xf32>
    %swap3A_16 = vector.shape_cast %broadcast_in_dim3A_12 : vector<16xf32> to vector<16xf32>
    tpu.vector_store %arg6[%swap3A_13], %swap3A_16 {strides = array<i32>} : memref<128xf32, #tpu.memory_space<vmem>>, vector<16xf32>,
    %broadcast_in_dim3A_17 = arith.constant 1.000000e+00 : f32
    %broadcast_in_dim3A_18 = vector.broadcast %broadcast_in_dim3A_17 : f32 to vector<16xf32>
    %swap3A_19 = arith.constant 48 : index
    %swap3A_20 = tpu.vector_load %arg6[%swap3A_19] {strides = array<i32>} : memref<128xf32, #tpu.memory_space<vmem>>, vector<16xf32>,
    %swap3A_21 = vector.shape_cast %swap3A_20 : vector<16xf32> to vector<16xf32>
    %swap3A_22 = vector.shape_cast %broadcast_in_dim3A_18 : vector<16xf32> to vector<16xf32>
    tpu.vector_store %arg6[%swap3A_19], %swap3A_22 {strides = array<i32>} : memref<128xf32, #tpu.memory_space<vmem>>, vector<16xf32>,
    %broadcast_in_dim3A_23 = arith.constant 1.000000e+00 : f32
    %broadcast_in_dim3A_24 = vector.broadcast %broadcast_in_dim3A_23 : f32 to vector<16xf32>
    %swap3A_25 = arith.constant 64 : index
    %swap3A_26 = tpu.vector_load %arg6[%swap3A_25] {strides = array<i32>} : memref<128xf32, #tpu.memory_space<vmem>>, vector<16xf32>,
    %swap3A_27 = vector.shape_cast %swap3A_26 : vector<16xf32> to vector<16xf32>
    %swap3A_28 = vector.shape_cast %broadcast_in_dim3A_24 : vector<16xf32> to vector<16xf32>
    tpu.vector_store %arg6[%swap3A_25], %swap3A_28 {strides = array<i32>} : memref<128xf32, #tpu.memory_space<vmem>>, vector<16xf32>,
    %broadcast_in_dim3A_29 = arith.constant 1.000000e+00 : f32
    %broadcast_in_dim3A_30 = vector.broadcast %broadcast_in_dim3A_29 : f32 to vector<16xf32>
    %swap3A_31 = arith.constant 80 : index
    %swap3A_32 = tpu.vector_load %arg6[%swap3A_31] {strides = array<i32>} : memref<128xf32, #tpu.memory_space<vmem>>, vector<16xf32>,
    %swap3A_33 = vector.shape_cast %swap3A_32 : vector<16xf32> to vector<16xf32>
    %swap3A_34 = vector.shape_cast %broadcast_in_dim3A_30 : vector<16xf32> to vector<16xf32>
    tpu.vector_store %arg6[%swap3A_31], %swap3A_34 {strides = array<i32>} : memref<128xf32, #tpu.memory_space<vmem>>, vector<16xf32>,
    %broadcast_in_dim3A_35 = arith.constant 1.000000e+00 : f32
    %broadcast_in_dim3A_36 = vector.broadcast %broadcast_in_dim3A_35 : f32 to vector<16xf32>
    %swap3A_37 = arith.constant 96 : index
    %swap3A_38 = tpu.vector_load %arg6[%swap3A_37] {strides = array<i32>} : memref<128xf32, #tpu.memory_space<vmem>>, vector<16xf32>,
    %swap3A_39 = vector.shape_cast %swap3A_38 : vector<16xf32> to vector<16xf32>
    %swap3A_40 = vector.shape_cast %broadcast_in_dim3A_36 : vector<16xf32> to vector<16xf32>
    tpu.vector_store %arg6[%swap3A_37], %swap3A_40 {strides = array<i32>} : memref<128xf32, #tpu.memory_space<vmem>>, vector<16xf32>,
    %broadcast_in_dim3A_41 = arith.constant 1.000000e+00 : f32
    %broadcast_in_dim3A_42 = vector.broadcast %broadcast_in_dim3A_41 : f32 to vector<16xf32>
    %swap3A_43 = arith.constant 112 : index
    %swap3A_44 = tpu.vector_load %arg6[%swap3A_43] {strides = array<i32>} : memref<128xf32, #tpu.memory_space<vmem>>, vector<16xf32>,
    %swap3A_45 = vector.shape_cast %swap3A_44 : vector<16xf32> to vector<16xf32>
    %swap3A_46 = vector.shape_cast %broadcast_in_dim3A_42 : vector<16xf32> to vector<16xf32>
    tpu.vector_store %arg6[%swap3A_43], %swap3A_46 {strides = array<i32>} : memref<128xf32, #tpu.memory_space<vmem>>, vector<16xf32>,
    %mul3A_47 = arith.constant 640 : i32
    %mul3A_48 = arith.muli %arg1, %mul3A_47 : i32
    "tpu.region"() ({
      %run_scoped3A = tpu.sem_alloc : memref<!tpu.dma_semaphore, #tpu.memory_space<semaphore_mem>>
      %dma_start3A = tpu.memref_slice %arg7[%mul3A_48] : memref<10240xf32, #tpu.memory_space<vmem_shared>> -> memref<640xf32, #tpu.memory_space<vmem_shared>>
      tpu.enqueue_dma source(%arg3 : memref<640xf32, #tpu.memory_space<hbm>>) target(%dma_start3A : memref<640xf32, #tpu.memory_space<vmem_shared>>) target_semaphore(%run_scoped3A : memref<!tpu.dma_semaphore, #tpu.memory_space<semaphore_mem>>)
      %dma_wait3A = tpu.memref_slice %arg7[%mul3A_48] : memref<10240xf32, #tpu.memory_space<vmem_shared>> -> memref<640xf32, #tpu.memory_space<vmem_shared>>
      tpu.wait_dma2 semaphore(%run_scoped3A : memref<!tpu.dma_semaphore, #tpu.memory_space<semaphore_mem>>) src(%arg3 : memref<640xf32, #tpu.memory_space<hbm>>) dst(%dma_wait3A : memref<640xf32, #tpu.memory_space<vmem_shared>>)
      tpu.yield
    }) : () -> ()
    %barrier3A = arith.constant 0 : index
    tpu.barrier barrier_id(%barrier3A)
    %scan3A = arith.constant 0 : i32
    %scan3A_49 = arith.constant 0 : i32
    %scan3A_50 = arith.constant 40 : i32
    %scan3A_51 = arith.addi %scan3A_49, %scan3A_50 : i32
    %scan3A_52 = arith.constant 1 : i32
    scf.for %scan3A_68 = %scan3A_49 to %scan3A_51 step %scan3A_52  : i32 {
      %run_scoped3A = arith.constant 0 : i32
      "tpu.region"() ({
        %run_scoped3A_69 = tpu.sem_alloc : memref<!tpu.dma_semaphore, #tpu.memory_space<semaphore_mem>>
        %dma_start3A = arith.constant 0 : i32
        %dma_start3A_70 = tpu.memref_slice %arg5[%run_scoped3A, %scan3A_68, %dma_start3A] : memref<2x40x128xi32, #tpu.memory_space<vmem>> -> memref<1x1x128xi32, #tpu.memory_space<vmem>>
        %dma_start3A_71 = tpu.memref_squeeze %dma_start3A_70 : memref<1x1x128xi32, #tpu.memory_space<vmem>> -> memref<128xi32, #tpu.memory_space<vmem>>
        %dma_start3A_72 = arith.constant 0 : i32
        %dma_start3A_73 = tpu.memref_slice %arg7[%dma_start3A_72] : memref<10240xf32, #tpu.memory_space<vmem_shared>> -> memref<10240xf32, #tpu.memory_space<vmem_shared>>
        tpu.enqueue_indirect_dma source(%arg6 : memref<128xf32, #tpu.memory_space<vmem>>) target(%dma_start3A_73 : memref<10240xf32, #tpu.memory_space<vmem_shared>>) offsets(%dma_start3A_71 : memref<128xi32, #tpu.memory_space<vmem>>) semaphore(%run_scoped3A_69 : memref<!tpu.dma_semaphore, #tpu.memory_space<semaphore_mem>>) {add = true}
        %dma_wait3A = arith.constant 0 : i32
        %dma_wait3A_74 = tpu.memref_slice %arg5[%run_scoped3A, %scan3A_68, %dma_wait3A] : memref<2x40x128xi32, #tpu.memory_space<vmem>> -> memref<1x1x128xi32, #tpu.memory_space<vmem>>
        %dma_wait3A_75 = tpu.memref_squeeze %dma_wait3A_74 : memref<1x1x128xi32, #tpu.memory_space<vmem>> -> memref<128xi32, #tpu.memory_space<vmem>>
        %dma_wait3A_76 = arith.constant 0 : i32
        %dma_wait3A_77 = tpu.memref_slice %arg7[%dma_wait3A_76] : memref<10240xf32, #tpu.memory_space<vmem_shared>> -> memref<10240xf32, #tpu.memory_space<vmem_shared>>
        tpu.wait_indirect_dma semaphore(%run_scoped3A_69 : memref<!tpu.dma_semaphore, #tpu.memory_space<semaphore_mem>>) src(%arg6 : memref<128xf32, #tpu.memory_space<vmem>>) dst(%dma_wait3A_77 : memref<10240xf32, #tpu.memory_space<vmem_shared>>)
        tpu.yield
      }) : () -> ()
    }
    %scan3A_53 = arith.constant 40 : i32
    %scan3A_54 = arith.constant 0 : i32
    %scan3A_55 = arith.constant 0 : i32
    %scan3A_56 = arith.constant 40 : i32
    %scan3A_57 = arith.addi %scan3A_55, %scan3A_56 : i32
    %scan3A_58 = arith.constant 1 : i32
    scf.for %scan3A_68 = %scan3A_55 to %scan3A_57 step %scan3A_58  : i32 {
      %run_scoped3A = arith.constant 1 : i32
      "tpu.region"() ({
        %run_scoped3A_69 = tpu.sem_alloc : memref<!tpu.dma_semaphore, #tpu.memory_space<semaphore_mem>>
        %dma_start3A = arith.constant 0 : i32
        %dma_start3A_70 = tpu.memref_slice %arg5[%run_scoped3A, %scan3A_68, %dma_start3A] : memref<2x40x128xi32, #tpu.memory_space<vmem>> -> memref<1x1x128xi32, #tpu.memory_space<vmem>>
        %dma_start3A_71 = tpu.memref_squeeze %dma_start3A_70 : memref<1x1x128xi32, #tpu.memory_space<vmem>> -> memref<128xi32, #tpu.memory_space<vmem>>
        %dma_start3A_72 = arith.constant 0 : i32
        %dma_start3A_73 = tpu.memref_slice %arg7[%dma_start3A_72] : memref<10240xf32, #tpu.memory_space<vmem_shared>> -> memref<10240xf32, #tpu.memory_space<vmem_shared>>
        tpu.enqueue_indirect_dma source(%arg6 : memref<128xf32, #tpu.memory_space<vmem>>) target(%dma_start3A_73 : memref<10240xf32, #tpu.memory_space<vmem_shared>>) offsets(%dma_start3A_71 : memref<128xi32, #tpu.memory_space<vmem>>) semaphore(%run_scoped3A_69 : memref<!tpu.dma_semaphore, #tpu.memory_space<semaphore_mem>>) {add = true}
        %dma_wait3A = arith.constant 0 : i32
        %dma_wait3A_74 = tpu.memref_slice %arg5[%run_scoped3A, %scan3A_68, %dma_wait3A] : memref<2x40x128xi32, #tpu.memory_space<vmem>> -> memref<1x1x128xi32, #tpu.memory_space<vmem>>
        %dma_wait3A_75 = tpu.memref_squeeze %dma_wait3A_74 : memref<1x1x128xi32, #tpu.memory_space<vmem>> -> memref<128xi32, #tpu.memory_space<vmem>>
        %dma_wait3A_76 = arith.constant 0 : i32
        %dma_wait3A_77 = tpu.memref_slice %arg7[%dma_wait3A_76] : memref<10240xf32, #tpu.memory_space<vmem_shared>> -> memref<10240xf32, #tpu.memory_space<vmem_shared>>
        tpu.wait_indirect_dma semaphore(%run_scoped3A_69 : memref<!tpu.dma_semaphore, #tpu.memory_space<semaphore_mem>>) src(%arg6 : memref<128xf32, #tpu.memory_space<vmem>>) dst(%dma_wait3A_77 : memref<10240xf32, #tpu.memory_space<vmem_shared>>)
        tpu.yield
      }) : () -> ()
    }
    %scan3A_59 = arith.constant 40 : i32
    %barrier3A_60 = arith.constant 0 : index
    tpu.barrier barrier_id(%barrier3A_60)
    %mul3A_61 = arith.constant 640 : i32
    %mul3A_62 = arith.muli %arg1, %mul3A_61 : i32
    %mul3A_63 = arith.constant 10240 : i32
    %mul3A_64 = arith.muli %arg0, %mul3A_63 : i32
    %mul3A_65 = arith.constant 640 : i32
    %mul3A_66 = arith.muli %arg1, %mul3A_65 : i32
    %add3A_67 = arith.addi %mul3A_64, %mul3A_66 : i32
    "tpu.region"() ({
      %run_scoped3A = tpu.sem_alloc : memref<!tpu.dma_semaphore, #tpu.memory_space<semaphore_mem>>
      %dma_start3A = tpu.memref_slice %arg4[%add3A_67] : memref<20480xf32, #tpu.memory_space<hbm>> -> memref<640xf32, #tpu.memory_space<hbm>>
      %dma_start3A_68 = tpu.memref_slice %arg7[%mul3A_62] : memref<10240xf32, #tpu.memory_space<vmem_shared>> -> memref<640xf32, #tpu.memory_space<vmem_shared>>
      tpu.enqueue_dma source(%dma_start3A_68 : memref<640xf32, #tpu.memory_space<vmem_shared>>) target(%dma_start3A : memref<640xf32, #tpu.memory_space<hbm>>) target_semaphore(%run_scoped3A : memref<!tpu.dma_semaphore, #tpu.memory_space<semaphore_mem>>)
      %dma_wait3A = tpu.memref_slice %arg4[%add3A_67] : memref<20480xf32, #tpu.memory_space<hbm>> -> memref<640xf32, #tpu.memory_space<hbm>>
      %dma_wait3A_69 = tpu.memref_slice %arg7[%mul3A_62] : memref<10240xf32, #tpu.memory_space<vmem_shared>> -> memref<640xf32, #tpu.memory_space<vmem_shared>>
      tpu.wait_dma2 semaphore(%run_scoped3A : memref<!tpu.dma_semaphore, #tpu.memory_space<semaphore_mem>>) src(%dma_wait3A_69 : memref<640xf32, #tpu.memory_space<vmem_shared>>) dst(%dma_wait3A : memref<640xf32, #tpu.memory_space<hbm>>)
      tpu.yield
    }) : () -> ()
    return
  }
}

module attributes {stable_mosaic.version = 14 : i64} {
  func.func @_pre_body(%arg0: i32, %arg1: memref<1000x128xf32, #tpu.memory_space<vmem>>, %arg2: memref<2x1000x1xf32, #tpu.memory_space<vmem>>, %arg3: memref<128x128xf32, #tpu.memory_space<vmem>>, %arg4: memref<1000x1xf32, #tpu.memory_space<vmem>>, %arg5: memref<1000x128xf32, #tpu.memory_space<vmem>>) attributes {dimension_semantics = [#tpu.dimension_semantics<arbitrary>], iteration_bounds = array<i64: 10>, scalar_prefetch = 0 : i64, scratch_operands = 0 : i64, tpu.core_type = #tpu.core_type<tc>, window_params = [{transform_indices = @transform_0, window_bounds = array<i64: 1000, 128>}, {transform_indices = @transform_1, window_bounds = array<i64: 2, 1000, 1>}, {pipeline_mode = #tpu.pipeline_mode<synchronous>, transform_indices = @transform_2, window_bounds = array<i64: 128, 128>}, {transform_indices = @transform_3, window_bounds = array<i64: 1000, 1>}, {transform_indices = @transform_4, window_bounds = array<i64: 1000, 128>}]} {
    %get3A = arith.constant 0 : index
    %get3A_0 = arith.constant 0 : index
    %get3A_1 = arith.constant 0 : index
    %get3A_2 = vector.load %arg2[%get3A, %get3A_0, %get3A_1] : memref<2x1000x1xf32, #tpu.memory_space<vmem>>, vector<1x1000x1xf32>
    %get3A_3 = vector.shape_cast %get3A_2 : vector<1x1000x1xf32> to vector<1000x1xf32>
    %get3A_4 = arith.constant 1 : index
    %get3A_5 = arith.constant 0 : index
    %get3A_6 = arith.constant 0 : index
    %get3A_7 = vector.load %arg2[%get3A_4, %get3A_5, %get3A_6] : memref<2x1000x1xf32, #tpu.memory_space<vmem>>, vector<1x1000x1xf32>
    %get3A_8 = vector.shape_cast %get3A_7 : vector<1x1000x1xf32> to vector<1000x1xf32>
    %add3A = arith.addf %get3A_3, %get3A_8 : vector<1000x1xf32>
    %add3A_9 = arith.constant 1.000000e+00 : f32
    %add3A_10 = vector.broadcast %add3A_9 : f32 to vector<1000x1xf32>
    %add3A_11 = arith.addf %add3A, %add3A_10 : vector<1000x1xf32>
    %rsqrt3A = math.rsqrt %add3A_11 : vector<1000x1xf32>
    %swap3A = arith.constant 0 : index
    %swap3A_12 = arith.constant 0 : index
    %swap3A_13 = vector.load %arg4[%swap3A, %swap3A_12] : memref<1000x1xf32, #tpu.memory_space<vmem>>, vector<1000x1xf32>
    tpu.vector_store %arg4[%swap3A, %swap3A_12], %rsqrt3A {strides = array<i32>} : memref<1000x1xf32, #tpu.memory_space<vmem>>, vector<1000x1xf32>,
    %get3A_14 = arith.constant 0 : index
    %get3A_15 = arith.constant 0 : index
    %get3A_16 = vector.load %arg1[%get3A_14, %get3A_15] : memref<1000x128xf32, #tpu.memory_space<vmem>>, vector<1000x128xf32>
    %mul3A = vector.broadcast %rsqrt3A : vector<1000x1xf32> to vector<1000x128xf32>
    %mul3A_17 = arith.mulf %mul3A, %get3A_16 : vector<1000x128xf32>
    %get3A_18 = arith.constant 0 : index
    %get3A_19 = arith.constant 0 : index
    %get3A_20 = vector.load %arg3[%get3A_18, %get3A_19] : memref<128x128xf32, #tpu.memory_space<vmem>>, vector<128x128xf32>
    %dot_general3A = arith.constant dense<0.000000e+00> : vector<1000x128xf32>
    %dot_general3A_21 = tpu.matmul %mul3A_17, %get3A_20, %dot_general3A {dimension_numbers = #tpu.dot_dimension_numbers<[1], [0], [0], [1], [0, 0, 1, 1], [], []>, transpose_lhs_hint = false} : vector<1000x128xf32>, vector<128x128xf32>, vector<1000x128xf32> -> vector<1000x128xf32>
    %swap3A_22 = arith.constant 0 : index
    %swap3A_23 = arith.constant 0 : index
    %swap3A_24 = vector.load %arg5[%swap3A_22, %swap3A_23] : memref<1000x128xf32, #tpu.memory_space<vmem>>, vector<1000x128xf32>
    tpu.vector_store %arg5[%swap3A_22, %swap3A_23], %dot_general3A_21 {strides = array<i32>} : memref<1000x128xf32, #tpu.memory_space<vmem>>, vector<1000x128xf32>,
    return
  }
  func.func @transform_0(%arg0: i32) -> (i32, i32) {
    %c0_i32 = arith.constant 0 : i32
    %c0_i32_0 = arith.constant 0 : i32
    return %arg0, %c0_i32 : i32, i32
  }
  func.func @transform_1(%arg0: i32) -> (i32, i32, i32) {
    %c0_i32 = arith.constant 0 : i32
    %c0_i32_0 = arith.constant 0 : i32
    %c0_i32_1 = arith.constant 0 : i32
    return %c0_i32, %arg0, %c0_i32_0 : i32, i32, i32
  }
  func.func @transform_2(%arg0: i32) -> (i32, i32) {
    %c0_i32 = arith.constant 0 : i32
    %c0_i32_0 = arith.constant 0 : i32
    %c0_i32_1 = arith.constant 0 : i32
    return %c0_i32, %c0_i32_0 : i32, i32
  }
  func.func @transform_3(%arg0: i32) -> (i32, i32) {
    %c0_i32 = arith.constant 0 : i32
    %c0_i32_0 = arith.constant 0 : i32
    return %arg0, %c0_i32 : i32, i32
  }
  func.func @transform_4(%arg0: i32) -> (i32, i32) {
    %c0_i32 = arith.constant 0 : i32
    %c0_i32_0 = arith.constant 0 : i32
    return %arg0, %c0_i32 : i32, i32
  }
}

module attributes {stable_mosaic.version = 14 : i64} {
  func.func @_layer0_body(%arg0: i32, %arg1: memref<2x1000x128xf32, #tpu.memory_space<vmem>>, %arg2: memref<1000x128xf32, #tpu.memory_space<vmem>>, %arg3: memref<1000x1xf32, #tpu.memory_space<vmem>>, %arg4: memref<1x128xf32, #tpu.memory_space<vmem>>, %arg5: memref<128x64xf32, #tpu.memory_space<vmem>>, %arg6: memref<1x64xf32, #tpu.memory_space<vmem>>, %arg7: memref<64x2xf32, #tpu.memory_space<vmem>>, %arg8: memref<1x2xf32, #tpu.memory_space<vmem>>, %arg9: memref<1000x2xf32, #tpu.memory_space<vmem>>, %arg10: memref<128x128xf32, #tpu.memory_space<vmem>>, %arg11: memref<1000x128xf32, #tpu.memory_space<vmem>>, %arg12: memref<1000x1xi32, #tpu.memory_space<vmem>>, %arg13: memref<1000x1xf32, #tpu.memory_space<vmem>>, %arg14: memref<1000x128xf32, #tpu.memory_space<vmem>>, %arg15: memref<1x1xi32, #tpu.memory_space<smem>>) attributes {dimension_semantics = [#tpu.dimension_semantics<arbitrary>], iteration_bounds = array<i64: 10>, scalar_prefetch = 0 : i64, scratch_operands = 0 : i64, tpu.core_type = #tpu.core_type<tc>, window_params = [{transform_indices = @transform_0, window_bounds = array<i64: 2, 1000, 128>}, {transform_indices = @transform_1, window_bounds = array<i64: 1000, 128>}, {transform_indices = @transform_2, window_bounds = array<i64: 1000, 1>}, {pipeline_mode = #tpu.pipeline_mode<synchronous>, transform_indices = @transform_3, window_bounds = array<i64: 1, 128>}, {pipeline_mode = #tpu.pipeline_mode<synchronous>, transform_indices = @transform_4, window_bounds = array<i64: 128, 64>}, {pipeline_mode = #tpu.pipeline_mode<synchronous>, transform_indices = @transform_5, window_bounds = array<i64: 1, 64>}, {pipeline_mode = #tpu.pipeline_mode<synchronous>, transform_indices = @transform_6, window_bounds = array<i64: 64, 2>}, {pipeline_mode = #tpu.pipeline_mode<synchronous>, transform_indices = @transform_7, window_bounds = array<i64: 1, 2>}, {transform_indices = @transform_8, window_bounds = array<i64: 1000, 2>}, {pipeline_mode = #tpu.pipeline_mode<synchronous>, transform_indices = @transform_9, window_bounds = array<i64: 128, 128>}, {transform_indices = @transform_10, window_bounds = array<i64: 1000, 128>}, {transform_indices = @transform_11, window_bounds = array<i64: 1000, 1>}, {transform_indices = @transform_12, window_bounds = array<i64: 1000, 1>}, {transform_indices = @transform_13, window_bounds = array<i64: 1000, 128>}, {transform_indices = @transform_14, window_bounds = array<i64: 1, 1>}]} {
    %get3A = arith.constant 0 : index
    %get3A_0 = arith.constant 0 : index
    %get3A_1 = vector.load %arg3[%get3A, %get3A_0] : memref<1000x1xf32, #tpu.memory_space<vmem>>, vector<1000x1xf32>
    %get3A_2 = arith.constant 0 : index
    %get3A_3 = arith.constant 0 : index
    %get3A_4 = arith.constant 0 : index
    %get3A_5 = vector.load %arg1[%get3A_2, %get3A_3, %get3A_4] : memref<2x1000x128xf32, #tpu.memory_space<vmem>>, vector<1x1000x128xf32>
    %get3A_6 = vector.shape_cast %get3A_5 : vector<1x1000x128xf32> to vector<1000x128xf32>
    %get3A_7 = arith.constant 1 : index
    %get3A_8 = arith.constant 0 : index
    %get3A_9 = arith.constant 0 : index
    %get3A_10 = vector.load %arg1[%get3A_7, %get3A_8, %get3A_9] : memref<2x1000x128xf32, #tpu.memory_space<vmem>>, vector<1x1000x128xf32>
    %get3A_11 = vector.shape_cast %get3A_10 : vector<1x1000x128xf32> to vector<1000x128xf32>
    %add3A = arith.addf %get3A_6, %get3A_11 : vector<1000x128xf32>
    %get3A_12 = arith.constant 0 : index
    %get3A_13 = arith.constant 0 : index
    %get3A_14 = vector.load %arg2[%get3A_12, %get3A_13] : memref<1000x128xf32, #tpu.memory_space<vmem>>, vector<1000x128xf32>
    %add3A_15 = arith.addf %add3A, %get3A_14 : vector<1000x128xf32>
    %mul3A = vector.broadcast %get3A_1 : vector<1000x1xf32> to vector<1000x128xf32>
    %mul3A_16 = arith.mulf %mul3A, %add3A_15 : vector<1000x128xf32>
    %get3A_17 = arith.constant 0 : index
    %get3A_18 = arith.constant 0 : index
    %get3A_19 = vector.load %arg4[%get3A_17, %get3A_18] : memref<1x128xf32, #tpu.memory_space<vmem>>, vector<1x128xf32>
    %add3A_20 = vector.broadcast %get3A_19 : vector<1x128xf32> to vector<1000x128xf32>
    %add3A_21 = arith.addf %mul3A_16, %add3A_20 : vector<1000x128xf32>
    %mul3A_22 = arith.constant 5.000000e-01 : f32
    %mul3A_23 = vector.broadcast %mul3A_22 : f32 to vector<1000x128xf32>
    %mul3A_24 = arith.mulf %mul3A_23, %add3A_21 : vector<1000x128xf32>
    %mul3A_25 = arith.constant 0.707106769 : f32
    %mul3A_26 = vector.broadcast %mul3A_25 : f32 to vector<1000x128xf32>
    %mul3A_27 = arith.mulf %add3A_21, %mul3A_26 : vector<1000x128xf32>
    %erf3A = math.erf %mul3A_27 : vector<1000x128xf32>
    %add3A_28 = arith.constant 1.000000e+00 : f32
    %add3A_29 = vector.broadcast %add3A_28 : f32 to vector<1000x128xf32>
    %add3A_30 = arith.addf %add3A_29, %erf3A : vector<1000x128xf32>
    %mul3A_31 = arith.mulf %mul3A_24, %add3A_30 : vector<1000x128xf32>
    %get3A_32 = arith.constant 0 : index
    %get3A_33 = arith.constant 0 : index
    %get3A_34 = vector.load %arg5[%get3A_32, %get3A_33] : memref<128x64xf32, #tpu.memory_space<vmem>>, vector<128x64xf32>
    %dot_general3A = arith.constant dense<0.000000e+00> : vector<1000x64xf32>
    %dot_general3A_35 = tpu.matmul %mul3A_31, %get3A_34, %dot_general3A {dimension_numbers = #tpu.dot_dimension_numbers<[1], [0], [0], [1], [0, 0, 1, 1], [], []>, transpose_lhs_hint = false} : vector<1000x128xf32>, vector<128x64xf32>, vector<1000x64xf32> -> vector<1000x64xf32>
    %get3A_36 = arith.constant 0 : index
    %get3A_37 = arith.constant 0 : index
    %get3A_38 = vector.load %arg6[%get3A_36, %get3A_37] : memref<1x64xf32, #tpu.memory_space<vmem>>, vector<1x64xf32>
    %add3A_39 = vector.broadcast %get3A_38 : vector<1x64xf32> to vector<1000x64xf32>
    %add3A_40 = arith.addf %dot_general3A_35, %add3A_39 : vector<1000x64xf32>
    %max3A = arith.constant 0.000000e+00 : f32
    %max3A_41 = vector.broadcast %max3A : f32 to vector<1000x64xf32>
    %max3A_42 = arith.maximumf %add3A_40, %max3A_41 : vector<1000x64xf32>
    %get3A_43 = arith.constant 0 : index
    %get3A_44 = arith.constant 0 : index
    %get3A_45 = vector.load %arg7[%get3A_43, %get3A_44] : memref<64x2xf32, #tpu.memory_space<vmem>>, vector<64x2xf32>
    %dot_general3A_46 = arith.constant dense<0.000000e+00> : vector<1000x2xf32>
    %dot_general3A_47 = tpu.matmul %max3A_42, %get3A_45, %dot_general3A_46 {dimension_numbers = #tpu.dot_dimension_numbers<[1], [0], [0], [1], [0, 0, 1, 1], [], []>, transpose_lhs_hint = false} : vector<1000x64xf32>, vector<64x2xf32>, vector<1000x2xf32> -> vector<1000x2xf32>
    %get3A_48 = arith.constant 0 : index
    %get3A_49 = arith.constant 0 : index
    %get3A_50 = vector.load %arg8[%get3A_48, %get3A_49] : memref<1x2xf32, #tpu.memory_space<vmem>>, vector<1x2xf32>
    %add3A_51 = vector.broadcast %get3A_50 : vector<1x2xf32> to vector<1000x2xf32>
    %add3A_52 = arith.addf %dot_general3A_47, %add3A_51 : vector<1000x2xf32>
    %get3A_53 = arith.constant 0 : index
    %get3A_54 = arith.constant 0 : index
    %get3A_55 = vector.load %arg9[%get3A_53, %get3A_54] : memref<1000x2xf32, #tpu.memory_space<vmem>>, vector<1000x2xf32>
    %add3A_56 = arith.addf %add3A_52, %get3A_55 : vector<1000x2xf32>
    %slice3A = vector.extract_strided_slice %add3A_56 {offsets = [0, 1], sizes = [1000, 1], strides = [1, 1]} : vector<1000x2xf32> to vector<1000x1xf32>
    %slice3A_57 = vector.extract_strided_slice %add3A_56 {offsets = [0, 0], sizes = [1000, 1], strides = [1, 1]} : vector<1000x2xf32> to vector<1000x1xf32>
    %gt3A = arith.cmpf ogt, %slice3A, %slice3A_57 : vector<1000x1xf32>
    %convert_element_type3A = arith.extui %gt3A : vector<1000x1xi1> to vector<1000x1xi32>
    %convert_element_type3A_58 = arith.sitofp %convert_element_type3A : vector<1000x1xi32> to vector<1000x1xf32>
    %mul3A_59 = vector.broadcast %convert_element_type3A_58 : vector<1000x1xf32> to vector<1000x128xf32>
    %mul3A_60 = arith.mulf %mul3A_31, %mul3A_59 : vector<1000x128xf32>
    %swap3A = arith.constant 0 : index
    %swap3A_61 = arith.constant 0 : index
    %swap3A_62 = vector.load %arg11[%swap3A, %swap3A_61] : memref<1000x128xf32, #tpu.memory_space<vmem>>, vector<1000x128xf32>
    tpu.vector_store %arg11[%swap3A, %swap3A_61], %mul3A_60 {strides = array<i32>} : memref<1000x128xf32, #tpu.memory_space<vmem>>, vector<1000x128xf32>,
    %gt3A_63 = arith.constant 0.000000e+00 : f32
    %gt3A_64 = vector.broadcast %gt3A_63 : f32 to vector<1000x1xf32>
    %gt3A_65 = arith.cmpf ogt, %convert_element_type3A_58, %gt3A_64 : vector<1000x1xf32>
    %jit3A = arith.constant 0 : i32
    %jit3A_66 = arith.constant 3 : i32
    %broadcast_in_dim3A = vector.broadcast %jit3A : i32 to vector<1000x1xi32>
    %broadcast_in_dim3A_67 = vector.broadcast %jit3A_66 : i32 to vector<1000x1xi32>
    %select_n3A = arith.select %gt3A_65, %broadcast_in_dim3A, %broadcast_in_dim3A_67 : vector<1000x1xi1>, vector<1000x1xi32>
    %swap3A_68 = arith.constant 0 : index
    %swap3A_69 = arith.constant 0 : index
    %swap3A_70 = vector.load %arg12[%swap3A_68, %swap3A_69] : memref<1000x1xi32, #tpu.memory_space<vmem>>, vector<1000x1xi32>
    tpu.vector_store %arg12[%swap3A_68, %swap3A_69], %select_n3A {strides = array<i32>} : memref<1000x1xi32, #tpu.memory_space<vmem>>, vector<1000x1xi32>,
    %sub3A = arith.constant 1.000000e+00 : f32
    %sub3A_71 = vector.broadcast %sub3A : f32 to vector<1000x1xf32>
    %sub3A_72 = arith.subf %sub3A_71, %convert_element_type3A_58 : vector<1000x1xf32>
    %swap3A_73 = arith.constant 0 : index
    %swap3A_74 = arith.constant 0 : index
    %swap3A_75 = vector.load %arg13[%swap3A_73, %swap3A_74] : memref<1000x1xf32, #tpu.memory_space<vmem>>, vector<1000x1xf32>
    tpu.vector_store %arg13[%swap3A_73, %swap3A_74], %sub3A_72 {strides = array<i32>} : memref<1000x1xf32, #tpu.memory_space<vmem>>, vector<1000x1xf32>,
    %mul3A_76 = vector.broadcast %get3A_1 : vector<1000x1xf32> to vector<1000x128xf32>
    %mul3A_77 = arith.mulf %mul3A_76, %mul3A_31 : vector<1000x128xf32>
    %get3A_78 = arith.constant 0 : index
    %get3A_79 = arith.constant 0 : index
    %get3A_80 = vector.load %arg10[%get3A_78, %get3A_79] : memref<128x128xf32, #tpu.memory_space<vmem>>, vector<128x128xf32>
    %dot_general3A_81 = arith.constant dense<0.000000e+00> : vector<1000x128xf32>
    %dot_general3A_82 = tpu.matmul %mul3A_77, %get3A_80, %dot_general3A_81 {dimension_numbers = #tpu.dot_dimension_numbers<[1], [0], [0], [1], [0, 0, 1, 1], [], []>, transpose_lhs_hint = false} : vector<1000x128xf32>, vector<128x128xf32>, vector<1000x128xf32> -> vector<1000x128xf32>
    %swap3A_83 = arith.constant 0 : index
    %swap3A_84 = arith.constant 0 : index
    %swap3A_85 = vector.load %arg14[%swap3A_83, %swap3A_84] : memref<1000x128xf32, #tpu.memory_space<vmem>>, vector<1000x128xf32>
    tpu.vector_store %arg14[%swap3A_83, %swap3A_84], %dot_general3A_82 {strides = array<i32>} : memref<1000x128xf32, #tpu.memory_space<vmem>>, vector<1000x128xf32>,
    %reduce_sum3A = vector.shape_cast %sub3A_72 : vector<1000x1xf32> to vector<1x1000x1xf32>
    %reduce_sum3A_86 = arith.constant dense<0.000000e+00> : vector<1xf32>
    %reduce_sum3A_87 = vector.multi_reduction <add>, %reduce_sum3A, %reduce_sum3A_86 [1, 2] : vector<1x1000x1xf32> to vector<1xf32>
    %reduce_sum3A_88 = vector.shape_cast %reduce_sum3A_87 : vector<1xf32> to vector<1x1x1xf32>
    %reduce_sum3A_89 = vector.extract %reduce_sum3A_88[0, 0, 0] : f32 from vector<1x1x1xf32>
    %convert_element_type3A_90 = arith.fptosi %reduce_sum3A_89 : f32 to i32
    %eq3A = arith.constant 0 : i32
    %eq3A_91 = arith.cmpi eq, %arg0, %eq3A : i32
    %convert_element_type3A_92 = arith.extui %eq3A_91 : i1 to i32
    %cond3A = arith.constant 0 : i32
    %cond3A_93 = arith.cmpi ne, %convert_element_type3A_92, %cond3A : i32
    scf.if %cond3A_93 {
      %swap3A_99 = arith.constant 0 : index
      %swap3A_100 = arith.constant 0 : index
      %swap3A_101 = memref.load %arg15[%swap3A_99, %swap3A_100] : memref<1x1xi32, #tpu.memory_space<smem>>
      memref.store %convert_element_type3A_90, %arg15[%swap3A_99, %swap3A_100] : memref<1x1xi32, #tpu.memory_space<smem>>
    } else {
    }
    %gt3A_94 = arith.constant 0 : i32
    %gt3A_95 = arith.cmpi sgt, %arg0, %gt3A_94 : i32
    %convert_element_type3A_96 = arith.extui %gt3A_95 : i1 to i32
    %cond3A_97 = arith.constant 0 : i32
    %cond3A_98 = arith.cmpi ne, %convert_element_type3A_96, %cond3A_97 : i32
    scf.if %cond3A_98 {
      %get3A_99 = arith.constant 0 : index
      %get3A_100 = arith.constant 0 : index
      %get3A_101 = memref.load %arg15[%get3A_99, %get3A_100] : memref<1x1xi32, #tpu.memory_space<smem>>
      %add3A_102 = arith.addi %get3A_101, %convert_element_type3A_90 : i32
      %swap3A_103 = arith.constant 0 : index
      %swap3A_104 = arith.constant 0 : index
      %swap3A_105 = memref.load %arg15[%swap3A_103, %swap3A_104] : memref<1x1xi32, #tpu.memory_space<smem>>
      memref.store %add3A_102, %arg15[%swap3A_103, %swap3A_104] : memref<1x1xi32, #tpu.memory_space<smem>>
    } else {
    }
    return
  }
  func.func @transform_0(%arg0: i32) -> (i32, i32, i32) {
    %c0_i32 = arith.constant 0 : i32
    %c0_i32_0 = arith.constant 0 : i32
    %c0_i32_1 = arith.constant 0 : i32
    return %c0_i32, %arg0, %c0_i32_0 : i32, i32, i32
  }
  func.func @transform_1(%arg0: i32) -> (i32, i32) {
    %c0_i32 = arith.constant 0 : i32
    %c0_i32_0 = arith.constant 0 : i32
    return %arg0, %c0_i32 : i32, i32
  }
  func.func @transform_2(%arg0: i32) -> (i32, i32) {
    %c0_i32 = arith.constant 0 : i32
    %c0_i32_0 = arith.constant 0 : i32
    return %arg0, %c0_i32 : i32, i32
  }
  func.func @transform_3(%arg0: i32) -> (i32, i32) {
    %c0_i32 = arith.constant 0 : i32
    %c0_i32_0 = arith.constant 0 : i32
    %c0_i32_1 = arith.constant 0 : i32
    return %c0_i32, %c0_i32_0 : i32, i32
  }
  func.func @transform_4(%arg0: i32) -> (i32, i32) {
    %c0_i32 = arith.constant 0 : i32
    %c0_i32_0 = arith.constant 0 : i32
    %c0_i32_1 = arith.constant 0 : i32
    return %c0_i32, %c0_i32_0 : i32, i32
  }
  func.func @transform_5(%arg0: i32) -> (i32, i32) {
    %c0_i32 = arith.constant 0 : i32
    %c0_i32_0 = arith.constant 0 : i32
    %c0_i32_1 = arith.constant 0 : i32
    return %c0_i32, %c0_i32_0 : i32, i32
  }
  func.func @transform_6(%arg0: i32) -> (i32, i32) {
    %c0_i32 = arith.constant 0 : i32
    %c0_i32_0 = arith.constant 0 : i32
    %c0_i32_1 = arith.constant 0 : i32
    return %c0_i32, %c0_i32_0 : i32, i32
  }
  func.func @transform_7(%arg0: i32) -> (i32, i32) {
    %c0_i32 = arith.constant 0 : i32
    %c0_i32_0 = arith.constant 0 : i32
    %c0_i32_1 = arith.constant 0 : i32
    return %c0_i32, %c0_i32_0 : i32, i32
  }
  func.func @transform_8(%arg0: i32) -> (i32, i32) {
    %c0_i32 = arith.constant 0 : i32
    %c0_i32_0 = arith.constant 0 : i32
    return %arg0, %c0_i32 : i32, i32
  }
  func.func @transform_9(%arg0: i32) -> (i32, i32) {
    %c0_i32 = arith.constant 0 : i32
    %c0_i32_0 = arith.constant 0 : i32
    %c0_i32_1 = arith.constant 0 : i32
    return %c0_i32, %c0_i32_0 : i32, i32
  }
  func.func @transform_10(%arg0: i32) -> (i32, i32) {
    %c0_i32 = arith.constant 0 : i32
    %c0_i32_0 = arith.constant 0 : i32
    return %arg0, %c0_i32 : i32, i32
  }
  func.func @transform_11(%arg0: i32) -> (i32, i32) {
    %c0_i32 = arith.constant 0 : i32
    %c0_i32_0 = arith.constant 0 : i32
    return %arg0, %c0_i32 : i32, i32
  }
  func.func @transform_12(%arg0: i32) -> (i32, i32) {
    %c0_i32 = arith.constant 0 : i32
    %c0_i32_0 = arith.constant 0 : i32
    return %arg0, %c0_i32 : i32, i32
  }
  func.func @transform_13(%arg0: i32) -> (i32, i32) {
    %c0_i32 = arith.constant 0 : i32
    %c0_i32_0 = arith.constant 0 : i32
    return %arg0, %c0_i32 : i32, i32
  }
  func.func @transform_14(%arg0: i32) -> (i32, i32) {
    %c0_i32 = arith.constant 0 : i32
    %c0_i32_0 = arith.constant 0 : i32
    %c0_i32_1 = arith.constant 0 : i32
    return %c0_i32, %c0_i32_0 : i32, i32
  }
}

module attributes {stable_mosaic.version = 14 : i64} {
  func.func @_layer1_body(%arg0: i32, %arg1: memref<2x1000x128xf32, #tpu.memory_space<vmem>>, %arg2: memref<1000x128xf32, #tpu.memory_space<vmem>>, %arg3: memref<1000x1xf32, #tpu.memory_space<vmem>>, %arg4: memref<1x128xf32, #tpu.memory_space<vmem>>, %arg5: memref<128x64xf32, #tpu.memory_space<vmem>>, %arg6: memref<1x64xf32, #tpu.memory_space<vmem>>, %arg7: memref<64x2xf32, #tpu.memory_space<vmem>>, %arg8: memref<1x2xf32, #tpu.memory_space<vmem>>, %arg9: memref<1000x2xf32, #tpu.memory_space<vmem>>, %arg10: memref<128x128xf32, #tpu.memory_space<vmem>>, %arg11: memref<1000x128xf32, #tpu.memory_space<vmem>>, %arg12: memref<1000x1xi32, #tpu.memory_space<vmem>>, %arg13: memref<1000x1xf32, #tpu.memory_space<vmem>>, %arg14: memref<1000x128xf32, #tpu.memory_space<vmem>>, %arg15: memref<1000x1xi32, #tpu.memory_space<vmem>>, %arg16: memref<1000x1xf32, #tpu.memory_space<vmem>>, %arg17: memref<1000x128xf32, #tpu.memory_space<vmem>>, %arg18: memref<1x1xi32, #tpu.memory_space<smem>>) attributes {dimension_semantics = [#tpu.dimension_semantics<arbitrary>], iteration_bounds = array<i64: 10>, scalar_prefetch = 0 : i64, scratch_operands = 0 : i64, tpu.core_type = #tpu.core_type<tc>, window_params = [{transform_indices = @transform_0, window_bounds = array<i64: 2, 1000, 128>}, {transform_indices = @transform_1, window_bounds = array<i64: 1000, 128>}, {transform_indices = @transform_2, window_bounds = array<i64: 1000, 1>}, {pipeline_mode = #tpu.pipeline_mode<synchronous>, transform_indices = @transform_3, window_bounds = array<i64: 1, 128>}, {pipeline_mode = #tpu.pipeline_mode<synchronous>, transform_indices = @transform_4, window_bounds = array<i64: 128, 64>}, {pipeline_mode = #tpu.pipeline_mode<synchronous>, transform_indices = @transform_5, window_bounds = array<i64: 1, 64>}, {pipeline_mode = #tpu.pipeline_mode<synchronous>, transform_indices = @transform_6, window_bounds = array<i64: 64, 2>}, {pipeline_mode = #tpu.pipeline_mode<synchronous>, transform_indices = @transform_7, window_bounds = array<i64: 1, 2>}, {transform_indices = @transform_8, window_bounds = array<i64: 1000, 2>}, {pipeline_mode = #tpu.pipeline_mode<synchronous>, transform_indices = @transform_9, window_bounds = array<i64: 128, 128>}, {transform_indices = @transform_10, window_bounds = array<i64: 1000, 128>}, {transform_indices = @transform_11, window_bounds = array<i64: 1000, 1>}, {transform_indices = @transform_12, window_bounds = array<i64: 1000, 1>}, {transform_indices = @transform_13, window_bounds = array<i64: 1000, 128>}, {transform_indices = @transform_14, window_bounds = array<i64: 1000, 1>}, {transform_indices = @transform_15, window_bounds = array<i64: 1000, 1>}, {transform_indices = @transform_16, window_bounds = array<i64: 1000, 128>}, {transform_indices = @transform_17, window_bounds = array<i64: 1, 1>}]} {
    %get3A = arith.constant 0 : index
    %get3A_0 = arith.constant 0 : index
    %get3A_1 = vector.load %arg3[%get3A, %get3A_0] : memref<1000x1xf32, #tpu.memory_space<vmem>>, vector<1000x1xf32>
    %get3A_2 = arith.constant 0 : index
    %get3A_3 = arith.constant 0 : index
    %get3A_4 = arith.constant 0 : index
    %get3A_5 = vector.load %arg1[%get3A_2, %get3A_3, %get3A_4] : memref<2x1000x128xf32, #tpu.memory_space<vmem>>, vector<1x1000x128xf32>
    %get3A_6 = vector.shape_cast %get3A_5 : vector<1x1000x128xf32> to vector<1000x128xf32>
    %get3A_7 = arith.constant 1 : index
    %get3A_8 = arith.constant 0 : index
    %get3A_9 = arith.constant 0 : index
    %get3A_10 = vector.load %arg1[%get3A_7, %get3A_8, %get3A_9] : memref<2x1000x128xf32, #tpu.memory_space<vmem>>, vector<1x1000x128xf32>
    %get3A_11 = vector.shape_cast %get3A_10 : vector<1x1000x128xf32> to vector<1000x128xf32>
    %add3A = arith.addf %get3A_6, %get3A_11 : vector<1000x128xf32>
    %get3A_12 = arith.constant 0 : index
    %get3A_13 = arith.constant 0 : index
    %get3A_14 = vector.load %arg2[%get3A_12, %get3A_13] : memref<1000x128xf32, #tpu.memory_space<vmem>>, vector<1000x128xf32>
    %add3A_15 = arith.addf %add3A, %get3A_14 : vector<1000x128xf32>
    %mul3A = vector.broadcast %get3A_1 : vector<1000x1xf32> to vector<1000x128xf32>
    %mul3A_16 = arith.mulf %mul3A, %add3A_15 : vector<1000x128xf32>
    %get3A_17 = arith.constant 0 : index
    %get3A_18 = arith.constant 0 : index
    %get3A_19 = vector.load %arg4[%get3A_17, %get3A_18] : memref<1x128xf32, #tpu.memory_space<vmem>>, vector<1x128xf32>
    %add3A_20 = vector.broadcast %get3A_19 : vector<1x128xf32> to vector<1000x128xf32>
    %add3A_21 = arith.addf %mul3A_16, %add3A_20 : vector<1000x128xf32>
    %mul3A_22 = arith.constant 5.000000e-01 : f32
    %mul3A_23 = vector.broadcast %mul3A_22 : f32 to vector<1000x128xf32>
    %mul3A_24 = arith.mulf %mul3A_23, %add3A_21 : vector<1000x128xf32>
    %mul3A_25 = arith.constant 0.707106769 : f32
    %mul3A_26 = vector.broadcast %mul3A_25 : f32 to vector<1000x128xf32>
    %mul3A_27 = arith.mulf %add3A_21, %mul3A_26 : vector<1000x128xf32>
    %erf3A = math.erf %mul3A_27 : vector<1000x128xf32>
    %add3A_28 = arith.constant 1.000000e+00 : f32
    %add3A_29 = vector.broadcast %add3A_28 : f32 to vector<1000x128xf32>
    %add3A_30 = arith.addf %add3A_29, %erf3A : vector<1000x128xf32>
    %mul3A_31 = arith.mulf %mul3A_24, %add3A_30 : vector<1000x128xf32>
    %get3A_32 = arith.constant 0 : index
    %get3A_33 = arith.constant 0 : index
    %get3A_34 = vector.load %arg5[%get3A_32, %get3A_33] : memref<128x64xf32, #tpu.memory_space<vmem>>, vector<128x64xf32>
    %dot_general3A = arith.constant dense<0.000000e+00> : vector<1000x64xf32>
    %dot_general3A_35 = tpu.matmul %mul3A_31, %get3A_34, %dot_general3A {dimension_numbers = #tpu.dot_dimension_numbers<[1], [0], [0], [1], [0, 0, 1, 1], [], []>, transpose_lhs_hint = false} : vector<1000x128xf32>, vector<128x64xf32>, vector<1000x64xf32> -> vector<1000x64xf32>
    %get3A_36 = arith.constant 0 : index
    %get3A_37 = arith.constant 0 : index
    %get3A_38 = vector.load %arg6[%get3A_36, %get3A_37] : memref<1x64xf32, #tpu.memory_space<vmem>>, vector<1x64xf32>
    %add3A_39 = vector.broadcast %get3A_38 : vector<1x64xf32> to vector<1000x64xf32>
    %add3A_40 = arith.addf %dot_general3A_35, %add3A_39 : vector<1000x64xf32>
    %max3A = arith.constant 0.000000e+00 : f32
    %max3A_41 = vector.broadcast %max3A : f32 to vector<1000x64xf32>
    %max3A_42 = arith.maximumf %add3A_40, %max3A_41 : vector<1000x64xf32>
    %get3A_43 = arith.constant 0 : index
    %get3A_44 = arith.constant 0 : index
    %get3A_45 = vector.load %arg7[%get3A_43, %get3A_44] : memref<64x2xf32, #tpu.memory_space<vmem>>, vector<64x2xf32>
    %dot_general3A_46 = arith.constant dense<0.000000e+00> : vector<1000x2xf32>
    %dot_general3A_47 = tpu.matmul %max3A_42, %get3A_45, %dot_general3A_46 {dimension_numbers = #tpu.dot_dimension_numbers<[1], [0], [0], [1], [0, 0, 1, 1], [], []>, transpose_lhs_hint = false} : vector<1000x64xf32>, vector<64x2xf32>, vector<1000x2xf32> -> vector<1000x2xf32>
    %get3A_48 = arith.constant 0 : index
    %get3A_49 = arith.constant 0 : index
    %get3A_50 = vector.load %arg8[%get3A_48, %get3A_49] : memref<1x2xf32, #tpu.memory_space<vmem>>, vector<1x2xf32>
    %add3A_51 = vector.broadcast %get3A_50 : vector<1x2xf32> to vector<1000x2xf32>
    %add3A_52 = arith.addf %dot_general3A_47, %add3A_51 : vector<1000x2xf32>
    %get3A_53 = arith.constant 0 : index
    %get3A_54 = arith.constant 0 : index
    %get3A_55 = vector.load %arg9[%get3A_53, %get3A_54] : memref<1000x2xf32, #tpu.memory_space<vmem>>, vector<1000x2xf32>
    %add3A_56 = arith.addf %add3A_52, %get3A_55 : vector<1000x2xf32>
    %slice3A = vector.extract_strided_slice %add3A_56 {offsets = [0, 1], sizes = [1000, 1], strides = [1, 1]} : vector<1000x2xf32> to vector<1000x1xf32>
    %slice3A_57 = vector.extract_strided_slice %add3A_56 {offsets = [0, 0], sizes = [1000, 1], strides = [1, 1]} : vector<1000x2xf32> to vector<1000x1xf32>
    %gt3A = arith.cmpf ogt, %slice3A, %slice3A_57 : vector<1000x1xf32>
    %convert_element_type3A = arith.extui %gt3A : vector<1000x1xi1> to vector<1000x1xi32>
    %convert_element_type3A_58 = arith.sitofp %convert_element_type3A : vector<1000x1xi32> to vector<1000x1xf32>
    %get3A_59 = arith.constant 0 : index
    %get3A_60 = arith.constant 0 : index
    %get3A_61 = vector.load %arg13[%get3A_59, %get3A_60] : memref<1000x1xf32, #tpu.memory_space<vmem>>, vector<1000x1xf32>
    %mul3A_62 = arith.mulf %convert_element_type3A_58, %get3A_61 : vector<1000x1xf32>
    %get3A_63 = arith.constant 0 : index
    %get3A_64 = arith.constant 0 : index
    %get3A_65 = vector.load %arg11[%get3A_63, %get3A_64] : memref<1000x128xf32, #tpu.memory_space<vmem>>, vector<1000x128xf32>
    %mul3A_66 = vector.broadcast %mul3A_62 : vector<1000x1xf32> to vector<1000x128xf32>
    %mul3A_67 = arith.mulf %mul3A_31, %mul3A_66 : vector<1000x128xf32>
    %add3A_68 = arith.addf %get3A_65, %mul3A_67 : vector<1000x128xf32>
    %swap3A = arith.constant 0 : index
    %swap3A_69 = arith.constant 0 : index
    %swap3A_70 = vector.load %arg14[%swap3A, %swap3A_69] : memref<1000x128xf32, #tpu.memory_space<vmem>>, vector<1000x128xf32>
    tpu.vector_store %arg14[%swap3A, %swap3A_69], %add3A_68 {strides = array<i32>} : memref<1000x128xf32, #tpu.memory_space<vmem>>, vector<1000x128xf32>,
    %gt3A_71 = arith.constant 0.000000e+00 : f32
    %gt3A_72 = vector.broadcast %gt3A_71 : f32 to vector<1000x1xf32>
    %gt3A_73 = arith.cmpf ogt, %mul3A_62, %gt3A_72 : vector<1000x1xf32>
    %get3A_74 = arith.constant 0 : index
    %get3A_75 = arith.constant 0 : index
    %get3A_76 = vector.load %arg12[%get3A_74, %get3A_75] : memref<1000x1xi32, #tpu.memory_space<vmem>>, vector<1000x1xi32>
    %jit3A = arith.constant 1 : i32
    %broadcast_in_dim3A = vector.broadcast %jit3A : i32 to vector<1000x1xi32>
    %select_n3A = arith.select %gt3A_73, %broadcast_in_dim3A, %get3A_76 : vector<1000x1xi1>, vector<1000x1xi32>
    %swap3A_77 = arith.constant 0 : index
    %swap3A_78 = arith.constant 0 : index
    %swap3A_79 = vector.load %arg15[%swap3A_77, %swap3A_78] : memref<1000x1xi32, #tpu.memory_space<vmem>>, vector<1000x1xi32>
    tpu.vector_store %arg15[%swap3A_77, %swap3A_78], %select_n3A {strides = array<i32>} : memref<1000x1xi32, #tpu.memory_space<vmem>>, vector<1000x1xi32>,
    %sub3A = arith.constant 1.000000e+00 : f32
    %sub3A_80 = vector.broadcast %sub3A : f32 to vector<1000x1xf32>
    %sub3A_81 = arith.subf %sub3A_80, %convert_element_type3A_58 : vector<1000x1xf32>
    %mul3A_82 = arith.mulf %get3A_61, %sub3A_81 : vector<1000x1xf32>
    %swap3A_83 = arith.constant 0 : index
    %swap3A_84 = arith.constant 0 : index
    %swap3A_85 = vector.load %arg16[%swap3A_83, %swap3A_84] : memref<1000x1xf32, #tpu.memory_space<vmem>>, vector<1000x1xf32>
    tpu.vector_store %arg16[%swap3A_83, %swap3A_84], %mul3A_82 {strides = array<i32>} : memref<1000x1xf32, #tpu.memory_space<vmem>>, vector<1000x1xf32>,
    %mul3A_86 = vector.broadcast %get3A_1 : vector<1000x1xf32> to vector<1000x128xf32>
    %mul3A_87 = arith.mulf %mul3A_86, %mul3A_31 : vector<1000x128xf32>
    %get3A_88 = arith.constant 0 : index
    %get3A_89 = arith.constant 0 : index
    %get3A_90 = vector.load %arg10[%get3A_88, %get3A_89] : memref<128x128xf32, #tpu.memory_space<vmem>>, vector<128x128xf32>
    %dot_general3A_91 = arith.constant dense<0.000000e+00> : vector<1000x128xf32>
    %dot_general3A_92 = tpu.matmul %mul3A_87, %get3A_90, %dot_general3A_91 {dimension_numbers = #tpu.dot_dimension_numbers<[1], [0], [0], [1], [0, 0, 1, 1], [], []>, transpose_lhs_hint = false} : vector<1000x128xf32>, vector<128x128xf32>, vector<1000x128xf32> -> vector<1000x128xf32>
    %swap3A_93 = arith.constant 0 : index
    %swap3A_94 = arith.constant 0 : index
    %swap3A_95 = vector.load %arg17[%swap3A_93, %swap3A_94] : memref<1000x128xf32, #tpu.memory_space<vmem>>, vector<1000x128xf32>
    tpu.vector_store %arg17[%swap3A_93, %swap3A_94], %dot_general3A_92 {strides = array<i32>} : memref<1000x128xf32, #tpu.memory_space<vmem>>, vector<1000x128xf32>,
    %reduce_sum3A = vector.shape_cast %mul3A_82 : vector<1000x1xf32> to vector<1x1000x1xf32>
    %reduce_sum3A_96 = arith.constant dense<0.000000e+00> : vector<1xf32>
    %reduce_sum3A_97 = vector.multi_reduction <add>, %reduce_sum3A, %reduce_sum3A_96 [1, 2] : vector<1x1000x1xf32> to vector<1xf32>
    %reduce_sum3A_98 = vector.shape_cast %reduce_sum3A_97 : vector<1xf32> to vector<1x1x1xf32>
    %reduce_sum3A_99 = vector.extract %reduce_sum3A_98[0, 0, 0] : f32 from vector<1x1x1xf32>
    %convert_element_type3A_100 = arith.fptosi %reduce_sum3A_99 : f32 to i32
    %eq3A = arith.constant 0 : i32
    %eq3A_101 = arith.cmpi eq, %arg0, %eq3A : i32
    %convert_element_type3A_102 = arith.extui %eq3A_101 : i1 to i32
    %cond3A = arith.constant 0 : i32
    %cond3A_103 = arith.cmpi ne, %convert_element_type3A_102, %cond3A : i32
    scf.if %cond3A_103 {
      %swap3A_109 = arith.constant 0 : index
      %swap3A_110 = arith.constant 0 : index
      %swap3A_111 = memref.load %arg18[%swap3A_109, %swap3A_110] : memref<1x1xi32, #tpu.memory_space<smem>>
      memref.store %convert_element_type3A_100, %arg18[%swap3A_109, %swap3A_110] : memref<1x1xi32, #tpu.memory_space<smem>>
    } else {
    }
    %gt3A_104 = arith.constant 0 : i32
    %gt3A_105 = arith.cmpi sgt, %arg0, %gt3A_104 : i32
    %convert_element_type3A_106 = arith.extui %gt3A_105 : i1 to i32
    %cond3A_107 = arith.constant 0 : i32
    %cond3A_108 = arith.cmpi ne, %convert_element_type3A_106, %cond3A_107 : i32
    scf.if %cond3A_108 {
      %get3A_109 = arith.constant 0 : index
      %get3A_110 = arith.constant 0 : index
      %get3A_111 = memref.load %arg18[%get3A_109, %get3A_110] : memref<1x1xi32, #tpu.memory_space<smem>>
      %add3A_112 = arith.addi %get3A_111, %convert_element_type3A_100 : i32
      %swap3A_113 = arith.constant 0 : index
      %swap3A_114 = arith.constant 0 : index
      %swap3A_115 = memref.load %arg18[%swap3A_113, %swap3A_114] : memref<1x1xi32, #tpu.memory_space<smem>>
      memref.store %add3A_112, %arg18[%swap3A_113, %swap3A_114] : memref<1x1xi32, #tpu.memory_space<smem>>
    } else {
    }
    return
  }
  func.func @transform_0(%arg0: i32) -> (i32, i32, i32) {
    %c0_i32 = arith.constant 0 : i32
    %c0_i32_0 = arith.constant 0 : i32
    %c0_i32_1 = arith.constant 0 : i32
    return %c0_i32, %arg0, %c0_i32_0 : i32, i32, i32
  }
  func.func @transform_1(%arg0: i32) -> (i32, i32) {
    %c0_i32 = arith.constant 0 : i32
    %c0_i32_0 = arith.constant 0 : i32
    return %arg0, %c0_i32 : i32, i32
  }
  func.func @transform_2(%arg0: i32) -> (i32, i32) {
    %c0_i32 = arith.constant 0 : i32
    %c0_i32_0 = arith.constant 0 : i32
    return %arg0, %c0_i32 : i32, i32
  }
  func.func @transform_3(%arg0: i32) -> (i32, i32) {
    %c0_i32 = arith.constant 0 : i32
    %c0_i32_0 = arith.constant 0 : i32
    %c0_i32_1 = arith.constant 0 : i32
    return %c0_i32, %c0_i32_0 : i32, i32
  }
  func.func @transform_4(%arg0: i32) -> (i32, i32) {
    %c0_i32 = arith.constant 0 : i32
    %c0_i32_0 = arith.constant 0 : i32
    %c0_i32_1 = arith.constant 0 : i32
    return %c0_i32, %c0_i32_0 : i32, i32
  }
  func.func @transform_5(%arg0: i32) -> (i32, i32) {
    %c0_i32 = arith.constant 0 : i32
    %c0_i32_0 = arith.constant 0 : i32
    %c0_i32_1 = arith.constant 0 : i32
    return %c0_i32, %c0_i32_0 : i32, i32
  }
  func.func @transform_6(%arg0: i32) -> (i32, i32) {
    %c0_i32 = arith.constant 0 : i32
    %c0_i32_0 = arith.constant 0 : i32
    %c0_i32_1 = arith.constant 0 : i32
    return %c0_i32, %c0_i32_0 : i32, i32
  }
  func.func @transform_7(%arg0: i32) -> (i32, i32) {
    %c0_i32 = arith.constant 0 : i32
    %c0_i32_0 = arith.constant 0 : i32
    %c0_i32_1 = arith.constant 0 : i32
    return %c0_i32, %c0_i32_0 : i32, i32
  }
  func.func @transform_8(%arg0: i32) -> (i32, i32) {
    %c0_i32 = arith.constant 0 : i32
    %c0_i32_0 = arith.constant 0 : i32
    return %arg0, %c0_i32 : i32, i32
  }
  func.func @transform_9(%arg0: i32) -> (i32, i32) {
    %c0_i32 = arith.constant 0 : i32
    %c0_i32_0 = arith.constant 0 : i32
    %c0_i32_1 = arith.constant 0 : i32
    return %c0_i32, %c0_i32_0 : i32, i32
  }
  func.func @transform_10(%arg0: i32) -> (i32, i32) {
    %c0_i32 = arith.constant 0 : i32
    %c0_i32_0 = arith.constant 0 : i32
    return %arg0, %c0_i32 : i32, i32
  }
  func.func @transform_11(%arg0: i32) -> (i32, i32) {
    %c0_i32 = arith.constant 0 : i32
    %c0_i32_0 = arith.constant 0 : i32
    return %arg0, %c0_i32 : i32, i32
  }
  func.func @transform_12(%arg0: i32) -> (i32, i32) {
    %c0_i32 = arith.constant 0 : i32
    %c0_i32_0 = arith.constant 0 : i32
    return %arg0, %c0_i32 : i32, i32
  }
  func.func @transform_13(%arg0: i32) -> (i32, i32) {
    %c0_i32 = arith.constant 0 : i32
    %c0_i32_0 = arith.constant 0 : i32
    return %arg0, %c0_i32 : i32, i32
  }
  func.func @transform_14(%arg0: i32) -> (i32, i32) {
    %c0_i32 = arith.constant 0 : i32
    %c0_i32_0 = arith.constant 0 : i32
    return %arg0, %c0_i32 : i32, i32
  }
  func.func @transform_15(%arg0: i32) -> (i32, i32) {
    %c0_i32 = arith.constant 0 : i32
    %c0_i32_0 = arith.constant 0 : i32
    return %arg0, %c0_i32 : i32, i32
  }
  func.func @transform_16(%arg0: i32) -> (i32, i32) {
    %c0_i32 = arith.constant 0 : i32
    %c0_i32_0 = arith.constant 0 : i32
    return %arg0, %c0_i32 : i32, i32
  }
  func.func @transform_17(%arg0: i32) -> (i32, i32) {
    %c0_i32 = arith.constant 0 : i32
    %c0_i32_0 = arith.constant 0 : i32
    %c0_i32_1 = arith.constant 0 : i32
    return %c0_i32, %c0_i32_0 : i32, i32
  }
}

module attributes {stable_mosaic.version = 14 : i64} {
  func.func @_layer2_body(%arg0: i32, %arg1: memref<2x1000x128xf32, #tpu.memory_space<vmem>>, %arg2: memref<1000x128xf32, #tpu.memory_space<vmem>>, %arg3: memref<1000x1xf32, #tpu.memory_space<vmem>>, %arg4: memref<1x128xf32, #tpu.memory_space<vmem>>, %arg5: memref<128x64xf32, #tpu.memory_space<vmem>>, %arg6: memref<1x64xf32, #tpu.memory_space<vmem>>, %arg7: memref<64x2xf32, #tpu.memory_space<vmem>>, %arg8: memref<1x2xf32, #tpu.memory_space<vmem>>, %arg9: memref<1000x2xf32, #tpu.memory_space<vmem>>, %arg10: memref<1000x128xf32, #tpu.memory_space<vmem>>, %arg11: memref<1000x1xi32, #tpu.memory_space<vmem>>, %arg12: memref<1000x1xf32, #tpu.memory_space<vmem>>, %arg13: memref<1000x128xf32, #tpu.memory_space<vmem>>, %arg14: memref<1000x1xi32, #tpu.memory_space<vmem>>) attributes {dimension_semantics = [#tpu.dimension_semantics<arbitrary>], iteration_bounds = array<i64: 10>, scalar_prefetch = 0 : i64, scratch_operands = 0 : i64, tpu.core_type = #tpu.core_type<tc>, window_params = [{transform_indices = @transform_0, window_bounds = array<i64: 2, 1000, 128>}, {transform_indices = @transform_1, window_bounds = array<i64: 1000, 128>}, {transform_indices = @transform_2, window_bounds = array<i64: 1000, 1>}, {pipeline_mode = #tpu.pipeline_mode<synchronous>, transform_indices = @transform_3, window_bounds = array<i64: 1, 128>}, {pipeline_mode = #tpu.pipeline_mode<synchronous>, transform_indices = @transform_4, window_bounds = array<i64: 128, 64>}, {pipeline_mode = #tpu.pipeline_mode<synchronous>, transform_indices = @transform_5, window_bounds = array<i64: 1, 64>}, {pipeline_mode = #tpu.pipeline_mode<synchronous>, transform_indices = @transform_6, window_bounds = array<i64: 64, 2>}, {pipeline_mode = #tpu.pipeline_mode<synchronous>, transform_indices = @transform_7, window_bounds = array<i64: 1, 2>}, {transform_indices = @transform_8, window_bounds = array<i64: 1000, 2>}, {transform_indices = @transform_9, window_bounds = array<i64: 1000, 128>}, {transform_indices = @transform_10, window_bounds = array<i64: 1000, 1>}, {transform_indices = @transform_11, window_bounds = array<i64: 1000, 1>}, {transform_indices = @transform_12, window_bounds = array<i64: 1000, 128>}, {transform_indices = @transform_13, window_bounds = array<i64: 1000, 1>}]} {
    %get3A = arith.constant 0 : index
    %get3A_0 = arith.constant 0 : index
    %get3A_1 = vector.load %arg3[%get3A, %get3A_0] : memref<1000x1xf32, #tpu.memory_space<vmem>>, vector<1000x1xf32>
    %get3A_2 = arith.constant 0 : index
    %get3A_3 = arith.constant 0 : index
    %get3A_4 = arith.constant 0 : index
    %get3A_5 = vector.load %arg1[%get3A_2, %get3A_3, %get3A_4] : memref<2x1000x128xf32, #tpu.memory_space<vmem>>, vector<1x1000x128xf32>
    %get3A_6 = vector.shape_cast %get3A_5 : vector<1x1000x128xf32> to vector<1000x128xf32>
    %get3A_7 = arith.constant 1 : index
    %get3A_8 = arith.constant 0 : index
    %get3A_9 = arith.constant 0 : index
    %get3A_10 = vector.load %arg1[%get3A_7, %get3A_8, %get3A_9] : memref<2x1000x128xf32, #tpu.memory_space<vmem>>, vector<1x1000x128xf32>
    %get3A_11 = vector.shape_cast %get3A_10 : vector<1x1000x128xf32> to vector<1000x128xf32>
    %add3A = arith.addf %get3A_6, %get3A_11 : vector<1000x128xf32>
    %get3A_12 = arith.constant 0 : index
    %get3A_13 = arith.constant 0 : index
    %get3A_14 = vector.load %arg2[%get3A_12, %get3A_13] : memref<1000x128xf32, #tpu.memory_space<vmem>>, vector<1000x128xf32>
    %add3A_15 = arith.addf %add3A, %get3A_14 : vector<1000x128xf32>
    %mul3A = vector.broadcast %get3A_1 : vector<1000x1xf32> to vector<1000x128xf32>
    %mul3A_16 = arith.mulf %mul3A, %add3A_15 : vector<1000x128xf32>
    %get3A_17 = arith.constant 0 : index
    %get3A_18 = arith.constant 0 : index
    %get3A_19 = vector.load %arg4[%get3A_17, %get3A_18] : memref<1x128xf32, #tpu.memory_space<vmem>>, vector<1x128xf32>
    %add3A_20 = vector.broadcast %get3A_19 : vector<1x128xf32> to vector<1000x128xf32>
    %add3A_21 = arith.addf %mul3A_16, %add3A_20 : vector<1000x128xf32>
    %get3A_22 = arith.constant 0 : index
    %get3A_23 = arith.constant 0 : index
    %get3A_24 = vector.load %arg5[%get3A_22, %get3A_23] : memref<128x64xf32, #tpu.memory_space<vmem>>, vector<128x64xf32>
    %dot_general3A = arith.constant dense<0.000000e+00> : vector<1000x64xf32>
    %dot_general3A_25 = tpu.matmul %add3A_21, %get3A_24, %dot_general3A {dimension_numbers = #tpu.dot_dimension_numbers<[1], [0], [0], [1], [0, 0, 1, 1], [], []>, transpose_lhs_hint = false} : vector<1000x128xf32>, vector<128x64xf32>, vector<1000x64xf32> -> vector<1000x64xf32>
    %get3A_26 = arith.constant 0 : index
    %get3A_27 = arith.constant 0 : index
    %get3A_28 = vector.load %arg6[%get3A_26, %get3A_27] : memref<1x64xf32, #tpu.memory_space<vmem>>, vector<1x64xf32>
    %add3A_29 = vector.broadcast %get3A_28 : vector<1x64xf32> to vector<1000x64xf32>
    %add3A_30 = arith.addf %dot_general3A_25, %add3A_29 : vector<1000x64xf32>
    %max3A = arith.constant 0.000000e+00 : f32
    %max3A_31 = vector.broadcast %max3A : f32 to vector<1000x64xf32>
    %max3A_32 = arith.maximumf %add3A_30, %max3A_31 : vector<1000x64xf32>
    %get3A_33 = arith.constant 0 : index
    %get3A_34 = arith.constant 0 : index
    %get3A_35 = vector.load %arg7[%get3A_33, %get3A_34] : memref<64x2xf32, #tpu.memory_space<vmem>>, vector<64x2xf32>
    %dot_general3A_36 = arith.constant dense<0.000000e+00> : vector<1000x2xf32>
    %dot_general3A_37 = tpu.matmul %max3A_32, %get3A_35, %dot_general3A_36 {dimension_numbers = #tpu.dot_dimension_numbers<[1], [0], [0], [1], [0, 0, 1, 1], [], []>, transpose_lhs_hint = false} : vector<1000x64xf32>, vector<64x2xf32>, vector<1000x2xf32> -> vector<1000x2xf32>
    %get3A_38 = arith.constant 0 : index
    %get3A_39 = arith.constant 0 : index
    %get3A_40 = vector.load %arg8[%get3A_38, %get3A_39] : memref<1x2xf32, #tpu.memory_space<vmem>>, vector<1x2xf32>
    %add3A_41 = vector.broadcast %get3A_40 : vector<1x2xf32> to vector<1000x2xf32>
    %add3A_42 = arith.addf %dot_general3A_37, %add3A_41 : vector<1000x2xf32>
    %get3A_43 = arith.constant 0 : index
    %get3A_44 = arith.constant 0 : index
    %get3A_45 = vector.load %arg9[%get3A_43, %get3A_44] : memref<1000x2xf32, #tpu.memory_space<vmem>>, vector<1000x2xf32>
    %add3A_46 = arith.addf %add3A_42, %get3A_45 : vector<1000x2xf32>
    %slice3A = vector.extract_strided_slice %add3A_46 {offsets = [0, 1], sizes = [1000, 1], strides = [1, 1]} : vector<1000x2xf32> to vector<1000x1xf32>
    %slice3A_47 = vector.extract_strided_slice %add3A_46 {offsets = [0, 0], sizes = [1000, 1], strides = [1, 1]} : vector<1000x2xf32> to vector<1000x1xf32>
    %gt3A = arith.cmpf ogt, %slice3A, %slice3A_47 : vector<1000x1xf32>
    %convert_element_type3A = arith.extui %gt3A : vector<1000x1xi1> to vector<1000x1xi32>
    %convert_element_type3A_48 = arith.sitofp %convert_element_type3A : vector<1000x1xi32> to vector<1000x1xf32>
    %get3A_49 = arith.constant 0 : index
    %get3A_50 = arith.constant 0 : index
    %get3A_51 = vector.load %arg12[%get3A_49, %get3A_50] : memref<1000x1xf32, #tpu.memory_space<vmem>>, vector<1000x1xf32>
    %mul3A_52 = arith.mulf %convert_element_type3A_48, %get3A_51 : vector<1000x1xf32>
    %get3A_53 = arith.constant 0 : index
    %get3A_54 = arith.constant 0 : index
    %get3A_55 = vector.load %arg10[%get3A_53, %get3A_54] : memref<1000x128xf32, #tpu.memory_space<vmem>>, vector<1000x128xf32>
    %mul3A_56 = vector.broadcast %get3A_51 : vector<1000x1xf32> to vector<1000x128xf32>
    %mul3A_57 = arith.mulf %add3A_21, %mul3A_56 : vector<1000x128xf32>
    %add3A_58 = arith.addf %get3A_55, %mul3A_57 : vector<1000x128xf32>
    %swap3A = arith.constant 0 : index
    %swap3A_59 = arith.constant 0 : index
    %swap3A_60 = vector.load %arg13[%swap3A, %swap3A_59] : memref<1000x128xf32, #tpu.memory_space<vmem>>, vector<1000x128xf32>
    tpu.vector_store %arg13[%swap3A, %swap3A_59], %add3A_58 {strides = array<i32>} : memref<1000x128xf32, #tpu.memory_space<vmem>>, vector<1000x128xf32>,
    %gt3A_61 = arith.constant 0.000000e+00 : f32
    %gt3A_62 = vector.broadcast %gt3A_61 : f32 to vector<1000x1xf32>
    %gt3A_63 = arith.cmpf ogt, %mul3A_52, %gt3A_62 : vector<1000x1xf32>
    %get3A_64 = arith.constant 0 : index
    %get3A_65 = arith.constant 0 : index
    %get3A_66 = vector.load %arg11[%get3A_64, %get3A_65] : memref<1000x1xi32, #tpu.memory_space<vmem>>, vector<1000x1xi32>
    %jit3A = arith.constant 2 : i32
    %broadcast_in_dim3A = vector.broadcast %jit3A : i32 to vector<1000x1xi32>
    %select_n3A = arith.select %gt3A_63, %broadcast_in_dim3A, %get3A_66 : vector<1000x1xi1>, vector<1000x1xi32>
    %swap3A_67 = arith.constant 0 : index
    %swap3A_68 = arith.constant 0 : index
    %swap3A_69 = vector.load %arg14[%swap3A_67, %swap3A_68] : memref<1000x1xi32, #tpu.memory_space<vmem>>, vector<1000x1xi32>
    tpu.vector_store %arg14[%swap3A_67, %swap3A_68], %select_n3A {strides = array<i32>} : memref<1000x1xi32, #tpu.memory_space<vmem>>, vector<1000x1xi32>,
    return
  }
  func.func @transform_0(%arg0: i32) -> (i32, i32, i32) {
    %c0_i32 = arith.constant 0 : i32
    %c0_i32_0 = arith.constant 0 : i32
    %c0_i32_1 = arith.constant 0 : i32
    return %c0_i32, %arg0, %c0_i32_0 : i32, i32, i32
  }
  func.func @transform_1(%arg0: i32) -> (i32, i32) {
    %c0_i32 = arith.constant 0 : i32
    %c0_i32_0 = arith.constant 0 : i32
    return %arg0, %c0_i32 : i32, i32
  }
  func.func @transform_2(%arg0: i32) -> (i32, i32) {
    %c0_i32 = arith.constant 0 : i32
    %c0_i32_0 = arith.constant 0 : i32
    return %arg0, %c0_i32 : i32, i32
  }
  func.func @transform_3(%arg0: i32) -> (i32, i32) {
    %c0_i32 = arith.constant 0 : i32
    %c0_i32_0 = arith.constant 0 : i32
    %c0_i32_1 = arith.constant 0 : i32
    return %c0_i32, %c0_i32_0 : i32, i32
  }
  func.func @transform_4(%arg0: i32) -> (i32, i32) {
    %c0_i32 = arith.constant 0 : i32
    %c0_i32_0 = arith.constant 0 : i32
    %c0_i32_1 = arith.constant 0 : i32
    return %c0_i32, %c0_i32_0 : i32, i32
  }
  func.func @transform_5(%arg0: i32) -> (i32, i32) {
    %c0_i32 = arith.constant 0 : i32
    %c0_i32_0 = arith.constant 0 : i32
    %c0_i32_1 = arith.constant 0 : i32
    return %c0_i32, %c0_i32_0 : i32, i32
  }
  func.func @transform_6(%arg0: i32) -> (i32, i32) {
    %c0_i32 = arith.constant 0 : i32
    %c0_i32_0 = arith.constant 0 : i32
    %c0_i32_1 = arith.constant 0 : i32
    return %c0_i32, %c0_i32_0 : i32, i32
  }
  func.func @transform_7(%arg0: i32) -> (i32, i32) {
    %c0_i32 = arith.constant 0 : i32
    %c0_i32_0 = arith.constant 0 : i32
    %c0_i32_1 = arith.constant 0 : i32
    return %c0_i32, %c0_i32_0 : i32, i32
  }
  func.func @transform_8(%arg0: i32) -> (i32, i32) {
    %c0_i32 = arith.constant 0 : i32
    %c0_i32_0 = arith.constant 0 : i32
    return %arg0, %c0_i32 : i32, i32
  }
  func.func @transform_9(%arg0: i32) -> (i32, i32) {
    %c0_i32 = arith.constant 0 : i32
    %c0_i32_0 = arith.constant 0 : i32
    return %arg0, %c0_i32 : i32, i32
  }
  func.func @transform_10(%arg0: i32) -> (i32, i32) {
    %c0_i32 = arith.constant 0 : i32
    %c0_i32_0 = arith.constant 0 : i32
    return %arg0, %c0_i32 : i32, i32
  }
  func.func @transform_11(%arg0: i32) -> (i32, i32) {
    %c0_i32 = arith.constant 0 : i32
    %c0_i32_0 = arith.constant 0 : i32
    return %arg0, %c0_i32 : i32, i32
  }
  func.func @transform_12(%arg0: i32) -> (i32, i32) {
    %c0_i32 = arith.constant 0 : i32
    %c0_i32_0 = arith.constant 0 : i32
    return %arg0, %c0_i32 : i32, i32
  }
  func.func @transform_13(%arg0: i32) -> (i32, i32) {
    %c0_i32 = arith.constant 0 : i32
    %c0_i32_0 = arith.constant 0 : i32
    return %arg0, %c0_i32 : i32, i32
  }
}

</mosaic_0001>

<sc_bundles>
// kernel: kernel.10.cloned.1.call-start
scs
__scs_entry_jumppad:
0x0: {  	(pc) =	sbr.rel $0x88, $3  }
0x1: {  	(tag) =	ssettag $0x0;
	lr =	simm.s32 $0x1  }
0x2: {  	[smem:$0x3F95] =	sst lr;
	_ =	strace $0xD0000000  }
0x3: {  	_ = 	snop  }
0x4: {  	_ = 	snop  }
0x5: {  	_ = 	snop  }
0x6: {  	_ = 	snop  }
0x7: {  	_ = 	snop  }
__scs_overlays_trampoline_lowered:
0x8: {  	[smem:$0x3FA4] =	sst s0  }
0x9: {  	[smem:$0x3FA5] =	sst s1  }
0xa: {  	[smem:$0x3FA6] =	sst s2  }
0xb: {  	[smem:$0x3FA7] =	sst s3  }
0xc: {  	[smem:$0x3FA8] =	sst s4  }
0xd: {  	[smem:$0x3FA9] =	sst s5  }
0xe: {  	[smem:$0x3FAA] =	sst s6  }
0xf: {  	[smem:$0x3FAB] =	sst s7  }
0x10: {  	[smem:$0x3FAC] =	sst s8  }
0x11: {  	[smem:$0x3FAD] =	sst s9;
	s0 =	simm.s32 @!p0 $0x0  }
0x12: {  	s1 =	sld [smem:$0x3F93];
	s0 =	simm.s32 @p0 $0x1  }
0x13: {  	[smem:$0x3FAE] =	sst s0;
	s0 =	simm.s32 @!p1 $0x0  }
0x14: {  	s2 =	sld [smem:$0x3F92];
	s0 =	simm.s32 @p1 $0x1  }
0x15: {  	[smem:$0x3FAF] =	sst s0;
	s0 =	simm.s32 @!p2 $0x0  }
0x16: {  	s3 =	sld [smem:$0x3FDB];
	s0 =	simm.s32 @p2 $0x1  }
0x17: {  	s4 =	simm.s32 $0x1BF5;
	[smem:$0x3FB1] =	sst s0  }
0x18: {  	s0 =	sld [smem:$0x3F94];
	_ =	swait.ge [sflag:s4], $0x0  }
0x19: {  	s7 =	sld [smem:$0x3F95]  }
0x1a: {  	s8 =	sadd.s32 $0xFFFFE003, lr  }
0x1b: {  	s9 =	sadd.s32 $0xFFFFFEF7, lr;
	s5 =	simm.s32 $0xFFFFFFFF;
	p2 =	slt.u32 s8, $0xFFFFF086  }
0x1c: {  	p1 =	slt.u32 s9, $0xF7A;
	s5 =	simm.s32 @!p2 $0x0  }
0x1d: {  	s5 =	simm.s32 @p1 $0x1;
	p0 =	seq.s32 s7, s2  }
0x1e: {  	s7 =	smul.u32 @!p0 $0xF7A, s2;
	p2 =	seq.s32 @!p0 s5, $0x0  }
0x1f: {  	s9 =	smul.u32 $0xF7A, s1;
	s8 =	simm.s32 @!p0 $0x1BF5;
	p2 =	por !p2, p0  }
0x20: {  	[sflag:s8] =	ssyncset.s32 @!p0 $0xFFFFF086;
	s6 =	sadd.s32 @!p0 s3, s7;
	s7 =	simm.s32 @!p0 $0x108  }
0x21: {  	s3 =	sadd.s32 s3, s9;
	s6 =	sadd.s32 @!p0 $0x88, s6;
	s7 =	simm.s32 @p2 $0x1082  }
0x22: {  	[simem:s7], [sflag:s8] =	dma.local @!p0 [hbm:s6], $0xF7A  }
0x23: {  	s9 =	sor.u32 $0xD0000000, s2;
	s6 =	simm.s32 $0x108;
	_ =	swait.ge @!p0 [sflag:s8], $0x0  }
0x24: {  	s3 =	sadd.s32 $0x88, s3;
	s6 =	simm.s32 @!p1 $0x1082;
	[sflag:s4] =	ssyncset.s32 $0xFFFFF086  }
0x25: {  	[simem:s6], [sflag:s4] =	dma.local [hbm:s3], $0xF7A  }
0x26: {  	[smem:$0x3F95] =	sst s1;
	(tag) =	ssettag s2;
	_ =	strace s9  }
0x27: {  	s1 =	sld [smem:$0x3FA5]  }
0x28: {  	s2 =	sld [smem:$0x3FA6]  }
0x29: {  	s4 =	sld [smem:$0x3FA8]  }
0x2a: {  	p0 =	seq.s32 s5, $0x0;
	s5 =	sld [smem:$0x3FA9]  }
0x2b: {  	s6 =	sld [smem:$0x3FAA]  }
0x2c: {  	s7 =	sld [smem:$0x3FAB]  }
0x2d: {  	s3 =	simm.s32 $0x108;
	s8 =	sld [smem:$0x3FAC]  }
0x2e: {  	s3 =	simm.s32 @!p0 $0x1082;
	s9 =	sld [smem:$0x3FAD]  }
0x2f: {  	lr =	sadd.s32 s0, s3;
	s0 =	sld [smem:$0x3FA4]  }
0x30: {  	s3 =	sld [smem:$0x3FA7]  }
0x31: {  	[smem:$0x3FB0] =	sst s10  }
0x32: {  	s10 =	sld [smem:$0x3FAE];
	_ =	sdelay $0x3  }
0x33: {  	p0 =	seq.s32 s10, $0x1;
	s10 =	sld [smem:$0x3FB0];
	_ =	sdelay $0x3  }
0x34: {  	[smem:$0x3FB0] =	sst s10  }
0x35: {  	s10 =	sld [smem:$0x3FAF];
	_ =	sdelay $0x3  }
0x36: {  	p1 =	seq.s32 s10, $0x1;
	s10 =	sld [smem:$0x3FB0];
	_ =	sdelay $0x3  }
0x37: {  	[smem:$0x3FB0] =	sst s10  }
0x38: {  	s10 =	sld [smem:$0x3FB1]  }
0x39: {  	_ = 	snop;
	(pc) =	sbr.ind lr, $3  }
0x3a: {  	_ = 	snop  }
0x3b: {  	_ = 	snop  }
0x3c: {  	p2 =	seq.s32 s10, $0x1;
	s10 =	sld [smem:$0x3FB0]  }
0x3d: {  	_ =	shalt  }
0x3e: {  	_ =	shalt  }
0x3f: {  	_ =	shalt  }
0x40: {  	_ =	shalt  }
0x41: {  	_ =	shalt  }
0x42: {  	_ =	shalt  }
0x43: {  	_ =	shalt  }
0x44: {  	_ =	shalt  }
0x45: {  	_ =	shalt  }
0x46: {  	_ =	shalt  }
0x47: {  	_ =	shalt  }
0x48: {  	_ =	shalt  }
0x49: {  	_ =	shalt  }
0x4a: {  	_ =	shalt  }
0x4b: {  	_ =	shalt  }
0x4c: {  	_ =	shalt  }
0x4d: {  	_ =	shalt  }
0x4e: {  	_ =	shalt  }
0x4f: {  	_ =	shalt  }
0x50: {  	_ =	shalt  }
0x51: {  	_ =	shalt  }
0x52: {  	_ =	shalt  }
0x53: {  	_ =	shalt  }
0x54: {  	_ =	shalt  }
0x55: {  	_ =	shalt  }
0x56: {  	_ =	shalt  }
0x57: {  	_ =	shalt  }
0x58: {  	_ =	shalt  }
0x59: {  	_ =	shalt  }
0x5a: {  	_ =	shalt  }
0x5b: {  	_ =	shalt  }
0x5c: {  	_ =	shalt  }
0x5d: {  	_ =	shalt  }
0x5e: {  	_ =	shalt  }
0x5f: {  	_ =	shalt  }
0x60: {  	_ =	shalt  }
0x61: {  	_ =	shalt  }
0x62: {  	_ =	shalt  }
0x63: {  	_ =	shalt  }
0x64: {  	_ =	shalt  }
0x65: {  	_ =	shalt  }
0x66: {  	_ =	shalt  }
0x67: {  	_ =	shalt  }
0x68: {  	_ =	shalt  }
0x69: {  	_ =	shalt  }
0x6a: {  	_ =	shalt  }
0x6b: {  	_ =	shalt  }
0x6c: {  	_ =	shalt  }
0x6d: {  	_ =	shalt  }
0x6e: {  	_ =	shalt  }
0x6f: {  	_ =	shalt  }
0x70: {  	_ =	shalt  }
0x71: {  	_ =	shalt  }
0x72: {  	_ =	shalt  }
0x73: {  	_ =	shalt  }
0x74: {  	_ =	shalt  }
0x75: {  	_ =	shalt  }
0x76: {  	_ =	shalt  }
0x77: {  	_ =	shalt  }
0x78: {  	_ =	shalt  }
0x79: {  	_ =	shalt  }
0x7a: {  	_ =	shalt  }
0x7b: {  	_ =	shalt  }
0x7c: {  	_ =	shalt  }
0x7d: {  	_ =	shalt  }
0x7e: {  	_ =	shalt  }
0x7f: {  	_ =	shalt  }
0x80: {  	_ =	shalt  }
0x81: {  	_ =	shalt  }
0x82: {  	_ =	shalt  }
0x83: {  	_ =	shalt  }
0x84: {  	_ =	shalt  }
0x85: {  	_ =	shalt  }
0x86: {  	_ =	shalt  }
0x87: {  	_ =	shalt  }
.Lfunc_end0:
.L_simem_size_0:
called_computation_lowered:
.L_overlay_start_0:
0x88: {  	s2 =	sld [smem:$0x3FD9]  }
0x89: {  	s3 =	sld [smem:$0x3FFE];
	_ =	sdelay $0x1  }
0x8a: {  	s1 =	srdreg.scid  }
0x8b: {  	s0 =	sand.u32 $0x1, s1  }
0x8c: {  	s14 =	sshll.u32 s0, $0xA;
	s2 =	sadd.s32 s3, s2  }
0x8d: {  	s2 =	sadd.s32 s2, s14  }
0x8e: {  	[smem:$0x3FBC] =	sst s2  }
0x8f: {  	_ = 	snop  }
0x90: {  	s2 =	sld [smem:$0x3FD0];
	_ =	sdelay $0x2  }
0x91: {  	s15 =	simm.s32 $0xA;
	s4 =	simm.s32 $0x10  }
0x92: {  	[smem:s4], [sflag:s15] =	dma.local [hbm:s2], $0x1  }
0x93: {  	_ =	swait.eq [sflag:s15], $0x1  }
0x94: {  	[sflag:s15] =	ssyncset.done $0x0  }
0x95: {  	s16 =	sld [smem:$0x10];
	[sflag:s15] =	ssyncadd.s32 $0xFFFFFFFF  }
0x96: {  	s17 =	sld [smem:$0x11];
	(tm) =	ssettm $0x1  }
0x97: {  	s18 =	sld [smem:$0x3FFB];
	_ =	sdelay $0x3  }
0x98: {  	_ =	strace s18  }
0x99: {  	s4 =	sld [smem:$0x3FFC];
	_ =	sdelay $0x3  }
0x9a: {  	_ =	strace s4  }
0x9b: {  	s4 =	sld [smem:$0x3FFD];
	_ =	sdelay $0x3  }
0x9c: {  	_ =	strace s4  }
0x9d: {  	_ =	strace $0x8FFFFFFF  }
0x9e: {  	s19 =	sld [smem:$0x3FDB];
	_ =	sdelay $0x1  }
0x9f: {  	s5 =	simm.s32 $_scs_section_size  }
0xa0: {  	s6 =	simm.s32 $_size__tile_overlayer_lowered;
	s7 =	simm.s32 $_tile_overlayer_lowered  }
0xa1: {  	s22 =	simm.s32 $0x1BFF;
	s21 =	sshll.u32 s7, $0x1;
	s4 =	sadd.s32 s5, s19  }
0xa2: {  	s8 =	simm.s32 $0x0;
	s20 =	sshll.u32 s6, $0x1;
	s6 =	sadd.s32 s21, s4  }
0xa3: {  	[timem:s8], [sflag:s22] =	dma.local [hbm:s6], s20  }
0xa4: {  	_ =	swait.ge [sflag:s22], s20  }
0xa5: {  	s5 =	ssub.s32 $0x0, s20;
	[sflag:s22] =	ssyncset.done $0x0  }
0xa6: {  	[sflag:s22] =	ssyncadd.s32 s5;
	_ =	sdelay $0x1  }
0xa7: {  	s23 =	simm.s32 $0x1B8B  }
0xa8: {  	_ =	swait.ge [sflag:s23], $0x1  }
0xa9: {  	[sflag:s23] =	ssyncset.done $0x0  }
0xaa: {  	s25 =	simm.s32 $0x1B8E;
	s24 =	sld [smem:$0x3FFE];
	[sflag:s23] =	ssyncadd.s32 $0xFFFFFFFF  }
0xab: {  	s26 =	simm.s32 $execute0_lowered;
	[smem:$0x3FD2] =	sst s25  }
0xac: {  	s6 =	sshll.u32 s26, $0x1;
	_ =	strace $0x80000046;
	[dreg:$0x1] =	wrdreg $0xFFFFFFFF  }
0xad: {  	s28 =	simm.s32 $_size_execute0_lowered;
	s4 =	sadd.s32 s4, s6;
	[dreg:$0x0] =	wrdreg $0x0  }
0xae: {  	s6 =	sshll.u32 s28, $0x1;
	[dreg:$0x2] =	wrdreg s4  }
0xaf: {  	[dreg:$0x3] =	wrdreg s6  }
0xb0: {  	[dreg:$0x4] =	wrdreg $0xC0  }
0xb1: {  	_ =	task [dreg:s8], $0x5FFFF  }
0xb2: {  	[dreg:$0x1] =	wrdreg $0xFFFFFFFF  }
0xb3: {  	[dreg:$0x0] =	wrdreg $0x60  }
0xb4: {  	[dreg:$0x2] =	wrdreg s24  }
0xb5: {  	[dreg:$0x3] =	wrdreg s17  }
0xb6: {  	[dreg:$0x4] =	wrdreg s16  }
0xb7: {  	[dreg:$0x5] =	wrdreg $0x28800  }
0xb8: {  	[dreg:$0x6] =	wrdreg $0x9  }
0xb9: {  	_ =	task.clear_ibuf [dreg:s8], $0x7FFFF;
	_ =	strace $0x90000046  }
0xba: {  	s29 =	simm.s32 $0x9;
	_ =	strace $0x80000048  }
0xbb: {  	_ =	swait.ge [sflag:s29], $0x1  }
0xbc: {  	[sflag:s29] =	ssyncadd.s32 $0xFFFFFFFF  }
0xbd: {  	_ =	strace $0x90000048  }
0xbe: {  	_ =	sfence  }
0xbf: {  	s30 =	sld [smem:$0x0];
	_ =	sdelay $0x2  }
0xc0: {  	s31 =	sshll.u32 s1, $0xD;
	s1 =	sshrl.u32 s1, $0x2  }
0xc1: {  	s3 =	sand.u32 $0x4000, s31;
	s1 =	sadd.s32 s1, s30  }
0xc2: {  	s0 =	sor.u32 s3, s0;
	s1 =	sshll.u32 s1, $0x11  }
0xc3: {  	s0 =	sor.u32 s1, s0  }
0xc4: {  	s0 =	sadd.s32 $0x8F2B, s0  }
0xc5: {  	[sflag:s0] =	ssyncadd.remote.s32 $0x1  }
0xc6: {  	_ =	sfence.sel $0xFFFF  }
0xc7: {  	[dreg:$0x0] =	wrdreg $0xFFFFFFFF;
	(pc) =	sbr.abs _section_cstart, $3  }
0xc8: {  	[dreg:$0x1] =	wrdreg $0xFFFFFFFF  }
0xc9: {  	_ =	task.clear_ibuf [dreg:s8], $0x2FFFF;
	_ =	strace $0x9FFFFFFF  }
0xca: {  	(tm) =	ssettm $0x7FFFFFFF  }
0xcb: {  	_ =	shalt  }
tec
execute0_lowered:
.L_overlay_start_1:
0x0: {  	(tag) =	ssettag $0x1  }
0x1: {  	s5 =	rddreg [dreg:$0x0]  }
0x2: {  	s1 =	rddreg [dreg:$0x1]  }
0x3: {  	s2 =	srdreg.scid;
	s7 =	rddreg [dreg:$0x2]  }
0x4: {  	s0 =	stileid.u32;
	s3 =	rddreg [dreg:$0x3]  }
0x5: {  	s4 =	simm.s32 $0x0;
	s12 =	simm.s32 $0x2800;
	s13 =	simm.s32 $0x0  }
0x6: {  	s6 =	sand.u32 $0x1, s2;
	s28 =	sshll.u32 s0, $0x1;
	s9 =	smul.u32 $0x280, s0  }
0x7: {  	s2 =	sor.u32 s6, s28;
	s10 =	ssub.s32 $0x2, s6;
	s6 =	smul.u32 $0x2800, s6  }
0x8: {  	[smem:$0x7FF] =	sst s4;
	s31 =	sshll.u32 s0, $0x6;
	s8 =	smul.u32 $0x500, s2  }
0x9: {  	s2 =	rddreg [dreg:$0x4];
	_ =	strace $0x80000047;
	s11 =	sshrl.u32 s10, $0x1  }
0xa: {  	s30 =	sadd.s32 s9, s3;
	s29 =	ssub.s32 s10, s11;
	s6 =	sadd.s32 s9, s6  }
0xb: {  	s9 =	sor.u32 $0x1C01, s31;
	s10 =	sshrl.u32 s30, $0x3;
	s11 =	simm.s32 $0x80  }
0xc: {  	s5 =	sadd.s32 s8, s5;
	s6 =	sshrl.u32 s6, $0x3;
	s8 =	simm.s32 $0x1  }
0xd: {  	v0 =	vimm.f32 $1.000000000e+00;
	s5 =	sadd.s32 $0x5A00, s5;
	s6 =	sadd.s32 s7, s6;
	s7 =	smax.u32 s29, $0x1  }
.LBB2_1:
0xe: {  	[tilespmem:s4], [sflag:$0x1] =	stream.linear.gather [hbm4b:s5+s4], $0x2800, $0x38;
	[tilespmem:$0x2B00] =	vst v63  }
0xf: {  	_ =	swait.ge [sflag:s8], $0x2800  }
0x10: {  	[sflag:s8] =	ssyncset.done $0x0  }
0x11: {  	[sflag:s8] =	ssyncadd.s32 $0xFFFFD800  }
0x12: {  	[tilespmem:$0x2800] =	vst v0  }
0x13: {  	[tilespmem:$0x2810] =	vst v0  }
0x14: {  	[tilespmem:$0x2820] =	vst v0  }
0x15: {  	[tilespmem:$0x2830] =	vst v0  }
0x16: {  	[tilespmem:$0x2840] =	vst v0  }
0x17: {  	[tilespmem:$0x2850] =	vst v0  }
0x18: {  	[tilespmem:$0x2860] =	vst v0  }
0x19: {  	[tilespmem:$0x2870] =	vst v0  }
0x1a: {  	[spmem:s10], [sflag:s9] =	dma.local [hbm:s1], $0x50  }
0x1b: {  	_ =	swait.ge [sflag:s8], $0x50  }
0x1c: {  	[sflag:s8] =	ssyncset.done $0x0  }
0x1d: {  	[sflag:s8] =	ssyncadd.s32 $0xFFFFFFB0  }
0x1e: {  	s14 =	simm.s32 $0x0;
	[bflag:$0x0] =	sbarrier.arrive $0xFFFF  }
.LBB2_2:
0x1f: {  	p0 =	sne.s32 s14, $0x4E00  }
.Ltmp0:
0x20: {  	s15 =	sshra.s32 s14, $0x2;
	(pc) =	sbr.rel @p0 .LBB2_2-.Ltmp0, $4  }
0x21: {  	[spmem:s3] =	stream.indirect.scatter.add.f32 [tilespmem:s12], [sflag:$0x1], $0x1, s15, s11, $0xb8;
	[tilespmem:$0x2B00] =	vst v63  }
0x22: {  	_ =	swait.ge [sflag:s8], $0x80  }
0x23: {  	[sflag:s8] =	ssyncset.done $0x0  }
0x24: {  	s14 =	sadd.s32 $0x200, s14;
	[sflag:s8] =	ssyncadd.s32 $0xFFFFFF80  }
0x25: {  	s14 =	simm.s32 $0x1400  }
0x26: {  	[spmem:s3] =	stream.indirect.scatter.add.f32 [tilespmem:s12], [sflag:$0x1], $0x1, s14, s11, $0xb8;
	[tilespmem:$0x2B00] =	vst v63  }
0x27: {  	s14 =	simm.s32 $0x200;
	_ =	swait.ge [sflag:s8], $0x80  }
.LBB2_4:
0x28: {  	s15 =	sshra.s32 s14, $0x2;
	[sflag:s8] =	ssyncset.done $0x0;
	p0 =	sne.s32 s14, $0x4E00  }
.Ltmp1:
0x29: {  	s15 =	sadd.s32 $0x1400, s15;
	[sflag:s8] =	ssyncadd.s32 $0xFFFFFF80;
	(pc) =	sbr.rel @p0 .LBB2_4-.Ltmp1, $3  }
0x2a: {  	[spmem:s3] =	stream.indirect.scatter.add.f32 [tilespmem:s12], [sflag:$0x1], $0x1, s15, s11, $0xb8;
	[tilespmem:$0x2B00] =	vst v63  }
0x2b: {  	s14 =	sadd.s32 $0x200, s14;
	_ =	sdelay $0x1  }
0x2c: {  	_ =	swait.ge [sflag:s8], $0x80  }
0x2d: {  	[sflag:s8] =	ssyncset.done $0x0;
	s13 =	sadd.s32 $0x1, s13  }
0x2e: {  	[sflag:s8] =	ssyncadd.s32 $0xFFFFFF80;
	p0 =	sne.s32 s13, s7  }
.Ltmp2:
0x2f: {  	[bflag:$0x0] =	sbarrier.arrive $0xFFFF;
	(pc) =	sbr.rel @p0 .LBB2_1-.Ltmp2, $4  }
0x30: {  	[hbm:s6], [sflag:s9] =	dma.local [spmem:s10], $0x50  }
0x31: {  	_ =	swait.ge [sflag:s8], $0x50  }
0x32: {  	[sflag:s8] =	ssyncset.done $0x0  }
0x33: {  	[sflag:s8] =	ssyncadd.s32 $0xFFFFFFB0  }
0x34: {  	_ =	sfence.sel $0x180000  }
0x35: {  	[bflag:$0x0] =	sbarrier.arrive $0xFFFF  }
0x36: {  	p0 =	sne.s32 s0, $0x0;
	_ =	strace $0x90000047  }
0x37: {  	s0 =	sadd.s32 @!p0 $0x100000, s2;
	[bflag:$0x2] =	sbarrier.arrive $0xFFFF  }
0x38: {  	[sflag:s0] =	ssyncadd.tile.s32 @!p0 $0x1;
	_ =	shalt  }
.Lfunc_end2:
_tile_overlayer_lowered:
.L_overlay_start_2:
0x39: {  	(tag) =	ssettag $0x2  }
0x3a: {  	s0 =	rddreg [dreg:$0x0];
	s2 =	stileid.u32  }
0x3b: {  	s1 =	rddreg [dreg:$0x1];
	p0 =	sne.s32 s2, $0x0  }
0x3c: {  	s3 =	rddreg [dreg:$0x2];
	[bflag:$0x3] =	sbarrier.arrive $0xFFFF;
	s2 =	simm.s32 @!p0 $0x1C01  }
0x3d: {  	[timem:s3], [sflag:s2] =	dma.local @!p0 [hbm:s0], s1  }
0x3e: {  	s0 =	simm.s32 @!p0 $0x1  }
0x3f: {  	_ =	swait.ge @!p0 [sflag:s0], s1  }
0x40: {  	s1 =	ssub.s32 @!p0 $0x0, s1;
	[sflag:s0] =	ssyncset.done @!p0 $0x0  }
0x41: {  	[sflag:s0] =	ssyncadd.s32 @!p0 s1  }
0x42: {  	[bflag:$0x3] =	sbarrier.arrive $0xFFFF  }
0x43: {  	_ =	shalt  }

// kernel: kernel.15.cloned.1.call-start
scs
__scs_entry_jumppad:
0x0: {  	(pc) =	sbr.rel $0x88, $3  }
0x1: {  	(tag) =	ssettag $0x0;
	lr =	simm.s32 $0x1  }
0x2: {  	[smem:$0x3F95] =	sst lr;
	_ =	strace $0xD0000000  }
0x3: {  	_ = 	snop  }
0x4: {  	_ = 	snop  }
0x5: {  	_ = 	snop  }
0x6: {  	_ = 	snop  }
0x7: {  	_ = 	snop  }
__scs_overlays_trampoline_lowered:
0x8: {  	[smem:$0x3FA4] =	sst s0  }
0x9: {  	[smem:$0x3FA5] =	sst s1  }
0xa: {  	[smem:$0x3FA6] =	sst s2  }
0xb: {  	[smem:$0x3FA7] =	sst s3  }
0xc: {  	[smem:$0x3FA8] =	sst s4  }
0xd: {  	[smem:$0x3FA9] =	sst s5  }
0xe: {  	[smem:$0x3FAA] =	sst s6  }
0xf: {  	[smem:$0x3FAB] =	sst s7  }
0x10: {  	[smem:$0x3FAC] =	sst s8  }
0x11: {  	[smem:$0x3FAD] =	sst s9;
	s0 =	simm.s32 @!p0 $0x0  }
0x12: {  	s1 =	sld [smem:$0x3F93];
	s0 =	simm.s32 @p0 $0x1  }
0x13: {  	[smem:$0x3FAE] =	sst s0;
	s0 =	simm.s32 @!p1 $0x0  }
0x14: {  	s2 =	sld [smem:$0x3F92];
	s0 =	simm.s32 @p1 $0x1  }
0x15: {  	[smem:$0x3FAF] =	sst s0;
	s0 =	simm.s32 @!p2 $0x0  }
0x16: {  	s3 =	sld [smem:$0x3FDB];
	s0 =	simm.s32 @p2 $0x1  }
0x17: {  	s4 =	simm.s32 $0x1BF5;
	[smem:$0x3FB1] =	sst s0  }
0x18: {  	s0 =	sld [smem:$0x3F94];
	_ =	swait.ge [sflag:s4], $0x0  }
0x19: {  	s7 =	sld [smem:$0x3F95]  }
0x1a: {  	s8 =	sadd.s32 $0xFFFFE003, lr  }
0x1b: {  	s9 =	sadd.s32 $0xFFFFFEF7, lr;
	s5 =	simm.s32 $0xFFFFFFFF;
	p2 =	slt.u32 s8, $0xFFFFF086  }
0x1c: {  	p1 =	slt.u32 s9, $0xF7A;
	s5 =	simm.s32 @!p2 $0x0  }
0x1d: {  	s5 =	simm.s32 @p1 $0x1;
	p0 =	seq.s32 s7, s2  }
0x1e: {  	s7 =	smul.u32 @!p0 $0xF7A, s2;
	p2 =	seq.s32 @!p0 s5, $0x0  }
0x1f: {  	s9 =	smul.u32 $0xF7A, s1;
	s8 =	simm.s32 @!p0 $0x1BF5;
	p2 =	por !p2, p0  }
0x20: {  	[sflag:s8] =	ssyncset.s32 @!p0 $0xFFFFF086;
	s6 =	sadd.s32 @!p0 s3, s7;
	s7 =	simm.s32 @!p0 $0x108  }
0x21: {  	s3 =	sadd.s32 s3, s9;
	s6 =	sadd.s32 @!p0 $0x88, s6;
	s7 =	simm.s32 @p2 $0x1082  }
0x22: {  	[simem:s7], [sflag:s8] =	dma.local @!p0 [hbm:s6], $0xF7A  }
0x23: {  	s9 =	sor.u32 $0xD0000000, s2;
	s6 =	simm.s32 $0x108;
	_ =	swait.ge @!p0 [sflag:s8], $0x0  }
0x24: {  	s3 =	sadd.s32 $0x88, s3;
	s6 =	simm.s32 @!p1 $0x1082;
	[sflag:s4] =	ssyncset.s32 $0xFFFFF086  }
0x25: {  	[simem:s6], [sflag:s4] =	dma.local [hbm:s3], $0xF7A  }
0x26: {  	[smem:$0x3F95] =	sst s1;
	(tag) =	ssettag s2;
	_ =	strace s9  }
0x27: {  	s1 =	sld [smem:$0x3FA5]  }
0x28: {  	s2 =	sld [smem:$0x3FA6]  }
0x29: {  	s4 =	sld [smem:$0x3FA8]  }
0x2a: {  	p0 =	seq.s32 s5, $0x0;
	s5 =	sld [smem:$0x3FA9]  }
0x2b: {  	s6 =	sld [smem:$0x3FAA]  }
0x2c: {  	s7 =	sld [smem:$0x3FAB]  }
0x2d: {  	s3 =	simm.s32 $0x108;
	s8 =	sld [smem:$0x3FAC]  }
0x2e: {  	s3 =	simm.s32 @!p0 $0x1082;
	s9 =	sld [smem:$0x3FAD]  }
0x2f: {  	lr =	sadd.s32 s0, s3;
	s0 =	sld [smem:$0x3FA4]  }
0x30: {  	s3 =	sld [smem:$0x3FA7]  }
0x31: {  	[smem:$0x3FB0] =	sst s10  }
0x32: {  	s10 =	sld [smem:$0x3FAE];
	_ =	sdelay $0x3  }
0x33: {  	p0 =	seq.s32 s10, $0x1;
	s10 =	sld [smem:$0x3FB0];
	_ =	sdelay $0x3  }
0x34: {  	[smem:$0x3FB0] =	sst s10  }
0x35: {  	s10 =	sld [smem:$0x3FAF];
	_ =	sdelay $0x3  }
0x36: {  	p1 =	seq.s32 s10, $0x1;
	s10 =	sld [smem:$0x3FB0];
	_ =	sdelay $0x3  }
0x37: {  	[smem:$0x3FB0] =	sst s10  }
0x38: {  	s10 =	sld [smem:$0x3FB1]  }
0x39: {  	_ = 	snop;
	(pc) =	sbr.ind lr, $3  }
0x3a: {  	_ = 	snop  }
0x3b: {  	_ = 	snop  }
0x3c: {  	p2 =	seq.s32 s10, $0x1;
	s10 =	sld [smem:$0x3FB0]  }
0x3d: {  	_ =	shalt  }
0x3e: {  	_ =	shalt  }
0x3f: {  	_ =	shalt  }
0x40: {  	_ =	shalt  }
0x41: {  	_ =	shalt  }
0x42: {  	_ =	shalt  }
0x43: {  	_ =	shalt  }
0x44: {  	_ =	shalt  }
0x45: {  	_ =	shalt  }
0x46: {  	_ =	shalt  }
0x47: {  	_ =	shalt  }
0x48: {  	_ =	shalt  }
0x49: {  	_ =	shalt  }
0x4a: {  	_ =	shalt  }
0x4b: {  	_ =	shalt  }
0x4c: {  	_ =	shalt  }
0x4d: {  	_ =	shalt  }
0x4e: {  	_ =	shalt  }
0x4f: {  	_ =	shalt  }
0x50: {  	_ =	shalt  }
0x51: {  	_ =	shalt  }
0x52: {  	_ =	shalt  }
0x53: {  	_ =	shalt  }
0x54: {  	_ =	shalt  }
0x55: {  	_ =	shalt  }
0x56: {  	_ =	shalt  }
0x57: {  	_ =	shalt  }
0x58: {  	_ =	shalt  }
0x59: {  	_ =	shalt  }
0x5a: {  	_ =	shalt  }
0x5b: {  	_ =	shalt  }
0x5c: {  	_ =	shalt  }
0x5d: {  	_ =	shalt  }
0x5e: {  	_ =	shalt  }
0x5f: {  	_ =	shalt  }
0x60: {  	_ =	shalt  }
0x61: {  	_ =	shalt  }
0x62: {  	_ =	shalt  }
0x63: {  	_ =	shalt  }
0x64: {  	_ =	shalt  }
0x65: {  	_ =	shalt  }
0x66: {  	_ =	shalt  }
0x67: {  	_ =	shalt  }
0x68: {  	_ =	shalt  }
0x69: {  	_ =	shalt  }
0x6a: {  	_ =	shalt  }
0x6b: {  	_ =	shalt  }
0x6c: {  	_ =	shalt  }
0x6d: {  	_ =	shalt  }
0x6e: {  	_ =	shalt  }
0x6f: {  	_ =	shalt  }
0x70: {  	_ =	shalt  }
0x71: {  	_ =	shalt  }
0x72: {  	_ =	shalt  }
0x73: {  	_ =	shalt  }
0x74: {  	_ =	shalt  }
0x75: {  	_ =	shalt  }
0x76: {  	_ =	shalt  }
0x77: {  	_ =	shalt  }
0x78: {  	_ =	shalt  }
0x79: {  	_ =	shalt  }
0x7a: {  	_ =	shalt  }
0x7b: {  	_ =	shalt  }
0x7c: {  	_ =	shalt  }
0x7d: {  	_ =	shalt  }
0x7e: {  	_ =	shalt  }
0x7f: {  	_ =	shalt  }
0x80: {  	_ =	shalt  }
0x81: {  	_ =	shalt  }
0x82: {  	_ =	shalt  }
0x83: {  	_ =	shalt  }
0x84: {  	_ =	shalt  }
0x85: {  	_ =	shalt  }
0x86: {  	_ =	shalt  }
0x87: {  	_ =	shalt  }
.Lfunc_end0:
.L_simem_size_0:
called_computation.1_lowered:
.L_overlay_start_0:
0x88: {  	s2 =	sld [smem:$0x3FD9]  }
0x89: {  	s3 =	sld [smem:$0x3FFE];
	_ =	sdelay $0x1  }
0x8a: {  	s1 =	srdreg.scid  }
0x8b: {  	s0 =	sand.u32 $0x1, s1  }
0x8c: {  	s14 =	sshll.u32 s0, $0xA;
	s2 =	sadd.s32 s3, s2  }
0x8d: {  	s2 =	sadd.s32 s2, s14  }
0x8e: {  	[smem:$0x3FBC] =	sst s2  }
0x8f: {  	_ = 	snop  }
0x90: {  	s2 =	sld [smem:$0x3FD0];
	_ =	sdelay $0x2  }
0x91: {  	s15 =	simm.s32 $0xA;
	s4 =	simm.s32 $0x10  }
0x92: {  	[smem:s4], [sflag:s15] =	dma.local [hbm:s2], $0x1  }
0x93: {  	_ =	swait.eq [sflag:s15], $0x1  }
0x94: {  	[sflag:s15] =	ssyncset.done $0x0  }
0x95: {  	[sflag:s15] =	ssyncadd.s32 $0xFFFFFFFF  }
0x96: {  	s16 =	sld [smem:$0x10];
	(tm) =	ssettm $0x1  }
0x97: {  	s17 =	sld [smem:$0x3FFB];
	_ =	sdelay $0x3  }
0x98: {  	_ =	strace s17  }
0x99: {  	s3 =	sld [smem:$0x3FFC];
	_ =	sdelay $0x3  }
0x9a: {  	_ =	strace s3  }
0x9b: {  	s3 =	sld [smem:$0x3FFD];
	_ =	sdelay $0x3  }
0x9c: {  	_ =	strace s3  }
0x9d: {  	_ =	strace $0x8FFFFFFF  }
0x9e: {  	s18 =	sld [smem:$0x3FDB];
	_ =	sdelay $0x1  }
0x9f: {  	s19 =	simm.s32 $_scs_section_size  }
0xa0: {  	s5 =	simm.s32 $_size__tile_overlayer_lowered;
	s6 =	simm.s32 $_tile_overlayer_lowered  }
0xa1: {  	s22 =	simm.s32 $0x1BFF;
	s21 =	sshll.u32 s6, $0x1;
	s3 =	sadd.s32 s19, s18  }
0xa2: {  	s7 =	simm.s32 $0x0;
	s20 =	sshll.u32 s5, $0x1;
	s5 =	sadd.s32 s21, s3  }
0xa3: {  	[timem:s7], [sflag:s22] =	dma.local [hbm:s5], s20  }
0xa4: {  	_ =	swait.ge [sflag:s22], s20  }
0xa5: {  	s4 =	ssub.s32 $0x0, s20;
	[sflag:s22] =	ssyncset.done $0x0  }
0xa6: {  	[sflag:s22] =	ssyncadd.s32 s4;
	_ =	sdelay $0x1  }
0xa7: {  	s23 =	simm.s32 $0x1B8B  }
0xa8: {  	_ =	swait.ge [sflag:s23], $0x1  }
0xa9: {  	[sflag:s23] =	ssyncset.done $0x0  }
0xaa: {  	s25 =	simm.s32 $0x1B8E;
	s24 =	sld [smem:$0x3FFE];
	[sflag:s23] =	ssyncadd.s32 $0xFFFFFFFF  }
0xab: {  	s26 =	simm.s32 $execute0_lowered;
	[smem:$0x3FD2] =	sst s25  }
0xac: {  	s5 =	sshll.u32 s26, $0x1;
	_ =	strace $0x80000049;
	[dreg:$0x1] =	wrdreg $0xFFFFFFFF  }
0xad: {  	s28 =	simm.s32 $_size_execute0_lowered;
	s3 =	sadd.s32 s3, s5;
	[dreg:$0x0] =	wrdreg $0x0  }
0xae: {  	s5 =	sshll.u32 s28, $0x1;
	[dreg:$0x2] =	wrdreg s3  }
0xaf: {  	[dreg:$0x3] =	wrdreg s5  }
0xb0: {  	[dreg:$0x4] =	wrdreg $0xC0  }
0xb1: {  	_ =	task [dreg:s7], $0x5FFFF  }
0xb2: {  	[dreg:$0x1] =	wrdreg $0xFFFFFFFF  }
0xb3: {  	[dreg:$0x0] =	wrdreg $0x60  }
0xb4: {  	[dreg:$0x2] =	wrdreg s16  }
0xb5: {  	[dreg:$0x3] =	wrdreg s24  }
0xb6: {  	[dreg:$0x4] =	wrdreg $0xA8000  }
0xb7: {  	[dreg:$0x5] =	wrdreg $0x9  }
0xb8: {  	_ =	task.clear_ibuf [dreg:s7], $0x6FFFF;
	_ =	strace $0x90000049  }
0xb9: {  	s29 =	simm.s32 $0x9;
	_ =	strace $0x8000004B  }
0xba: {  	_ =	swait.ge [sflag:s29], $0x1  }
0xbb: {  	[sflag:s29] =	ssyncadd.s32 $0xFFFFFFFF  }
0xbc: {  	_ =	strace $0x9000004B  }
0xbd: {  	_ =	sfence  }
0xbe: {  	s30 =	sld [smem:$0x0];
	_ =	sdelay $0x2  }
0xbf: {  	s31 =	sshll.u32 s1, $0xD;
	s1 =	sshrl.u32 s1, $0x2  }
0xc0: {  	s3 =	sand.u32 $0x4000, s31;
	s1 =	sadd.s32 s1, s30  }
0xc1: {  	s0 =	sor.u32 s3, s0;
	s1 =	sshll.u32 s1, $0x11  }
0xc2: {  	s0 =	sor.u32 s1, s0  }
0xc3: {  	s0 =	sadd.s32 $0x8F2B, s0  }
0xc4: {  	[sflag:s0] =	ssyncadd.remote.s32 $0x1  }
0xc5: {  	_ =	sfence.sel $0xFFFF  }
0xc6: {  	[dreg:$0x0] =	wrdreg $0xFFFFFFFF;
	(pc) =	sbr.abs _section_cstart, $3  }
0xc7: {  	[dreg:$0x1] =	wrdreg $0xFFFFFFFF  }
0xc8: {  	_ =	task.clear_ibuf [dreg:s7], $0x2FFFF;
	_ =	strace $0x9FFFFFFF  }
0xc9: {  	(tm) =	ssettm $0x7FFFFFFF  }
tec
execute0_lowered:
.L_overlay_start_1:
0x0: {  	(tag) =	ssettag $0x1  }
0x1: {  	s1 =	rddreg [dreg:$0x0]  }
0x2: {  	s6 =	rddreg [dreg:$0x1]  }
0x3: {  	s2 =	rddreg [dreg:$0x2];
	s3 =	srdreg.scid  }
0x4: {  	s0 =	rddreg [dreg:$0x3];
	s4 =	simm.s32 $0x0;
	s15 =	simm.s32 $0x1400  }
0x5: {  	s16 =	simm.s32 $0x80;
	s17 =	simm.s32 $0x2800;
	s18 =	simm.s32 $0x1  }
0x6: {  	s19 =	simm.s32 $0x6800;
	s20 =	simm.s32 $0x2;
	s21 =	simm.s32 $0x1380  }
0x7: {  	s22 =	simm.s32 $0x2700;
	s5 =	sand.u32 $0x1, s3;
	s3 =	stileid.u32  }
0x8: {  	s23 =	simm.s32 $0x2780;
	[smem:$0x7FF] =	sst s4;
	s7 =	smul.u32 $0x13C000, s5  }
0x9: {  	s9 =	sadd.s32 $0xFA00, s6;
	s10 =	sadd.s32 $0x5A00, s6;
	s8 =	smul.u32 $0x13C00, s3  }
0xa: {  	_ =	strace $0x8000004A;
	s24 =	sshll.u32 s3, $0x1;
	s11 =	ssub.s32 $0x2, s5  }
0xb: {  	s25 =	smul.u32 $0x4F000, s3;
	s28 =	sshll.u32 s3, $0x6;
	s5 =	sor.u32 s5, s24  }
0xc: {  	s12 =	sshrl.u32 s11, $0x1;
	s24 =	simm.s32 $0x0;
	s7 =	sadd.s32 s8, s7  }
0xd: {  	s13 =	smul.u32 $0x2800, s5;
	s5 =	sadd.s32 $0x40C00, s6;
	s26 =	sshrl.u32 s25, $0x2  }
0xe: {  	s12 =	ssub.s32 s11, s12;
	s7 =	sshrl.u32 s7, $0x3;
	s30 =	sadd.s32 s26, s2  }
0xf: {  	s12 =	smax.u32 s12, $0x1;
	s14 =	sadd.s32 s7, s6;
	s29 =	sshrl.u32 s13, $0x3  }
0x10: {  	s6 =	sor.u32 $0x1C03, s28;
	s13 =	sshrl.u32 s30, $0x3;
	s31 =	sadd.s32 $0x280, s29  }
0x11: {  	s7 =	sadd.s32 s9, s29;
	s8 =	sadd.s32 s10, s29;
	s11 =	sadd.s32 $0x43400, s14  }
0x12: {  	s14 =	simm.s32 $0x3;
	s9 =	sadd.s32 s9, s31;
	s10 =	sadd.s32 s10, s31  }
.LBB2_1:
0x13: {  	[spmem:s13], [sflag:s6] =	dma.local [hbm:s5], $0x2780  }
0x14: {  	_ =	swait.ge [sflag:s14], $0x2780  }
0x15: {  	[sflag:s14] =	ssyncset.done $0x0  }
0x16: {  	[sflag:s14] =	ssyncadd.s32 $0xFFFFD880  }
0x17: {  	[bflag:$0x0] =	sbarrier.arrive $0xFFFF  }
0x18: {  	[tilespmem:s4], [sflag:$0x3] =	stream.linear.gather [hbm4b:s7+s4], $0x1400, $0x38;
	[tilespmem:$0x1E400] =	vst v63  }
0x19: {  	_ =	swait.ge [sflag:s14], $0x1400  }
0x1a: {  	[sflag:s14] =	ssyncset.done $0x0  }
0x1b: {  	[sflag:s14] =	ssyncadd.s32 $0xFFFFEC00  }
0x1c: {  	[tilespmem:s15], [sflag:$0x3] =	stream.linear.gather [hbm4b:s8+s4], $0x1400, $0x38;
	[tilespmem:$0x1E400] =	vst v63  }
0x1d: {  	_ =	swait.ge [sflag:s14], $0x1400  }
0x1e: {  	[sflag:s14] =	ssyncset.done $0x0  }
0x1f: {  	[sflag:s14] =	ssyncadd.s32 $0xFFFFEC00  }
0x20: {  	[tilespmem:s17], [sflag:$0x1] =	stream.indirect.gather [hbm4b:s1+s16], $0x80, s4, s16, $0xb8;
	[tilespmem:$0x1E400] =	vst v63  }
0x21: {  	_ =	swait.ge [sflag:s18], $0x4000  }
0x22: {  	[sflag:s18] =	ssyncset.done $0x0  }
0x23: {  	s25 =	simm.s32 $0x80;
	[sflag:s18] =	ssyncadd.s32 $0xFFFFC000  }
0x24: {  	[tilespmem:s19], [sflag:$0x2] =	stream.indirect.gather [hbm4b:s1+s16], $0x80, s25, s16, $0xb8;
	[tilespmem:$0x1E400] =	vst v63  }
0x25: {  	s29 =	simm.s32 $0x1400  }
0x26: {  	[spmem:s2] =	stream.indirect.scatter.add.f32 [tilespmem:s17], [sflag:$0x3], $0x80, s29, s16, $0xb8;
	[tilespmem:$0x1E400] =	vst v63  }
0x27: {  	_ =	swait.ge [sflag:s14], $0x4000  }
0x28: {  	[sflag:s14] =	ssyncset.done $0x0  }
0x29: {  	[sflag:s14] =	ssyncadd.s32 $0xFFFFC000  }
0x2a: {  	_ =	swait.ge [sflag:s20], $0x4000  }
0x2b: {  	[sflag:s20] =	ssyncset.done $0x0  }
0x2c: {  	s30 =	simm.s32 $0x100;
	[sflag:s20] =	ssyncadd.s32 $0xFFFFC000  }
0x2d: {  	[tilespmem:s17], [sflag:$0x1] =	stream.indirect.gather [hbm4b:s1+s16], $0x80, s30, s16, $0xb8;
	[tilespmem:$0x1E400] =	vst v63  }
0x2e: {  	s31 =	simm.s32 $0x1480  }
0x2f: {  	[spmem:s2] =	stream.indirect.scatter.add.f32 [tilespmem:s19], [sflag:$0x3], $0x80, s31, s16, $0xb8;
	[tilespmem:$0x1E400] =	vst v63  }
0x30: {  	_ =	swait.ge [sflag:s14], $0x4000  }
0x31: {  	s25 =	simm.s32 $0x400;
	[sflag:s14] =	ssyncset.done $0x0  }
.LBB2_2:
0x32: {  	p0 =	sne.s32 s25, $0x4800  }
0x33: {  	[sflag:s14] =	ssyncadd.s32 $0xFFFFC000;
	s26 =	smov.u32 s25;
	s25 =	sadd.s32 $0x400, s25  }
0x34: {  	_ = 	snop  }
0x35: {  	_ =	swait.ge [sflag:s18], $0x4000  }
0x36: {  	s26 =	sshra.s32 s26, $0x2;
	[sflag:s18] =	ssyncset.done $0x0  }
0x37: {  	s28 =	sadd.s32 $0x80, s26;
	[sflag:s18] =	ssyncadd.s32 $0xFFFFC000  }
0x38: {  	[tilespmem:s19], [sflag:$0x2] =	stream.indirect.gather [hbm4b:s1+s16], $0x80, s28, s16, $0xb8;
	[tilespmem:$0x1E400] =	vst v63  }
0x39: {  	s28 =	sadd.s32 $0x1400, s26  }
0x3a: {  	[spmem:s2] =	stream.indirect.scatter.add.f32 [tilespmem:s17], [sflag:$0x3], $0x80, s28, s16, $0xb8;
	[tilespmem:$0x1E400] =	vst v63  }
0x3b: {  	_ =	swait.ge [sflag:s14], $0x4000  }
0x3c: {  	[sflag:s14] =	ssyncset.done $0x0  }
0x3d: {  	[sflag:s14] =	ssyncadd.s32 $0xFFFFC000  }
0x3e: {  	_ =	swait.ge [sflag:s20], $0x4000  }
0x3f: {  	[sflag:s20] =	ssyncset.done $0x0  }
0x40: {  	s28 =	sadd.s32 $0x100, s26;
	[sflag:s20] =	ssyncadd.s32 $0xFFFFC000  }
0x41: {  	[tilespmem:s17], [sflag:$0x1] =	stream.indirect.gather [hbm4b:s1+s16], $0x80, s28, s16, $0xb8;
	[tilespmem:$0x1E400] =	vst v63  }
.Ltmp0:
0x42: {  	_ = 	snop;
	(pc) =	sbr.rel @p0 .LBB2_2-.Ltmp0, $4  }
0x43: {  	s26 =	sadd.s32 $0x1480, s26  }
0x44: {  	[spmem:s2] =	stream.indirect.scatter.add.f32 [tilespmem:s19], [sflag:$0x3], $0x80, s26, s16, $0xb8;
	[tilespmem:$0x1E400] =	vst v63  }
0x45: {  	_ =	swait.ge [sflag:s14], $0x4000  }
0x46: {  	[sflag:s14] =	ssyncset.done $0x0  }
0x47: {  	[sflag:s14] =	ssyncadd.s32 $0xFFFFC000  }
0x48: {  	_ =	swait.ge [sflag:s18], $0x4000  }
0x49: {  	[sflag:s18] =	ssyncset.done $0x0  }
0x4a: {  	[sflag:s18] =	ssyncadd.s32 $0xFFFFC000  }
0x4b: {  	[tilespmem:s19], [sflag:$0x2] =	stream.indirect.gather [hbm4b:s1+s16], $0x80, s21, s16, $0xb8;
	[tilespmem:$0x1E400] =	vst v63  }
0x4c: {  	_ = 	snop  }
0x4d: {  	[spmem:s2] =	stream.indirect.scatter.add.f32 [tilespmem:s17], [sflag:$0x3], $0x80, s22, s16, $0xb8;
	[tilespmem:$0x1E400] =	vst v63  }
0x4e: {  	_ =	swait.ge [sflag:s14], $0x4000  }
0x4f: {  	[sflag:s14] =	ssyncset.done $0x0  }
0x50: {  	[sflag:s14] =	ssyncadd.s32 $0xFFFFC000  }
0x51: {  	_ =	swait.ge [sflag:s20], $0x4000  }
0x52: {  	[sflag:s20] =	ssyncset.done $0x0  }
0x53: {  	[sflag:s20] =	ssyncadd.s32 $0xFFFFC000  }
0x54: {  	[spmem:s2] =	stream.indirect.scatter.add.f32 [tilespmem:s19], [sflag:$0x3], $0x80, s23, s16, $0xb8;
	[tilespmem:$0x1E400] =	vst v63  }
0x55: {  	_ =	swait.ge [sflag:s14], $0x4000  }
0x56: {  	[sflag:s14] =	ssyncset.done $0x0  }
0x57: {  	s25 =	simm.s32 $0x0;
	[sflag:s14] =	ssyncadd.s32 $0xFFFFC000  }
0x58: {  	[tilespmem:s25], [sflag:$0x3] =	stream.linear.gather [hbm4b:s9+s25], $0x1400, $0x38;
	[tilespmem:$0x1E400] =	vst v63  }
0x59: {  	_ =	swait.ge [sflag:s14], $0x1400  }
0x5a: {  	[sflag:s14] =	ssyncset.done $0x0  }
0x5b: {  	[sflag:s14] =	ssyncadd.s32 $0xFFFFEC00  }
0x5c: {  	[tilespmem:s15], [sflag:$0x3] =	stream.linear.gather [hbm4b:s10+s25], $0x1400, $0x38;
	[tilespmem:$0x1E400] =	vst v63  }
0x5d: {  	_ =	swait.ge [sflag:s14], $0x1400  }
0x5e: {  	[sflag:s14] =	ssyncset.done $0x0  }
0x5f: {  	[sflag:s14] =	ssyncadd.s32 $0xFFFFEC00  }
0x60: {  	[tilespmem:s17], [sflag:$0x1] =	stream.indirect.gather [hbm4b:s1+s16], $0x80, s25, s16, $0xb8;
	[tilespmem:$0x1E400] =	vst v63  }
0x61: {  	_ =	swait.ge [sflag:s18], $0x4000  }
0x62: {  	[sflag:s18] =	ssyncset.done $0x0  }
0x63: {  	s28 =	simm.s32 $0x80;
	[sflag:s18] =	ssyncadd.s32 $0xFFFFC000  }
0x64: {  	[tilespmem:s19], [sflag:$0x2] =	stream.indirect.gather [hbm4b:s1+s16], $0x80, s28, s16, $0xb8;
	[tilespmem:$0x1E400] =	vst v63  }
0x65: {  	s29 =	simm.s32 $0x1400  }
0x66: {  	[spmem:s2] =	stream.indirect.scatter.add.f32 [tilespmem:s17], [sflag:$0x3], $0x80, s29, s16, $0xb8;
	[tilespmem:$0x1E400] =	vst v63  }
0x67: {  	_ =	swait.ge [sflag:s14], $0x4000  }
0x68: {  	[sflag:s14] =	ssyncset.done $0x0  }
0x69: {  	[sflag:s14] =	ssyncadd.s32 $0xFFFFC000  }
0x6a: {  	_ =	swait.ge [sflag:s20], $0x4000  }
0x6b: {  	[sflag:s20] =	ssyncset.done $0x0  }
0x6c: {  	s30 =	simm.s32 $0x100;
	[sflag:s20] =	ssyncadd.s32 $0xFFFFC000  }
0x6d: {  	[tilespmem:s17], [sflag:$0x1] =	stream.indirect.gather [hbm4b:s1+s16], $0x80, s30, s16, $0xb8;
	[tilespmem:$0x1E400] =	vst v63  }
0x6e: {  	s31 =	simm.s32 $0x1480  }
0x6f: {  	[spmem:s2] =	stream.indirect.scatter.add.f32 [tilespmem:s19], [sflag:$0x3], $0x80, s31, s16, $0xb8;
	[tilespmem:$0x1E400] =	vst v63  }
0x70: {  	_ =	swait.ge [sflag:s14], $0x4000  }
0x71: {  	s25 =	simm.s32 $0x400;
	[sflag:s14] =	ssyncset.done $0x0  }
.LBB2_4:
0x72: {  	p0 =	sne.s32 s25, $0x4800  }
0x73: {  	[sflag:s14] =	ssyncadd.s32 $0xFFFFC000;
	s26 =	smov.u32 s25;
	s25 =	sadd.s32 $0x400, s25  }
0x74: {  	_ = 	snop  }
0x75: {  	_ =	swait.ge [sflag:s18], $0x4000  }
0x76: {  	s26 =	sshra.s32 s26, $0x2;
	[sflag:s18] =	ssyncset.done $0x0  }
0x77: {  	s28 =	sadd.s32 $0x80, s26;
	[sflag:s18] =	ssyncadd.s32 $0xFFFFC000  }
0x78: {  	[tilespmem:s19], [sflag:$0x2] =	stream.indirect.gather [hbm4b:s1+s16], $0x80, s28, s16, $0xb8;
	[tilespmem:$0x1E400] =	vst v63  }
0x79: {  	s28 =	sadd.s32 $0x1400, s26  }
0x7a: {  	[spmem:s2] =	stream.indirect.scatter.add.f32 [tilespmem:s17], [sflag:$0x3], $0x80, s28, s16, $0xb8;
	[tilespmem:$0x1E400] =	vst v63  }
0x7b: {  	_ =	swait.ge [sflag:s14], $0x4000  }
0x7c: {  	[sflag:s14] =	ssyncset.done $0x0  }
0x7d: {  	[sflag:s14] =	ssyncadd.s32 $0xFFFFC000  }
0x7e: {  	_ =	swait.ge [sflag:s20], $0x4000  }
0x7f: {  	[sflag:s20] =	ssyncset.done $0x0  }
0x80: {  	s28 =	sadd.s32 $0x100, s26;
	[sflag:s20] =	ssyncadd.s32 $0xFFFFC000  }
0x81: {  	[tilespmem:s17], [sflag:$0x1] =	stream.indirect.gather [hbm4b:s1+s16], $0x80, s28, s16, $0xb8;
	[tilespmem:$0x1E400] =	vst v63  }
.Ltmp1:
0x82: {  	_ = 	snop;
	(pc) =	sbr.rel @p0 .LBB2_4-.Ltmp1, $4  }
0x83: {  	s26 =	sadd.s32 $0x1480, s26  }
0x84: {  	[spmem:s2] =	stream.indirect.scatter.add.f32 [tilespmem:s19], [sflag:$0x3], $0x80, s26, s16, $0xb8;
	[tilespmem:$0x1E400] =	vst v63  }
0x85: {  	_ =	swait.ge [sflag:s14], $0x4000  }
0x86: {  	[sflag:s14] =	ssyncset.done $0x0  }
0x87: {  	[sflag:s14] =	ssyncadd.s32 $0xFFFFC000  }
0x88: {  	_ =	swait.ge [sflag:s18], $0x4000  }
0x89: {  	[sflag:s18] =	ssyncset.done $0x0  }
0x8a: {  	[sflag:s18] =	ssyncadd.s32 $0xFFFFC000  }
0x8b: {  	[tilespmem:s19], [sflag:$0x2] =	stream.indirect.gather [hbm4b:s1+s16], $0x80, s21, s16, $0xb8;
	[tilespmem:$0x1E400] =	vst v63  }
0x8c: {  	_ = 	snop  }
0x8d: {  	[spmem:s2] =	stream.indirect.scatter.add.f32 [tilespmem:s17], [sflag:$0x3], $0x80, s22, s16, $0xb8;
	[tilespmem:$0x1E400] =	vst v63  }
0x8e: {  	_ =	swait.ge [sflag:s14], $0x4000  }
0x8f: {  	[sflag:s14] =	ssyncset.done $0x0  }
0x90: {  	[sflag:s14] =	ssyncadd.s32 $0xFFFFC000  }
0x91: {  	_ =	swait.ge [sflag:s20], $0x4000  }
0x92: {  	[sflag:s20] =	ssyncset.done $0x0  }
0x93: {  	[sflag:s20] =	ssyncadd.s32 $0xFFFFC000  }
0x94: {  	[spmem:s2] =	stream.indirect.scatter.add.f32 [tilespmem:s19], [sflag:$0x3], $0x80, s23, s16, $0xb8;
	[tilespmem:$0x1E400] =	vst v63  }
0x95: {  	_ =	swait.ge [sflag:s14], $0x4000  }
0x96: {  	s24 =	sadd.s32 $0x1, s24;
	[sflag:s14] =	ssyncset.done $0x0  }
0x97: {  	p0 =	sne.s32 s24, s12;
	[sflag:s14] =	ssyncadd.s32 $0xFFFFC000  }
.Ltmp2:
0x98: {  	[bflag:$0x0] =	sbarrier.arrive $0xFFFF;
	(pc) =	sbr.rel @p0 .LBB2_1-.Ltmp2, $4  }
0x99: {  	[hbm:s11], [sflag:s6] =	dma.local [spmem:s13], $0x2780  }
0x9a: {  	_ =	swait.ge [sflag:s14], $0x2780  }
0x9b: {  	[sflag:s14] =	ssyncset.done $0x0  }
0x9c: {  	[sflag:s14] =	ssyncadd.s32 $0xFFFFD880  }
0x9d: {  	_ =	sfence.sel $0x180000  }
0x9e: {  	[bflag:$0x0] =	sbarrier.arrive $0xFFFF  }
0x9f: {  	p0 =	sne.s32 s3, $0x0;
	_ =	strace $0x9000004A  }
0xa0: {  	s0 =	sadd.s32 @!p0 $0x100000, s0;
	[bflag:$0x2] =	sbarrier.arrive $0xFFFF  }
0xa1: {  	[sflag:s0] =	ssyncadd.tile.s32 @!p0 $0x1;
	_ =	shalt  }
.Lfunc_end2:
_tile_overlayer_lowered:
.L_overlay_start_2:
0xa2: {  	(tag) =	ssettag $0x2  }
0xa3: {  	s0 =	rddreg [dreg:$0x0];
	s2 =	stileid.u32  }
0xa4: {  	s1 =	rddreg [dreg:$0x1];
	p0 =	sne.s32 s2, $0x0  }
0xa5: {  	s3 =	rddreg [dreg:$0x2];
	[bflag:$0x3] =	sbarrier.arrive $0xFFFF;
	s2 =	simm.s32 @!p0 $0x1C03  }
0xa6: {  	[timem:s3], [sflag:s2] =	dma.local @!p0 [hbm:s0], s1  }
0xa7: {  	s0 =	simm.s32 @!p0 $0x3  }
0xa8: {  	_ =	swait.ge @!p0 [sflag:s0], s1  }
0xa9: {  	s1 =	ssub.s32 @!p0 $0x0, s1;
	[sflag:s0] =	ssyncset.done @!p0 $0x0  }
0xaa: {  	[sflag:s0] =	ssyncadd.s32 @!p0 s1  }
0xab: {  	[bflag:$0x3] =	sbarrier.arrive $0xFFFF  }
0xac: {  	_ =	shalt  }

// kernel: kernel.18.cloned.1.call-start
scs
__scs_entry_jumppad:
0x0: {  	(pc) =	sbr.rel $0x88, $3  }
0x1: {  	(tag) =	ssettag $0x0;
	lr =	simm.s32 $0x1  }
0x2: {  	[smem:$0x3F95] =	sst lr;
	_ =	strace $0xD0000000  }
0x3: {  	_ = 	snop  }
0x4: {  	_ = 	snop  }
0x5: {  	_ = 	snop  }
0x6: {  	_ = 	snop  }
0x7: {  	_ = 	snop  }
__scs_overlays_trampoline_lowered:
0x8: {  	[smem:$0x3FA4] =	sst s0  }
0x9: {  	[smem:$0x3FA5] =	sst s1  }
0xa: {  	[smem:$0x3FA6] =	sst s2  }
0xb: {  	[smem:$0x3FA7] =	sst s3  }
0xc: {  	[smem:$0x3FA8] =	sst s4  }
0xd: {  	[smem:$0x3FA9] =	sst s5  }
0xe: {  	[smem:$0x3FAA] =	sst s6  }
0xf: {  	[smem:$0x3FAB] =	sst s7  }
0x10: {  	[smem:$0x3FAC] =	sst s8  }
0x11: {  	[smem:$0x3FAD] =	sst s9;
	s0 =	simm.s32 @!p0 $0x0  }
0x12: {  	s1 =	sld [smem:$0x3F93];
	s0 =	simm.s32 @p0 $0x1  }
0x13: {  	[smem:$0x3FAE] =	sst s0;
	s0 =	simm.s32 @!p1 $0x0  }
0x14: {  	s2 =	sld [smem:$0x3F92];
	s0 =	simm.s32 @p1 $0x1  }
0x15: {  	[smem:$0x3FAF] =	sst s0;
	s0 =	simm.s32 @!p2 $0x0  }
0x16: {  	s3 =	sld [smem:$0x3FDB];
	s0 =	simm.s32 @p2 $0x1  }
0x17: {  	s4 =	simm.s32 $0x1BF5;
	[smem:$0x3FB1] =	sst s0  }
0x18: {  	s0 =	sld [smem:$0x3F94];
	_ =	swait.ge [sflag:s4], $0x0  }
0x19: {  	s7 =	sld [smem:$0x3F95]  }
0x1a: {  	s8 =	sadd.s32 $0xFFFFE003, lr  }
0x1b: {  	s9 =	sadd.s32 $0xFFFFFEF7, lr;
	s5 =	simm.s32 $0xFFFFFFFF;
	p2 =	slt.u32 s8, $0xFFFFF086  }
0x1c: {  	p1 =	slt.u32 s9, $0xF7A;
	s5 =	simm.s32 @!p2 $0x0  }
0x1d: {  	s5 =	simm.s32 @p1 $0x1;
	p0 =	seq.s32 s7, s2  }
0x1e: {  	s7 =	smul.u32 @!p0 $0xF7A, s2;
	p2 =	seq.s32 @!p0 s5, $0x0  }
0x1f: {  	s9 =	smul.u32 $0xF7A, s1;
	s8 =	simm.s32 @!p0 $0x1BF5;
	p2 =	por !p2, p0  }
0x20: {  	[sflag:s8] =	ssyncset.s32 @!p0 $0xFFFFF086;
	s6 =	sadd.s32 @!p0 s3, s7;
	s7 =	simm.s32 @!p0 $0x108  }
0x21: {  	s3 =	sadd.s32 s3, s9;
	s6 =	sadd.s32 @!p0 $0x88, s6;
	s7 =	simm.s32 @p2 $0x1082  }
0x22: {  	[simem:s7], [sflag:s8] =	dma.local @!p0 [hbm:s6], $0xF7A  }
0x23: {  	s9 =	sor.u32 $0xD0000000, s2;
	s6 =	simm.s32 $0x108;
	_ =	swait.ge @!p0 [sflag:s8], $0x0  }
0x24: {  	s3 =	sadd.s32 $0x88, s3;
	s6 =	simm.s32 @!p1 $0x1082;
	[sflag:s4] =	ssyncset.s32 $0xFFFFF086  }
0x25: {  	[simem:s6], [sflag:s4] =	dma.local [hbm:s3], $0xF7A  }
0x26: {  	[smem:$0x3F95] =	sst s1;
	(tag) =	ssettag s2;
	_ =	strace s9  }
0x27: {  	s1 =	sld [smem:$0x3FA5]  }
0x28: {  	s2 =	sld [smem:$0x3FA6]  }
0x29: {  	s4 =	sld [smem:$0x3FA8]  }
0x2a: {  	p0 =	seq.s32 s5, $0x0;
	s5 =	sld [smem:$0x3FA9]  }
0x2b: {  	s6 =	sld [smem:$0x3FAA]  }
0x2c: {  	s7 =	sld [smem:$0x3FAB]  }
0x2d: {  	s3 =	simm.s32 $0x108;
	s8 =	sld [smem:$0x3FAC]  }
0x2e: {  	s3 =	simm.s32 @!p0 $0x1082;
	s9 =	sld [smem:$0x3FAD]  }
0x2f: {  	lr =	sadd.s32 s0, s3;
	s0 =	sld [smem:$0x3FA4]  }
0x30: {  	s3 =	sld [smem:$0x3FA7]  }
0x31: {  	[smem:$0x3FB0] =	sst s10  }
0x32: {  	s10 =	sld [smem:$0x3FAE];
	_ =	sdelay $0x3  }
0x33: {  	p0 =	seq.s32 s10, $0x1;
	s10 =	sld [smem:$0x3FB0];
	_ =	sdelay $0x3  }
0x34: {  	[smem:$0x3FB0] =	sst s10  }
0x35: {  	s10 =	sld [smem:$0x3FAF];
	_ =	sdelay $0x3  }
0x36: {  	p1 =	seq.s32 s10, $0x1;
	s10 =	sld [smem:$0x3FB0];
	_ =	sdelay $0x3  }
0x37: {  	[smem:$0x3FB0] =	sst s10  }
0x38: {  	s10 =	sld [smem:$0x3FB1]  }
0x39: {  	_ = 	snop;
	(pc) =	sbr.ind lr, $3  }
0x3a: {  	_ = 	snop  }
0x3b: {  	_ = 	snop  }
0x3c: {  	p2 =	seq.s32 s10, $0x1;
	s10 =	sld [smem:$0x3FB0]  }
0x3d: {  	_ =	shalt  }
0x3e: {  	_ =	shalt  }
0x3f: {  	_ =	shalt  }
0x40: {  	_ =	shalt  }
0x41: {  	_ =	shalt  }
0x42: {  	_ =	shalt  }
0x43: {  	_ =	shalt  }
0x44: {  	_ =	shalt  }
0x45: {  	_ =	shalt  }
0x46: {  	_ =	shalt  }
0x47: {  	_ =	shalt  }
0x48: {  	_ =	shalt  }
0x49: {  	_ =	shalt  }
0x4a: {  	_ =	shalt  }
0x4b: {  	_ =	shalt  }
0x4c: {  	_ =	shalt  }
0x4d: {  	_ =	shalt  }
0x4e: {  	_ =	shalt  }
0x4f: {  	_ =	shalt  }
0x50: {  	_ =	shalt  }
0x51: {  	_ =	shalt  }
0x52: {  	_ =	shalt  }
0x53: {  	_ =	shalt  }
0x54: {  	_ =	shalt  }
0x55: {  	_ =	shalt  }
0x56: {  	_ =	shalt  }
0x57: {  	_ =	shalt  }
0x58: {  	_ =	shalt  }
0x59: {  	_ =	shalt  }
0x5a: {  	_ =	shalt  }
0x5b: {  	_ =	shalt  }
0x5c: {  	_ =	shalt  }
0x5d: {  	_ =	shalt  }
0x5e: {  	_ =	shalt  }
0x5f: {  	_ =	shalt  }
0x60: {  	_ =	shalt  }
0x61: {  	_ =	shalt  }
0x62: {  	_ =	shalt  }
0x63: {  	_ =	shalt  }
0x64: {  	_ =	shalt  }
0x65: {  	_ =	shalt  }
0x66: {  	_ =	shalt  }
0x67: {  	_ =	shalt  }
0x68: {  	_ =	shalt  }
0x69: {  	_ =	shalt  }
0x6a: {  	_ =	shalt  }
0x6b: {  	_ =	shalt  }
0x6c: {  	_ =	shalt  }
0x6d: {  	_ =	shalt  }
0x6e: {  	_ =	shalt  }
0x6f: {  	_ =	shalt  }
0x70: {  	_ =	shalt  }
0x71: {  	_ =	shalt  }
0x72: {  	_ =	shalt  }
0x73: {  	_ =	shalt  }
0x74: {  	_ =	shalt  }
0x75: {  	_ =	shalt  }
0x76: {  	_ =	shalt  }
0x77: {  	_ =	shalt  }
0x78: {  	_ =	shalt  }
0x79: {  	_ =	shalt  }
0x7a: {  	_ =	shalt  }
0x7b: {  	_ =	shalt  }
0x7c: {  	_ =	shalt  }
0x7d: {  	_ =	shalt  }
0x7e: {  	_ =	shalt  }
0x7f: {  	_ =	shalt  }
0x80: {  	_ =	shalt  }
0x81: {  	_ =	shalt  }
0x82: {  	_ =	shalt  }
0x83: {  	_ =	shalt  }
0x84: {  	_ =	shalt  }
0x85: {  	_ =	shalt  }
0x86: {  	_ =	shalt  }
0x87: {  	_ =	shalt  }
.Lfunc_end0:
.L_simem_size_0:
called_computation.2_lowered:
.L_overlay_start_0:
0x88: {  	s2 =	sld [smem:$0x3FD9]  }
0x89: {  	s3 =	sld [smem:$0x3FFE];
	_ =	sdelay $0x1  }
0x8a: {  	s1 =	srdreg.scid  }
0x8b: {  	s0 =	sand.u32 $0x1, s1  }
0x8c: {  	s14 =	sshll.u32 s0, $0xA;
	s2 =	sadd.s32 s3, s2  }
0x8d: {  	s2 =	sadd.s32 s2, s14  }
0x8e: {  	[smem:$0x3FBC] =	sst s2  }
0x8f: {  	_ = 	snop  }
0x90: {  	s2 =	sld [smem:$0x3FD0];
	_ =	sdelay $0x2  }
0x91: {  	s15 =	simm.s32 $0xA;
	s4 =	simm.s32 $0x10  }
0x92: {  	[smem:s4], [sflag:s15] =	dma.local [hbm:s2], $0x1  }
0x93: {  	_ =	swait.eq [sflag:s15], $0x1  }
0x94: {  	[sflag:s15] =	ssyncset.done $0x0  }
0x95: {  	[sflag:s15] =	ssyncadd.s32 $0xFFFFFFFF  }
0x96: {  	s16 =	sld [smem:$0x10];
	(tm) =	ssettm $0x1  }
0x97: {  	s17 =	sld [smem:$0x3FFB];
	_ =	sdelay $0x3  }
0x98: {  	_ =	strace s17  }
0x99: {  	s3 =	sld [smem:$0x3FFC];
	_ =	sdelay $0x3  }
0x9a: {  	_ =	strace s3  }
0x9b: {  	s3 =	sld [smem:$0x3FFD];
	_ =	sdelay $0x3  }
0x9c: {  	_ =	strace s3  }
0x9d: {  	_ =	strace $0x8FFFFFFF  }
0x9e: {  	s18 =	sld [smem:$0x3FDB];
	_ =	sdelay $0x1  }
0x9f: {  	s19 =	simm.s32 $_scs_section_size  }
0xa0: {  	s5 =	simm.s32 $_size__tile_overlayer_lowered;
	s6 =	simm.s32 $_tile_overlayer_lowered  }
0xa1: {  	s22 =	simm.s32 $0x1BFF;
	s21 =	sshll.u32 s6, $0x1;
	s3 =	sadd.s32 s19, s18  }
0xa2: {  	s7 =	simm.s32 $0x0;
	s20 =	sshll.u32 s5, $0x1;
	s5 =	sadd.s32 s21, s3  }
0xa3: {  	[timem:s7], [sflag:s22] =	dma.local [hbm:s5], s20  }
0xa4: {  	_ =	swait.ge [sflag:s22], s20  }
0xa5: {  	s4 =	ssub.s32 $0x0, s20;
	[sflag:s22] =	ssyncset.done $0x0  }
0xa6: {  	[sflag:s22] =	ssyncadd.s32 s4;
	_ =	sdelay $0x1  }
0xa7: {  	s23 =	simm.s32 $0x1B8B  }
0xa8: {  	_ =	swait.ge [sflag:s23], $0x1  }
0xa9: {  	[sflag:s23] =	ssyncset.done $0x0  }
0xaa: {  	s25 =	simm.s32 $0x1B8E;
	s24 =	sld [smem:$0x3FFE];
	[sflag:s23] =	ssyncadd.s32 $0xFFFFFFFF  }
0xab: {  	s26 =	simm.s32 $execute0_lowered;
	[smem:$0x3FD2] =	sst s25  }
0xac: {  	s5 =	sshll.u32 s26, $0x1;
	_ =	strace $0x8000004C;
	[dreg:$0x1] =	wrdreg $0xFFFFFFFF  }
0xad: {  	s28 =	simm.s32 $_size_execute0_lowered;
	s3 =	sadd.s32 s3, s5;
	[dreg:$0x0] =	wrdreg $0x0  }
0xae: {  	s5 =	sshll.u32 s28, $0x1;
	[dreg:$0x2] =	wrdreg s3  }
0xaf: {  	[dreg:$0x3] =	wrdreg s5  }
0xb0: {  	[dreg:$0x4] =	wrdreg $0xC0  }
0xb1: {  	_ =	task [dreg:s7], $0x5FFFF  }
0xb2: {  	[dreg:$0x1] =	wrdreg $0xFFFFFFFF  }
0xb3: {  	[dreg:$0x0] =	wrdreg $0x60  }
0xb4: {  	[dreg:$0x2] =	wrdreg s16  }
0xb5: {  	[dreg:$0x3] =	wrdreg s24  }
0xb6: {  	[dreg:$0x4] =	wrdreg $0xA8000  }
0xb7: {  	[dreg:$0x5] =	wrdreg $0x9  }
0xb8: {  	_ =	task.clear_ibuf [dreg:s7], $0x6FFFF;
	_ =	strace $0x9000004C  }
0xb9: {  	s29 =	simm.s32 $0x9;
	_ =	strace $0x8000004E  }
0xba: {  	_ =	swait.ge [sflag:s29], $0x1  }
0xbb: {  	[sflag:s29] =	ssyncadd.s32 $0xFFFFFFFF  }
0xbc: {  	_ =	strace $0x9000004E  }
0xbd: {  	_ =	sfence  }
0xbe: {  	s30 =	sld [smem:$0x0];
	_ =	sdelay $0x2  }
0xbf: {  	s31 =	sshll.u32 s1, $0xD;
	s1 =	sshrl.u32 s1, $0x2  }
0xc0: {  	s3 =	sand.u32 $0x4000, s31;
	s1 =	sadd.s32 s1, s30  }
0xc1: {  	s0 =	sor.u32 s3, s0;
	s1 =	sshll.u32 s1, $0x11  }
0xc2: {  	s0 =	sor.u32 s1, s0  }
0xc3: {  	s0 =	sadd.s32 $0x8F2B, s0  }
0xc4: {  	[sflag:s0] =	ssyncadd.remote.s32 $0x1  }
0xc5: {  	_ =	sfence.sel $0xFFFF  }
0xc6: {  	[dreg:$0x0] =	wrdreg $0xFFFFFFFF;
	(pc) =	sbr.abs _section_cstart, $3  }
0xc7: {  	[dreg:$0x1] =	wrdreg $0xFFFFFFFF  }
0xc8: {  	_ =	task.clear_ibuf [dreg:s7], $0x2FFFF;
	_ =	strace $0x9FFFFFFF  }
0xc9: {  	(tm) =	ssettm $0x7FFFFFFF  }
tec
execute0_lowered:
.L_overlay_start_1:
0x0: {  	(tag) =	ssettag $0x1  }
0x1: {  	s1 =	rddreg [dreg:$0x0]  }
0x2: {  	s6 =	rddreg [dreg:$0x1]  }
0x3: {  	s2 =	rddreg [dreg:$0x2];
	s3 =	srdreg.scid  }
0x4: {  	s0 =	rddreg [dreg:$0x3];
	s4 =	simm.s32 $0x0;
	s15 =	simm.s32 $0x1400  }
0x5: {  	s16 =	simm.s32 $0x80;
	s17 =	simm.s32 $0x2800;
	s18 =	simm.s32 $0x1  }
0x6: {  	s19 =	simm.s32 $0x6800;
	s20 =	simm.s32 $0x2;
	s21 =	simm.s32 $0x1380  }
0x7: {  	s22 =	simm.s32 $0x2700;
	s5 =	sand.u32 $0x1, s3;
	s3 =	stileid.u32  }
0x8: {  	s23 =	simm.s32 $0x2780;
	[smem:$0x7FF] =	sst s4;
	s7 =	smul.u32 $0x13C000, s5  }
0x9: {  	s9 =	sadd.s32 $0xFA00, s6;
	s10 =	sadd.s32 $0x5A00, s6;
	s8 =	smul.u32 $0x13C00, s3  }
0xa: {  	_ =	strace $0x8000004D;
	s24 =	sshll.u32 s3, $0x1;
	s11 =	ssub.s32 $0x2, s5  }
0xb: {  	s25 =	smul.u32 $0x4F000, s3;
	s28 =	sshll.u32 s3, $0x6;
	s5 =	sor.u32 s5, s24  }
0xc: {  	s12 =	sshrl.u32 s11, $0x1;
	s24 =	simm.s32 $0x0;
	s7 =	sadd.s32 s8, s7  }
0xd: {  	s13 =	smul.u32 $0x2800, s5;
	s5 =	sadd.s32 $0x40C00, s6;
	s26 =	sshrl.u32 s25, $0x2  }
0xe: {  	s12 =	ssub.s32 s11, s12;
	s7 =	sshrl.u32 s7, $0x3;
	s30 =	sadd.s32 s26, s2  }
0xf: {  	s12 =	smax.u32 s12, $0x1;
	s14 =	sadd.s32 s7, s6;
	s29 =	sshrl.u32 s13, $0x3  }
0x10: {  	s6 =	sor.u32 $0x1C03, s28;
	s13 =	sshrl.u32 s30, $0x3;
	s31 =	sadd.s32 $0x280, s29  }
0x11: {  	s7 =	sadd.s32 s9, s29;
	s8 =	sadd.s32 s10, s29;
	s11 =	sadd.s32 $0xE1000, s14  }
0x12: {  	s14 =	simm.s32 $0x3;
	s9 =	sadd.s32 s9, s31;
	s10 =	sadd.s32 s10, s31  }
.LBB2_1:
0x13: {  	[spmem:s13], [sflag:s6] =	dma.local [hbm:s5], $0x2780  }
0x14: {  	_ =	swait.ge [sflag:s14], $0x2780  }
0x15: {  	[sflag:s14] =	ssyncset.done $0x0  }
0x16: {  	[sflag:s14] =	ssyncadd.s32 $0xFFFFD880  }
0x17: {  	[bflag:$0x0] =	sbarrier.arrive $0xFFFF  }
0x18: {  	[tilespmem:s4], [sflag:$0x3] =	stream.linear.gather [hbm4b:s7+s4], $0x1400, $0x38;
	[tilespmem:$0x1E400] =	vst v63  }
0x19: {  	_ =	swait.ge [sflag:s14], $0x1400  }
0x1a: {  	[sflag:s14] =	ssyncset.done $0x0  }
0x1b: {  	[sflag:s14] =	ssyncadd.s32 $0xFFFFEC00  }
0x1c: {  	[tilespmem:s15], [sflag:$0x3] =	stream.linear.gather [hbm4b:s8+s4], $0x1400, $0x38;
	[tilespmem:$0x1E400] =	vst v63  }
0x1d: {  	_ =	swait.ge [sflag:s14], $0x1400  }
0x1e: {  	[sflag:s14] =	ssyncset.done $0x0  }
0x1f: {  	[sflag:s14] =	ssyncadd.s32 $0xFFFFEC00  }
0x20: {  	[tilespmem:s17], [sflag:$0x1] =	stream.indirect.gather [hbm4b:s1+s16], $0x80, s4, s16, $0xb8;
	[tilespmem:$0x1E400] =	vst v63  }
0x21: {  	_ =	swait.ge [sflag:s18], $0x4000  }
0x22: {  	[sflag:s18] =	ssyncset.done $0x0  }
0x23: {  	s25 =	simm.s32 $0x80;
	[sflag:s18] =	ssyncadd.s32 $0xFFFFC000  }
0x24: {  	[tilespmem:s19], [sflag:$0x2] =	stream.indirect.gather [hbm4b:s1+s16], $0x80, s25, s16, $0xb8;
	[tilespmem:$0x1E400] =	vst v63  }
0x25: {  	s29 =	simm.s32 $0x1400  }
0x26: {  	[spmem:s2] =	stream.indirect.scatter.add.f32 [tilespmem:s17], [sflag:$0x3], $0x80, s29, s16, $0xb8;
	[tilespmem:$0x1E400] =	vst v63  }
0x27: {  	_ =	swait.ge [sflag:s14], $0x4000  }
0x28: {  	[sflag:s14] =	ssyncset.done $0x0  }
0x29: {  	[sflag:s14] =	ssyncadd.s32 $0xFFFFC000  }
0x2a: {  	_ =	swait.ge [sflag:s20], $0x4000  }
0x2b: {  	[sflag:s20] =	ssyncset.done $0x0  }
0x2c: {  	s30 =	simm.s32 $0x100;
	[sflag:s20] =	ssyncadd.s32 $0xFFFFC000  }
0x2d: {  	[tilespmem:s17], [sflag:$0x1] =	stream.indirect.gather [hbm4b:s1+s16], $0x80, s30, s16, $0xb8;
	[tilespmem:$0x1E400] =	vst v63  }
0x2e: {  	s31 =	simm.s32 $0x1480  }
0x2f: {  	[spmem:s2] =	stream.indirect.scatter.add.f32 [tilespmem:s19], [sflag:$0x3], $0x80, s31, s16, $0xb8;
	[tilespmem:$0x1E400] =	vst v63  }
0x30: {  	_ =	swait.ge [sflag:s14], $0x4000  }
0x31: {  	s25 =	simm.s32 $0x400;
	[sflag:s14] =	ssyncset.done $0x0  }
.LBB2_2:
0x32: {  	p0 =	sne.s32 s25, $0x4800  }
0x33: {  	[sflag:s14] =	ssyncadd.s32 $0xFFFFC000;
	s26 =	smov.u32 s25;
	s25 =	sadd.s32 $0x400, s25  }
0x34: {  	_ = 	snop  }
0x35: {  	_ =	swait.ge [sflag:s18], $0x4000  }
0x36: {  	s26 =	sshra.s32 s26, $0x2;
	[sflag:s18] =	ssyncset.done $0x0  }
0x37: {  	s28 =	sadd.s32 $0x80, s26;
	[sflag:s18] =	ssyncadd.s32 $0xFFFFC000  }
0x38: {  	[tilespmem:s19], [sflag:$0x2] =	stream.indirect.gather [hbm4b:s1+s16], $0x80, s28, s16, $0xb8;
	[tilespmem:$0x1E400] =	vst v63  }
0x39: {  	s28 =	sadd.s32 $0x1400, s26  }
0x3a: {  	[spmem:s2] =	stream.indirect.scatter.add.f32 [tilespmem:s17], [sflag:$0x3], $0x80, s28, s16, $0xb8;
	[tilespmem:$0x1E400] =	vst v63  }
0x3b: {  	_ =	swait.ge [sflag:s14], $0x4000  }
0x3c: {  	[sflag:s14] =	ssyncset.done $0x0  }
0x3d: {  	[sflag:s14] =	ssyncadd.s32 $0xFFFFC000  }
0x3e: {  	_ =	swait.ge [sflag:s20], $0x4000  }
0x3f: {  	[sflag:s20] =	ssyncset.done $0x0  }
0x40: {  	s28 =	sadd.s32 $0x100, s26;
	[sflag:s20] =	ssyncadd.s32 $0xFFFFC000  }
0x41: {  	[tilespmem:s17], [sflag:$0x1] =	stream.indirect.gather [hbm4b:s1+s16], $0x80, s28, s16, $0xb8;
	[tilespmem:$0x1E400] =	vst v63  }
.Ltmp0:
0x42: {  	_ = 	snop;
	(pc) =	sbr.rel @p0 .LBB2_2-.Ltmp0, $4  }
0x43: {  	s26 =	sadd.s32 $0x1480, s26  }
0x44: {  	[spmem:s2] =	stream.indirect.scatter.add.f32 [tilespmem:s19], [sflag:$0x3], $0x80, s26, s16, $0xb8;
	[tilespmem:$0x1E400] =	vst v63  }
0x45: {  	_ =	swait.ge [sflag:s14], $0x4000  }
0x46: {  	[sflag:s14] =	ssyncset.done $0x0  }
0x47: {  	[sflag:s14] =	ssyncadd.s32 $0xFFFFC000  }
0x48: {  	_ =	swait.ge [sflag:s18], $0x4000  }
0x49: {  	[sflag:s18] =	ssyncset.done $0x0  }
0x4a: {  	[sflag:s18] =	ssyncadd.s32 $0xFFFFC000  }
0x4b: {  	[tilespmem:s19], [sflag:$0x2] =	stream.indirect.gather [hbm4b:s1+s16], $0x80, s21, s16, $0xb8;
	[tilespmem:$0x1E400] =	vst v63  }
0x4c: {  	_ = 	snop  }
0x4d: {  	[spmem:s2] =	stream.indirect.scatter.add.f32 [tilespmem:s17], [sflag:$0x3], $0x80, s22, s16, $0xb8;
	[tilespmem:$0x1E400] =	vst v63  }
0x4e: {  	_ =	swait.ge [sflag:s14], $0x4000  }
0x4f: {  	[sflag:s14] =	ssyncset.done $0x0  }
0x50: {  	[sflag:s14] =	ssyncadd.s32 $0xFFFFC000  }
0x51: {  	_ =	swait.ge [sflag:s20], $0x4000  }
0x52: {  	[sflag:s20] =	ssyncset.done $0x0  }
0x53: {  	[sflag:s20] =	ssyncadd.s32 $0xFFFFC000  }
0x54: {  	[spmem:s2] =	stream.indirect.scatter.add.f32 [tilespmem:s19], [sflag:$0x3], $0x80, s23, s16, $0xb8;
	[tilespmem:$0x1E400] =	vst v63  }
0x55: {  	_ =	swait.ge [sflag:s14], $0x4000  }
0x56: {  	[sflag:s14] =	ssyncset.done $0x0  }
0x57: {  	s25 =	simm.s32 $0x0;
	[sflag:s14] =	ssyncadd.s32 $0xFFFFC000  }
0x58: {  	[tilespmem:s25], [sflag:$0x3] =	stream.linear.gather [hbm4b:s9+s25], $0x1400, $0x38;
	[tilespmem:$0x1E400] =	vst v63  }
0x59: {  	_ =	swait.ge [sflag:s14], $0x1400  }
0x5a: {  	[sflag:s14] =	ssyncset.done $0x0  }
0x5b: {  	[sflag:s14] =	ssyncadd.s32 $0xFFFFEC00  }
0x5c: {  	[tilespmem:s15], [sflag:$0x3] =	stream.linear.gather [hbm4b:s10+s25], $0x1400, $0x38;
	[tilespmem:$0x1E400] =	vst v63  }
0x5d: {  	_ =	swait.ge [sflag:s14], $0x1400  }
0x5e: {  	[sflag:s14] =	ssyncset.done $0x0  }
0x5f: {  	[sflag:s14] =	ssyncadd.s32 $0xFFFFEC00  }
0x60: {  	[tilespmem:s17], [sflag:$0x1] =	stream.indirect.gather [hbm4b:s1+s16], $0x80, s25, s16, $0xb8;
	[tilespmem:$0x1E400] =	vst v63  }
0x61: {  	_ =	swait.ge [sflag:s18], $0x4000  }
0x62: {  	[sflag:s18] =	ssyncset.done $0x0  }
0x63: {  	s28 =	simm.s32 $0x80;
	[sflag:s18] =	ssyncadd.s32 $0xFFFFC000  }
0x64: {  	[tilespmem:s19], [sflag:$0x2] =	stream.indirect.gather [hbm4b:s1+s16], $0x80, s28, s16, $0xb8;
	[tilespmem:$0x1E400] =	vst v63  }
0x65: {  	s29 =	simm.s32 $0x1400  }
0x66: {  	[spmem:s2] =	stream.indirect.scatter.add.f32 [tilespmem:s17], [sflag:$0x3], $0x80, s29, s16, $0xb8;
	[tilespmem:$0x1E400] =	vst v63  }
0x67: {  	_ =	swait.ge [sflag:s14], $0x4000  }
0x68: {  	[sflag:s14] =	ssyncset.done $0x0  }
0x69: {  	[sflag:s14] =	ssyncadd.s32 $0xFFFFC000  }
0x6a: {  	_ =	swait.ge [sflag:s20], $0x4000  }
0x6b: {  	[sflag:s20] =	ssyncset.done $0x0  }
0x6c: {  	s30 =	simm.s32 $0x100;
	[sflag:s20] =	ssyncadd.s32 $0xFFFFC000  }
0x6d: {  	[tilespmem:s17], [sflag:$0x1] =	stream.indirect.gather [hbm4b:s1+s16], $0x80, s30, s16, $0xb8;
	[tilespmem:$0x1E400] =	vst v63  }
0x6e: {  	s31 =	simm.s32 $0x1480  }
0x6f: {  	[spmem:s2] =	stream.indirect.scatter.add.f32 [tilespmem:s19], [sflag:$0x3], $0x80, s31, s16, $0xb8;
	[tilespmem:$0x1E400] =	vst v63  }
0x70: {  	_ =	swait.ge [sflag:s14], $0x4000  }
0x71: {  	s25 =	simm.s32 $0x400;
	[sflag:s14] =	ssyncset.done $0x0  }
.LBB2_4:
0x72: {  	p0 =	sne.s32 s25, $0x4800  }
0x73: {  	[sflag:s14] =	ssyncadd.s32 $0xFFFFC000;
	s26 =	smov.u32 s25;
	s25 =	sadd.s32 $0x400, s25  }
0x74: {  	_ = 	snop  }
0x75: {  	_ =	swait.ge [sflag:s18], $0x4000  }
0x76: {  	s26 =	sshra.s32 s26, $0x2;
	[sflag:s18] =	ssyncset.done $0x0  }
0x77: {  	s28 =	sadd.s32 $0x80, s26;
	[sflag:s18] =	ssyncadd.s32 $0xFFFFC000  }
0x78: {  	[tilespmem:s19], [sflag:$0x2] =	stream.indirect.gather [hbm4b:s1+s16], $0x80, s28, s16, $0xb8;
	[tilespmem:$0x1E400] =	vst v63  }
0x79: {  	s28 =	sadd.s32 $0x1400, s26  }
0x7a: {  	[spmem:s2] =	stream.indirect.scatter.add.f32 [tilespmem:s17], [sflag:$0x3], $0x80, s28, s16, $0xb8;
	[tilespmem:$0x1E400] =	vst v63  }
0x7b: {  	_ =	swait.ge [sflag:s14], $0x4000  }
0x7c: {  	[sflag:s14] =	ssyncset.done $0x0  }
0x7d: {  	[sflag:s14] =	ssyncadd.s32 $0xFFFFC000  }
0x7e: {  	_ =	swait.ge [sflag:s20], $0x4000  }
0x7f: {  	[sflag:s20] =	ssyncset.done $0x0  }
0x80: {  	s28 =	sadd.s32 $0x100, s26;
	[sflag:s20] =	ssyncadd.s32 $0xFFFFC000  }
0x81: {  	[tilespmem:s17], [sflag:$0x1] =	stream.indirect.gather [hbm4b:s1+s16], $0x80, s28, s16, $0xb8;
	[tilespmem:$0x1E400] =	vst v63  }
.Ltmp1:
0x82: {  	_ = 	snop;
	(pc) =	sbr.rel @p0 .LBB2_4-.Ltmp1, $4  }
0x83: {  	s26 =	sadd.s32 $0x1480, s26  }
0x84: {  	[spmem:s2] =	stream.indirect.scatter.add.f32 [tilespmem:s19], [sflag:$0x3], $0x80, s26, s16, $0xb8;
	[tilespmem:$0x1E400] =	vst v63  }
0x85: {  	_ =	swait.ge [sflag:s14], $0x4000  }
0x86: {  	[sflag:s14] =	ssyncset.done $0x0  }
0x87: {  	[sflag:s14] =	ssyncadd.s32 $0xFFFFC000  }
0x88: {  	_ =	swait.ge [sflag:s18], $0x4000  }
0x89: {  	[sflag:s18] =	ssyncset.done $0x0  }
0x8a: {  	[sflag:s18] =	ssyncadd.s32 $0xFFFFC000  }
0x8b: {  	[tilespmem:s19], [sflag:$0x2] =	stream.indirect.gather [hbm4b:s1+s16], $0x80, s21, s16, $0xb8;
	[tilespmem:$0x1E400] =	vst v63  }
0x8c: {  	_ = 	snop  }
0x8d: {  	[spmem:s2] =	stream.indirect.scatter.add.f32 [tilespmem:s17], [sflag:$0x3], $0x80, s22, s16, $0xb8;
	[tilespmem:$0x1E400] =	vst v63  }
0x8e: {  	_ =	swait.ge [sflag:s14], $0x4000  }
0x8f: {  	[sflag:s14] =	ssyncset.done $0x0  }
0x90: {  	[sflag:s14] =	ssyncadd.s32 $0xFFFFC000  }
0x91: {  	_ =	swait.ge [sflag:s20], $0x4000  }
0x92: {  	[sflag:s20] =	ssyncset.done $0x0  }
0x93: {  	[sflag:s20] =	ssyncadd.s32 $0xFFFFC000  }
0x94: {  	[spmem:s2] =	stream.indirect.scatter.add.f32 [tilespmem:s19], [sflag:$0x3], $0x80, s23, s16, $0xb8;
	[tilespmem:$0x1E400] =	vst v63  }
0x95: {  	_ =	swait.ge [sflag:s14], $0x4000  }
0x96: {  	s24 =	sadd.s32 $0x1, s24;
	[sflag:s14] =	ssyncset.done $0x0  }
0x97: {  	p0 =	sne.s32 s24, s12;
	[sflag:s14] =	ssyncadd.s32 $0xFFFFC000  }
.Ltmp2:
0x98: {  	[bflag:$0x0] =	sbarrier.arrive $0xFFFF;
	(pc) =	sbr.rel @p0 .LBB2_1-.Ltmp2, $4  }
0x99: {  	[hbm:s11], [sflag:s6] =	dma.local [spmem:s13], $0x2780  }
0x9a: {  	_ =	swait.ge [sflag:s14], $0x2780  }
0x9b: {  	[sflag:s14] =	ssyncset.done $0x0  }
0x9c: {  	[sflag:s14] =	ssyncadd.s32 $0xFFFFD880  }
0x9d: {  	_ =	sfence.sel $0x180000  }
0x9e: {  	[bflag:$0x0] =	sbarrier.arrive $0xFFFF  }
0x9f: {  	p0 =	sne.s32 s3, $0x0;
	_ =	strace $0x9000004D  }
0xa0: {  	s0 =	sadd.s32 @!p0 $0x100000, s0;
	[bflag:$0x2] =	sbarrier.arrive $0xFFFF  }
0xa1: {  	[sflag:s0] =	ssyncadd.tile.s32 @!p0 $0x1;
	_ =	shalt  }
.Lfunc_end2:
_tile_overlayer_lowered:
.L_overlay_start_2:
0xa2: {  	(tag) =	ssettag $0x2  }
0xa3: {  	s0 =	rddreg [dreg:$0x0];
	s2 =	stileid.u32  }
0xa4: {  	s1 =	rddreg [dreg:$0x1];
	p0 =	sne.s32 s2, $0x0  }
0xa5: {  	s3 =	rddreg [dreg:$0x2];
	[bflag:$0x3] =	sbarrier.arrive $0xFFFF;
	s2 =	simm.s32 @!p0 $0x1C03  }
0xa6: {  	[timem:s3], [sflag:s2] =	dma.local @!p0 [hbm:s0], s1  }
0xa7: {  	s0 =	simm.s32 @!p0 $0x3  }
0xa8: {  	_ =	swait.ge @!p0 [sflag:s0], s1  }
0xa9: {  	s1 =	ssub.s32 @!p0 $0x0, s1;
	[sflag:s0] =	ssyncset.done @!p0 $0x0  }
0xaa: {  	[sflag:s0] =	ssyncadd.s32 @!p0 s1  }
0xab: {  	[bflag:$0x3] =	sbarrier.arrive $0xFFFF  }
0xac: {  	_ =	shalt  }

// kernel: kernel.21.cloned.1.call-start
scs
__scs_entry_jumppad:
0x0: {  	(pc) =	sbr.rel $0x88, $3  }
0x1: {  	(tag) =	ssettag $0x0;
	lr =	simm.s32 $0x1  }
0x2: {  	[smem:$0x3F95] =	sst lr;
	_ =	strace $0xD0000000  }
0x3: {  	_ = 	snop  }
0x4: {  	_ = 	snop  }
0x5: {  	_ = 	snop  }
0x6: {  	_ = 	snop  }
0x7: {  	_ = 	snop  }
__scs_overlays_trampoline_lowered:
0x8: {  	[smem:$0x3FA4] =	sst s0  }
0x9: {  	[smem:$0x3FA5] =	sst s1  }
0xa: {  	[smem:$0x3FA6] =	sst s2  }
0xb: {  	[smem:$0x3FA7] =	sst s3  }
0xc: {  	[smem:$0x3FA8] =	sst s4  }
0xd: {  	[smem:$0x3FA9] =	sst s5  }
0xe: {  	[smem:$0x3FAA] =	sst s6  }
0xf: {  	[smem:$0x3FAB] =	sst s7  }
0x10: {  	[smem:$0x3FAC] =	sst s8  }
0x11: {  	[smem:$0x3FAD] =	sst s9;
	s0 =	simm.s32 @!p0 $0x0  }
0x12: {  	s1 =	sld [smem:$0x3F93];
	s0 =	simm.s32 @p0 $0x1  }
0x13: {  	[smem:$0x3FAE] =	sst s0;
	s0 =	simm.s32 @!p1 $0x0  }
0x14: {  	s2 =	sld [smem:$0x3F92];
	s0 =	simm.s32 @p1 $0x1  }
0x15: {  	[smem:$0x3FAF] =	sst s0;
	s0 =	simm.s32 @!p2 $0x0  }
0x16: {  	s3 =	sld [smem:$0x3FDB];
	s0 =	simm.s32 @p2 $0x1  }
0x17: {  	s4 =	simm.s32 $0x1BF5;
	[smem:$0x3FB1] =	sst s0  }
0x18: {  	s0 =	sld [smem:$0x3F94];
	_ =	swait.ge [sflag:s4], $0x0  }
0x19: {  	s7 =	sld [smem:$0x3F95]  }
0x1a: {  	s8 =	sadd.s32 $0xFFFFE003, lr  }
0x1b: {  	s9 =	sadd.s32 $0xFFFFFEF7, lr;
	s5 =	simm.s32 $0xFFFFFFFF;
	p2 =	slt.u32 s8, $0xFFFFF086  }
0x1c: {  	p1 =	slt.u32 s9, $0xF7A;
	s5 =	simm.s32 @!p2 $0x0  }
0x1d: {  	s5 =	simm.s32 @p1 $0x1;
	p0 =	seq.s32 s7, s2  }
0x1e: {  	s7 =	smul.u32 @!p0 $0xF7A, s2;
	p2 =	seq.s32 @!p0 s5, $0x0  }
0x1f: {  	s9 =	smul.u32 $0xF7A, s1;
	s8 =	simm.s32 @!p0 $0x1BF5;
	p2 =	por !p2, p0  }
0x20: {  	[sflag:s8] =	ssyncset.s32 @!p0 $0xFFFFF086;
	s6 =	sadd.s32 @!p0 s3, s7;
	s7 =	simm.s32 @!p0 $0x108  }
0x21: {  	s3 =	sadd.s32 s3, s9;
	s6 =	sadd.s32 @!p0 $0x88, s6;
	s7 =	simm.s32 @p2 $0x1082  }
0x22: {  	[simem:s7], [sflag:s8] =	dma.local @!p0 [hbm:s6], $0xF7A  }
0x23: {  	s9 =	sor.u32 $0xD0000000, s2;
	s6 =	simm.s32 $0x108;
	_ =	swait.ge @!p0 [sflag:s8], $0x0  }
0x24: {  	s3 =	sadd.s32 $0x88, s3;
	s6 =	simm.s32 @!p1 $0x1082;
	[sflag:s4] =	ssyncset.s32 $0xFFFFF086  }
0x25: {  	[simem:s6], [sflag:s4] =	dma.local [hbm:s3], $0xF7A  }
0x26: {  	[smem:$0x3F95] =	sst s1;
	(tag) =	ssettag s2;
	_ =	strace s9  }
0x27: {  	s1 =	sld [smem:$0x3FA5]  }
0x28: {  	s2 =	sld [smem:$0x3FA6]  }
0x29: {  	s4 =	sld [smem:$0x3FA8]  }
0x2a: {  	p0 =	seq.s32 s5, $0x0;
	s5 =	sld [smem:$0x3FA9]  }
0x2b: {  	s6 =	sld [smem:$0x3FAA]  }
0x2c: {  	s7 =	sld [smem:$0x3FAB]  }
0x2d: {  	s3 =	simm.s32 $0x108;
	s8 =	sld [smem:$0x3FAC]  }
0x2e: {  	s3 =	simm.s32 @!p0 $0x1082;
	s9 =	sld [smem:$0x3FAD]  }
0x2f: {  	lr =	sadd.s32 s0, s3;
	s0 =	sld [smem:$0x3FA4]  }
0x30: {  	s3 =	sld [smem:$0x3FA7]  }
0x31: {  	[smem:$0x3FB0] =	sst s10  }
0x32: {  	s10 =	sld [smem:$0x3FAE];
	_ =	sdelay $0x3  }
0x33: {  	p0 =	seq.s32 s10, $0x1;
	s10 =	sld [smem:$0x3FB0];
	_ =	sdelay $0x3  }
0x34: {  	[smem:$0x3FB0] =	sst s10  }
0x35: {  	s10 =	sld [smem:$0x3FAF];
	_ =	sdelay $0x3  }
0x36: {  	p1 =	seq.s32 s10, $0x1;
	s10 =	sld [smem:$0x3FB0];
	_ =	sdelay $0x3  }
0x37: {  	[smem:$0x3FB0] =	sst s10  }
0x38: {  	s10 =	sld [smem:$0x3FB1]  }
0x39: {  	_ = 	snop;
	(pc) =	sbr.ind lr, $3  }
0x3a: {  	_ = 	snop  }
0x3b: {  	_ = 	snop  }
0x3c: {  	p2 =	seq.s32 s10, $0x1;
	s10 =	sld [smem:$0x3FB0]  }
0x3d: {  	_ =	shalt  }
0x3e: {  	_ =	shalt  }
0x3f: {  	_ =	shalt  }
0x40: {  	_ =	shalt  }
0x41: {  	_ =	shalt  }
0x42: {  	_ =	shalt  }
0x43: {  	_ =	shalt  }
0x44: {  	_ =	shalt  }
0x45: {  	_ =	shalt  }
0x46: {  	_ =	shalt  }
0x47: {  	_ =	shalt  }
0x48: {  	_ =	shalt  }
0x49: {  	_ =	shalt  }
0x4a: {  	_ =	shalt  }
0x4b: {  	_ =	shalt  }
0x4c: {  	_ =	shalt  }
0x4d: {  	_ =	shalt  }
0x4e: {  	_ =	shalt  }
0x4f: {  	_ =	shalt  }
0x50: {  	_ =	shalt  }
0x51: {  	_ =	shalt  }
0x52: {  	_ =	shalt  }
0x53: {  	_ =	shalt  }
0x54: {  	_ =	shalt  }
0x55: {  	_ =	shalt  }
0x56: {  	_ =	shalt  }
0x57: {  	_ =	shalt  }
0x58: {  	_ =	shalt  }
0x59: {  	_ =	shalt  }
0x5a: {  	_ =	shalt  }
0x5b: {  	_ =	shalt  }
0x5c: {  	_ =	shalt  }
0x5d: {  	_ =	shalt  }
0x5e: {  	_ =	shalt  }
0x5f: {  	_ =	shalt  }
0x60: {  	_ =	shalt  }
0x61: {  	_ =	shalt  }
0x62: {  	_ =	shalt  }
0x63: {  	_ =	shalt  }
0x64: {  	_ =	shalt  }
0x65: {  	_ =	shalt  }
0x66: {  	_ =	shalt  }
0x67: {  	_ =	shalt  }
0x68: {  	_ =	shalt  }
0x69: {  	_ =	shalt  }
0x6a: {  	_ =	shalt  }
0x6b: {  	_ =	shalt  }
0x6c: {  	_ =	shalt  }
0x6d: {  	_ =	shalt  }
0x6e: {  	_ =	shalt  }
0x6f: {  	_ =	shalt  }
0x70: {  	_ =	shalt  }
0x71: {  	_ =	shalt  }
0x72: {  	_ =	shalt  }
0x73: {  	_ =	shalt  }
0x74: {  	_ =	shalt  }
0x75: {  	_ =	shalt  }
0x76: {  	_ =	shalt  }
0x77: {  	_ =	shalt  }
0x78: {  	_ =	shalt  }
0x79: {  	_ =	shalt  }
0x7a: {  	_ =	shalt  }
0x7b: {  	_ =	shalt  }
0x7c: {  	_ =	shalt  }
0x7d: {  	_ =	shalt  }
0x7e: {  	_ =	shalt  }
0x7f: {  	_ =	shalt  }
0x80: {  	_ =	shalt  }
0x81: {  	_ =	shalt  }
0x82: {  	_ =	shalt  }
0x83: {  	_ =	shalt  }
0x84: {  	_ =	shalt  }
0x85: {  	_ =	shalt  }
0x86: {  	_ =	shalt  }
0x87: {  	_ =	shalt  }
.Lfunc_end0:
.L_simem_size_0:
called_computation.3_lowered:
.L_overlay_start_0:
0x88: {  	s2 =	sld [smem:$0x3FD9]  }
0x89: {  	s3 =	sld [smem:$0x3FFE];
	_ =	sdelay $0x1  }
0x8a: {  	s1 =	srdreg.scid  }
0x8b: {  	s0 =	sand.u32 $0x1, s1  }
0x8c: {  	s14 =	sshll.u32 s0, $0xA;
	s2 =	sadd.s32 s3, s2  }
0x8d: {  	s2 =	sadd.s32 s2, s14  }
0x8e: {  	[smem:$0x3FBC] =	sst s2  }
0x8f: {  	_ = 	snop  }
0x90: {  	s2 =	sld [smem:$0x3FD0];
	_ =	sdelay $0x2  }
0x91: {  	s15 =	simm.s32 $0xA;
	s4 =	simm.s32 $0x10  }
0x92: {  	[smem:s4], [sflag:s15] =	dma.local [hbm:s2], $0x1  }
0x93: {  	_ =	swait.eq [sflag:s15], $0x1  }
0x94: {  	[sflag:s15] =	ssyncset.done $0x0  }
0x95: {  	[sflag:s15] =	ssyncadd.s32 $0xFFFFFFFF  }
0x96: {  	s16 =	sld [smem:$0x10];
	(tm) =	ssettm $0x1  }
0x97: {  	s17 =	sld [smem:$0x3FFB];
	_ =	sdelay $0x3  }
0x98: {  	_ =	strace s17  }
0x99: {  	s3 =	sld [smem:$0x3FFC];
	_ =	sdelay $0x3  }
0x9a: {  	_ =	strace s3  }
0x9b: {  	s3 =	sld [smem:$0x3FFD];
	_ =	sdelay $0x3  }
0x9c: {  	_ =	strace s3  }
0x9d: {  	_ =	strace $0x8FFFFFFF  }
0x9e: {  	s18 =	sld [smem:$0x3FDB];
	_ =	sdelay $0x1  }
0x9f: {  	s19 =	simm.s32 $_scs_section_size  }
0xa0: {  	s5 =	simm.s32 $_size__tile_overlayer_lowered;
	s6 =	simm.s32 $_tile_overlayer_lowered  }
0xa1: {  	s22 =	simm.s32 $0x1BFF;
	s21 =	sshll.u32 s6, $0x1;
	s3 =	sadd.s32 s19, s18  }
0xa2: {  	s7 =	simm.s32 $0x0;
	s20 =	sshll.u32 s5, $0x1;
	s5 =	sadd.s32 s21, s3  }
0xa3: {  	[timem:s7], [sflag:s22] =	dma.local [hbm:s5], s20  }
0xa4: {  	_ =	swait.ge [sflag:s22], s20  }
0xa5: {  	s4 =	ssub.s32 $0x0, s20;
	[sflag:s22] =	ssyncset.done $0x0  }
0xa6: {  	[sflag:s22] =	ssyncadd.s32 s4;
	_ =	sdelay $0x1  }
0xa7: {  	s23 =	simm.s32 $0x1B8B  }
0xa8: {  	_ =	swait.ge [sflag:s23], $0x1  }
0xa9: {  	[sflag:s23] =	ssyncset.done $0x0  }
0xaa: {  	s25 =	simm.s32 $0x1B8E;
	s24 =	sld [smem:$0x3FFE];
	[sflag:s23] =	ssyncadd.s32 $0xFFFFFFFF  }
0xab: {  	s26 =	simm.s32 $execute0_lowered;
	[smem:$0x3FD2] =	sst s25  }
0xac: {  	s5 =	sshll.u32 s26, $0x1;
	_ =	strace $0x8000004F;
	[dreg:$0x1] =	wrdreg $0xFFFFFFFF  }
0xad: {  	s28 =	simm.s32 $_size_execute0_lowered;
	s3 =	sadd.s32 s3, s5;
	[dreg:$0x0] =	wrdreg $0x0  }
0xae: {  	s5 =	sshll.u32 s28, $0x1;
	[dreg:$0x2] =	wrdreg s3  }
0xaf: {  	[dreg:$0x3] =	wrdreg s5  }
0xb0: {  	[dreg:$0x4] =	wrdreg $0xC0  }
0xb1: {  	_ =	task [dreg:s7], $0x5FFFF  }
0xb2: {  	[dreg:$0x1] =	wrdreg $0xFFFFFFFF  }
0xb3: {  	[dreg:$0x0] =	wrdreg $0x60  }
0xb4: {  	[dreg:$0x2] =	wrdreg s16  }
0xb5: {  	[dreg:$0x3] =	wrdreg s24  }
0xb6: {  	[dreg:$0x4] =	wrdreg $0xA8000  }
0xb7: {  	[dreg:$0x5] =	wrdreg $0x9  }
0xb8: {  	_ =	task.clear_ibuf [dreg:s7], $0x6FFFF;
	_ =	strace $0x9000004F  }
0xb9: {  	s29 =	simm.s32 $0x9;
	_ =	strace $0x80000051  }
0xba: {  	_ =	swait.ge [sflag:s29], $0x1  }
0xbb: {  	[sflag:s29] =	ssyncadd.s32 $0xFFFFFFFF  }
0xbc: {  	_ =	strace $0x90000051  }
0xbd: {  	_ =	sfence  }
0xbe: {  	s30 =	sld [smem:$0x0];
	_ =	sdelay $0x2  }
0xbf: {  	s31 =	sshll.u32 s1, $0xD;
	s1 =	sshrl.u32 s1, $0x2  }
0xc0: {  	s3 =	sand.u32 $0x4000, s31;
	s1 =	sadd.s32 s1, s30  }
0xc1: {  	s0 =	sor.u32 s3, s0;
	s1 =	sshll.u32 s1, $0x11  }
0xc2: {  	s0 =	sor.u32 s1, s0  }
0xc3: {  	s0 =	sadd.s32 $0x8F2B, s0  }
0xc4: {  	[sflag:s0] =	ssyncadd.remote.s32 $0x1  }
0xc5: {  	_ =	sfence.sel $0xFFFF  }
0xc6: {  	[dreg:$0x0] =	wrdreg $0xFFFFFFFF;
	(pc) =	sbr.abs _section_cstart, $3  }
0xc7: {  	[dreg:$0x1] =	wrdreg $0xFFFFFFFF  }
0xc8: {  	_ =	task.clear_ibuf [dreg:s7], $0x2FFFF;
	_ =	strace $0x9FFFFFFF  }
0xc9: {  	(tm) =	ssettm $0x7FFFFFFF  }
tec
execute0_lowered:
.L_overlay_start_1:
0x0: {  	(tag) =	ssettag $0x1  }
0x1: {  	s1 =	rddreg [dreg:$0x0]  }
0x2: {  	s6 =	rddreg [dreg:$0x1]  }
0x3: {  	s2 =	rddreg [dreg:$0x2];
	s3 =	srdreg.scid  }
0x4: {  	s0 =	rddreg [dreg:$0x3];
	s4 =	simm.s32 $0x0;
	s15 =	simm.s32 $0x1400  }
0x5: {  	s16 =	simm.s32 $0x80;
	s17 =	simm.s32 $0x2800;
	s18 =	simm.s32 $0x1  }
0x6: {  	s19 =	simm.s32 $0x6800;
	s20 =	simm.s32 $0x2;
	s21 =	simm.s32 $0x1380  }
0x7: {  	s22 =	simm.s32 $0x2700;
	s5 =	sand.u32 $0x1, s3;
	s3 =	stileid.u32  }
0x8: {  	s23 =	simm.s32 $0x2780;
	[smem:$0x7FF] =	sst s4;
	s7 =	smul.u32 $0x13C000, s5  }
0x9: {  	s9 =	sadd.s32 $0xFA00, s6;
	s10 =	sadd.s32 $0x5A00, s6;
	s8 =	smul.u32 $0x13C00, s3  }
0xa: {  	_ =	strace $0x80000050;
	s24 =	sshll.u32 s3, $0x1;
	s11 =	ssub.s32 $0x2, s5  }
0xb: {  	s25 =	smul.u32 $0x4F000, s3;
	s28 =	sshll.u32 s3, $0x6;
	s5 =	sor.u32 s5, s24  }
0xc: {  	s12 =	sshrl.u32 s11, $0x1;
	s24 =	simm.s32 $0x0;
	s7 =	sadd.s32 s8, s7  }
0xd: {  	s13 =	smul.u32 $0x2800, s5;
	s5 =	sadd.s32 $0x40C00, s6;
	s26 =	sshrl.u32 s25, $0x2  }
0xe: {  	s12 =	ssub.s32 s11, s12;
	s7 =	sshrl.u32 s7, $0x3;
	s30 =	sadd.s32 s26, s2  }
0xf: {  	s12 =	smax.u32 s12, $0x1;
	s14 =	sadd.s32 s7, s6;
	s29 =	sshrl.u32 s13, $0x3  }
0x10: {  	s6 =	sor.u32 $0x1C03, s28;
	s13 =	sshrl.u32 s30, $0x3;
	s31 =	sadd.s32 $0x280, s29  }
0x11: {  	s7 =	sadd.s32 s9, s29;
	s8 =	sadd.s32 s10, s29;
	s11 =	sadd.s32 $0xB8C00, s14  }
0x12: {  	s14 =	simm.s32 $0x3;
	s9 =	sadd.s32 s9, s31;
	s10 =	sadd.s32 s10, s31  }
.LBB2_1:
0x13: {  	[spmem:s13], [sflag:s6] =	dma.local [hbm:s5], $0x2780  }
0x14: {  	_ =	swait.ge [sflag:s14], $0x2780  }
0x15: {  	[sflag:s14] =	ssyncset.done $0x0  }
0x16: {  	[sflag:s14] =	ssyncadd.s32 $0xFFFFD880  }
0x17: {  	[bflag:$0x0] =	sbarrier.arrive $0xFFFF  }
0x18: {  	[tilespmem:s4], [sflag:$0x3] =	stream.linear.gather [hbm4b:s7+s4], $0x1400, $0x38;
	[tilespmem:$0x1E400] =	vst v63  }
0x19: {  	_ =	swait.ge [sflag:s14], $0x1400  }
0x1a: {  	[sflag:s14] =	ssyncset.done $0x0  }
0x1b: {  	[sflag:s14] =	ssyncadd.s32 $0xFFFFEC00  }
0x1c: {  	[tilespmem:s15], [sflag:$0x3] =	stream.linear.gather [hbm4b:s8+s4], $0x1400, $0x38;
	[tilespmem:$0x1E400] =	vst v63  }
0x1d: {  	_ =	swait.ge [sflag:s14], $0x1400  }
0x1e: {  	[sflag:s14] =	ssyncset.done $0x0  }
0x1f: {  	[sflag:s14] =	ssyncadd.s32 $0xFFFFEC00  }
0x20: {  	[tilespmem:s17], [sflag:$0x1] =	stream.indirect.gather [hbm4b:s1+s16], $0x80, s4, s16, $0xb8;
	[tilespmem:$0x1E400] =	vst v63  }
0x21: {  	_ =	swait.ge [sflag:s18], $0x4000  }
0x22: {  	[sflag:s18] =	ssyncset.done $0x0  }
0x23: {  	s25 =	simm.s32 $0x80;
	[sflag:s18] =	ssyncadd.s32 $0xFFFFC000  }
0x24: {  	[tilespmem:s19], [sflag:$0x2] =	stream.indirect.gather [hbm4b:s1+s16], $0x80, s25, s16, $0xb8;
	[tilespmem:$0x1E400] =	vst v63  }
0x25: {  	s29 =	simm.s32 $0x1400  }
0x26: {  	[spmem:s2] =	stream.indirect.scatter.add.f32 [tilespmem:s17], [sflag:$0x3], $0x80, s29, s16, $0xb8;
	[tilespmem:$0x1E400] =	vst v63  }
0x27: {  	_ =	swait.ge [sflag:s14], $0x4000  }
0x28: {  	[sflag:s14] =	ssyncset.done $0x0  }
0x29: {  	[sflag:s14] =	ssyncadd.s32 $0xFFFFC000  }
0x2a: {  	_ =	swait.ge [sflag:s20], $0x4000  }
0x2b: {  	[sflag:s20] =	ssyncset.done $0x0  }
0x2c: {  	s30 =	simm.s32 $0x100;
	[sflag:s20] =	ssyncadd.s32 $0xFFFFC000  }
0x2d: {  	[tilespmem:s17], [sflag:$0x1] =	stream.indirect.gather [hbm4b:s1+s16], $0x80, s30, s16, $0xb8;
	[tilespmem:$0x1E400] =	vst v63  }
0x2e: {  	s31 =	simm.s32 $0x1480  }
0x2f: {  	[spmem:s2] =	stream.indirect.scatter.add.f32 [tilespmem:s19], [sflag:$0x3], $0x80, s31, s16, $0xb8;
	[tilespmem:$0x1E400] =	vst v63  }
0x30: {  	_ =	swait.ge [sflag:s14], $0x4000  }
0x31: {  	s25 =	simm.s32 $0x400;
	[sflag:s14] =	ssyncset.done $0x0  }
.LBB2_2:
0x32: {  	p0 =	sne.s32 s25, $0x4800  }
0x33: {  	[sflag:s14] =	ssyncadd.s32 $0xFFFFC000;
	s26 =	smov.u32 s25;
	s25 =	sadd.s32 $0x400, s25  }
0x34: {  	_ = 	snop  }
0x35: {  	_ =	swait.ge [sflag:s18], $0x4000  }
0x36: {  	s26 =	sshra.s32 s26, $0x2;
	[sflag:s18] =	ssyncset.done $0x0  }
0x37: {  	s28 =	sadd.s32 $0x80, s26;
	[sflag:s18] =	ssyncadd.s32 $0xFFFFC000  }
0x38: {  	[tilespmem:s19], [sflag:$0x2] =	stream.indirect.gather [hbm4b:s1+s16], $0x80, s28, s16, $0xb8;
	[tilespmem:$0x1E400] =	vst v63  }
0x39: {  	s28 =	sadd.s32 $0x1400, s26  }
0x3a: {  	[spmem:s2] =	stream.indirect.scatter.add.f32 [tilespmem:s17], [sflag:$0x3], $0x80, s28, s16, $0xb8;
	[tilespmem:$0x1E400] =	vst v63  }
0x3b: {  	_ =	swait.ge [sflag:s14], $0x4000  }
0x3c: {  	[sflag:s14] =	ssyncset.done $0x0  }
0x3d: {  	[sflag:s14] =	ssyncadd.s32 $0xFFFFC000  }
0x3e: {  	_ =	swait.ge [sflag:s20], $0x4000  }
0x3f: {  	[sflag:s20] =	ssyncset.done $0x0  }
0x40: {  	s28 =	sadd.s32 $0x100, s26;
	[sflag:s20] =	ssyncadd.s32 $0xFFFFC000  }
0x41: {  	[tilespmem:s17], [sflag:$0x1] =	stream.indirect.gather [hbm4b:s1+s16], $0x80, s28, s16, $0xb8;
	[tilespmem:$0x1E400] =	vst v63  }
.Ltmp0:
0x42: {  	_ = 	snop;
	(pc) =	sbr.rel @p0 .LBB2_2-.Ltmp0, $4  }
0x43: {  	s26 =	sadd.s32 $0x1480, s26  }
0x44: {  	[spmem:s2] =	stream.indirect.scatter.add.f32 [tilespmem:s19], [sflag:$0x3], $0x80, s26, s16, $0xb8;
	[tilespmem:$0x1E400] =	vst v63  }
0x45: {  	_ =	swait.ge [sflag:s14], $0x4000  }
0x46: {  	[sflag:s14] =	ssyncset.done $0x0  }
0x47: {  	[sflag:s14] =	ssyncadd.s32 $0xFFFFC000  }
0x48: {  	_ =	swait.ge [sflag:s18], $0x4000  }
0x49: {  	[sflag:s18] =	ssyncset.done $0x0  }
0x4a: {  	[sflag:s18] =	ssyncadd.s32 $0xFFFFC000  }
0x4b: {  	[tilespmem:s19], [sflag:$0x2] =	stream.indirect.gather [hbm4b:s1+s16], $0x80, s21, s16, $0xb8;
	[tilespmem:$0x1E400] =	vst v63  }
0x4c: {  	_ = 	snop  }
0x4d: {  	[spmem:s2] =	stream.indirect.scatter.add.f32 [tilespmem:s17], [sflag:$0x3], $0x80, s22, s16, $0xb8;
	[tilespmem:$0x1E400] =	vst v63  }
0x4e: {  	_ =	swait.ge [sflag:s14], $0x4000  }
0x4f: {  	[sflag:s14] =	ssyncset.done $0x0  }
0x50: {  	[sflag:s14] =	ssyncadd.s32 $0xFFFFC000  }
0x51: {  	_ =	swait.ge [sflag:s20], $0x4000  }
0x52: {  	[sflag:s20] =	ssyncset.done $0x0  }
0x53: {  	[sflag:s20] =	ssyncadd.s32 $0xFFFFC000  }
0x54: {  	[spmem:s2] =	stream.indirect.scatter.add.f32 [tilespmem:s19], [sflag:$0x3], $0x80, s23, s16, $0xb8;
	[tilespmem:$0x1E400] =	vst v63  }
0x55: {  	_ =	swait.ge [sflag:s14], $0x4000  }
0x56: {  	[sflag:s14] =	ssyncset.done $0x0  }
0x57: {  	s25 =	simm.s32 $0x0;
	[sflag:s14] =	ssyncadd.s32 $0xFFFFC000  }
0x58: {  	[tilespmem:s25], [sflag:$0x3] =	stream.linear.gather [hbm4b:s9+s25], $0x1400, $0x38;
	[tilespmem:$0x1E400] =	vst v63  }
0x59: {  	_ =	swait.ge [sflag:s14], $0x1400  }
0x5a: {  	[sflag:s14] =	ssyncset.done $0x0  }
0x5b: {  	[sflag:s14] =	ssyncadd.s32 $0xFFFFEC00  }
0x5c: {  	[tilespmem:s15], [sflag:$0x3] =	stream.linear.gather [hbm4b:s10+s25], $0x1400, $0x38;
	[tilespmem:$0x1E400] =	vst v63  }
0x5d: {  	_ =	swait.ge [sflag:s14], $0x1400  }
0x5e: {  	[sflag:s14] =	ssyncset.done $0x0  }
0x5f: {  	[sflag:s14] =	ssyncadd.s32 $0xFFFFEC00  }
0x60: {  	[tilespmem:s17], [sflag:$0x1] =	stream.indirect.gather [hbm4b:s1+s16], $0x80, s25, s16, $0xb8;
	[tilespmem:$0x1E400] =	vst v63  }
0x61: {  	_ =	swait.ge [sflag:s18], $0x4000  }
0x62: {  	[sflag:s18] =	ssyncset.done $0x0  }
0x63: {  	s28 =	simm.s32 $0x80;
	[sflag:s18] =	ssyncadd.s32 $0xFFFFC000  }
0x64: {  	[tilespmem:s19], [sflag:$0x2] =	stream.indirect.gather [hbm4b:s1+s16], $0x80, s28, s16, $0xb8;
	[tilespmem:$0x1E400] =	vst v63  }
0x65: {  	s29 =	simm.s32 $0x1400  }
0x66: {  	[spmem:s2] =	stream.indirect.scatter.add.f32 [tilespmem:s17], [sflag:$0x3], $0x80, s29, s16, $0xb8;
	[tilespmem:$0x1E400] =	vst v63  }
0x67: {  	_ =	swait.ge [sflag:s14], $0x4000  }
0x68: {  	[sflag:s14] =	ssyncset.done $0x0  }
0x69: {  	[sflag:s14] =	ssyncadd.s32 $0xFFFFC000  }
0x6a: {  	_ =	swait.ge [sflag:s20], $0x4000  }
0x6b: {  	[sflag:s20] =	ssyncset.done $0x0  }
0x6c: {  	s30 =	simm.s32 $0x100;
	[sflag:s20] =	ssyncadd.s32 $0xFFFFC000  }
0x6d: {  	[tilespmem:s17], [sflag:$0x1] =	stream.indirect.gather [hbm4b:s1+s16], $0x80, s30, s16, $0xb8;
	[tilespmem:$0x1E400] =	vst v63  }
0x6e: {  	s31 =	simm.s32 $0x1480  }
0x6f: {  	[spmem:s2] =	stream.indirect.scatter.add.f32 [tilespmem:s19], [sflag:$0x3], $0x80, s31, s16, $0xb8;
	[tilespmem:$0x1E400] =	vst v63  }
0x70: {  	_ =	swait.ge [sflag:s14], $0x4000  }
0x71: {  	s25 =	simm.s32 $0x400;
	[sflag:s14] =	ssyncset.done $0x0  }
.LBB2_4:
0x72: {  	p0 =	sne.s32 s25, $0x4800  }
0x73: {  	[sflag:s14] =	ssyncadd.s32 $0xFFFFC000;
	s26 =	smov.u32 s25;
	s25 =	sadd.s32 $0x400, s25  }
0x74: {  	_ = 	snop  }
0x75: {  	_ =	swait.ge [sflag:s18], $0x4000  }
0x76: {  	s26 =	sshra.s32 s26, $0x2;
	[sflag:s18] =	ssyncset.done $0x0  }
0x77: {  	s28 =	sadd.s32 $0x80, s26;
	[sflag:s18] =	ssyncadd.s32 $0xFFFFC000  }
0x78: {  	[tilespmem:s19], [sflag:$0x2] =	stream.indirect.gather [hbm4b:s1+s16], $0x80, s28, s16, $0xb8;
	[tilespmem:$0x1E400] =	vst v63  }
0x79: {  	s28 =	sadd.s32 $0x1400, s26  }
0x7a: {  	[spmem:s2] =	stream.indirect.scatter.add.f32 [tilespmem:s17], [sflag:$0x3], $0x80, s28, s16, $0xb8;
	[tilespmem:$0x1E400] =	vst v63  }
0x7b: {  	_ =	swait.ge [sflag:s14], $0x4000  }
0x7c: {  	[sflag:s14] =	ssyncset.done $0x0  }
0x7d: {  	[sflag:s14] =	ssyncadd.s32 $0xFFFFC000  }
0x7e: {  	_ =	swait.ge [sflag:s20], $0x4000  }
0x7f: {  	[sflag:s20] =	ssyncset.done $0x0  }
0x80: {  	s28 =	sadd.s32 $0x100, s26;
	[sflag:s20] =	ssyncadd.s32 $0xFFFFC000  }
0x81: {  	[tilespmem:s17], [sflag:$0x1] =	stream.indirect.gather [hbm4b:s1+s16], $0x80, s28, s16, $0xb8;
	[tilespmem:$0x1E400] =	vst v63  }
.Ltmp1:
0x82: {  	_ = 	snop;
	(pc) =	sbr.rel @p0 .LBB2_4-.Ltmp1, $4  }
0x83: {  	s26 =	sadd.s32 $0x1480, s26  }
0x84: {  	[spmem:s2] =	stream.indirect.scatter.add.f32 [tilespmem:s19], [sflag:$0x3], $0x80, s26, s16, $0xb8;
	[tilespmem:$0x1E400] =	vst v63  }
0x85: {  	_ =	swait.ge [sflag:s14], $0x4000  }
0x86: {  	[sflag:s14] =	ssyncset.done $0x0  }
0x87: {  	[sflag:s14] =	ssyncadd.s32 $0xFFFFC000  }
0x88: {  	_ =	swait.ge [sflag:s18], $0x4000  }
0x89: {  	[sflag:s18] =	ssyncset.done $0x0  }
0x8a: {  	[sflag:s18] =	ssyncadd.s32 $0xFFFFC000  }
0x8b: {  	[tilespmem:s19], [sflag:$0x2] =	stream.indirect.gather [hbm4b:s1+s16], $0x80, s21, s16, $0xb8;
	[tilespmem:$0x1E400] =	vst v63  }
0x8c: {  	_ = 	snop  }
0x8d: {  	[spmem:s2] =	stream.indirect.scatter.add.f32 [tilespmem:s17], [sflag:$0x3], $0x80, s22, s16, $0xb8;
	[tilespmem:$0x1E400] =	vst v63  }
0x8e: {  	_ =	swait.ge [sflag:s14], $0x4000  }
0x8f: {  	[sflag:s14] =	ssyncset.done $0x0  }
0x90: {  	[sflag:s14] =	ssyncadd.s32 $0xFFFFC000  }
0x91: {  	_ =	swait.ge [sflag:s20], $0x4000  }
0x92: {  	[sflag:s20] =	ssyncset.done $0x0  }
0x93: {  	[sflag:s20] =	ssyncadd.s32 $0xFFFFC000  }
0x94: {  	[spmem:s2] =	stream.indirect.scatter.add.f32 [tilespmem:s19], [sflag:$0x3], $0x80, s23, s16, $0xb8;
	[tilespmem:$0x1E400] =	vst v63  }
0x95: {  	_ =	swait.ge [sflag:s14], $0x4000  }
0x96: {  	s24 =	sadd.s32 $0x1, s24;
	[sflag:s14] =	ssyncset.done $0x0  }
0x97: {  	p0 =	sne.s32 s24, s12;
	[sflag:s14] =	ssyncadd.s32 $0xFFFFC000  }
.Ltmp2:
0x98: {  	[bflag:$0x0] =	sbarrier.arrive $0xFFFF;
	(pc) =	sbr.rel @p0 .LBB2_1-.Ltmp2, $4  }
0x99: {  	[hbm:s11], [sflag:s6] =	dma.local [spmem:s13], $0x2780  }
0x9a: {  	_ =	swait.ge [sflag:s14], $0x2780  }
0x9b: {  	[sflag:s14] =	ssyncset.done $0x0  }
0x9c: {  	[sflag:s14] =	ssyncadd.s32 $0xFFFFD880  }
0x9d: {  	_ =	sfence.sel $0x180000  }
0x9e: {  	[bflag:$0x0] =	sbarrier.arrive $0xFFFF  }
0x9f: {  	p0 =	sne.s32 s3, $0x0;
	_ =	strace $0x90000050  }
0xa0: {  	s0 =	sadd.s32 @!p0 $0x100000, s0;
	[bflag:$0x2] =	sbarrier.arrive $0xFFFF  }
0xa1: {  	[sflag:s0] =	ssyncadd.tile.s32 @!p0 $0x1;
	_ =	shalt  }
.Lfunc_end2:
_tile_overlayer_lowered:
.L_overlay_start_2:
0xa2: {  	(tag) =	ssettag $0x2  }
0xa3: {  	s0 =	rddreg [dreg:$0x0];
	s2 =	stileid.u32  }
0xa4: {  	s1 =	rddreg [dreg:$0x1];
	p0 =	sne.s32 s2, $0x0  }
0xa5: {  	s3 =	rddreg [dreg:$0x2];
	[bflag:$0x3] =	sbarrier.arrive $0xFFFF;
	s2 =	simm.s32 @!p0 $0x1C03  }
0xa6: {  	[timem:s3], [sflag:s2] =	dma.local @!p0 [hbm:s0], s1  }
0xa7: {  	s0 =	simm.s32 @!p0 $0x3  }
0xa8: {  	_ =	swait.ge @!p0 [sflag:s0], s1  }
0xa9: {  	s1 =	ssub.s32 @!p0 $0x0, s1;
	[sflag:s0] =	ssyncset.done @!p0 $0x0  }
0xaa: {  	[sflag:s0] =	ssyncadd.s32 @!p0 s1  }
0xab: {  	[bflag:$0x3] =	sbarrier.arrive $0xFFFF  }
0xac: {  	_ =	shalt  }

</sc_bundles>
